<compile_context>
chip_gen: v7x
topology: tpu7x:2x2x1
jax: 0.10.2.dev20260603
libtpu: 0.0.44.dev20260713+nightly
codegen_flags: <defaults>
</compile_context>

<pallas_src>
import functools

import jax
import jax.numpy as jnp
from jax import lax
from jax.experimental import pallas as pl
from jax.experimental.pallas import tpu as pltpu
from jax.experimental.pallas import tpu_sc as plsc

N_NODES = 10000
NPAD = 10240
E_EDGES = 320000
NUM_TILES = 32
CHUNK = 128
C_CHUNKS = 79
E_ROWS = E_EDGES // CHUNK
TAIL_CHUNKS = E_ROWS - 31 * C_CHUNKS
NBUF = 8
LOOKAHEAD = 4
PT = NPAD // 16
D1 = 64
D2 = 16
BR = 1024

_MESH = dict(core_axis_name="c", subcore_axis_name="s")



def _sc_deg(dst_t):

    @functools.partial(
        pl.kernel,
        out_type=jax.ShapeDtypeStruct((2, NPAD), jnp.float32),
        mesh=plsc.VectorSubcoreMesh(**_MESH),
        compiler_params=pltpu.CompilerParams(use_tc_tiling_on_sc=False),
        scratch_types=[
            pltpu.VMEM((C_CHUNKS, CHUNK), jnp.int32),
            pltpu.VMEM((CHUNK,), jnp.float32),
            pltpu.VMEM((PT,), jnp.float32),
            pltpu.VMEM_SHARED((NPAD,), jnp.float32),
            pltpu.SemaphoreType.DMA,
        ],
    )
    def deg_kernel(dst_hbm, out_hbm, didx, ones, zbuf, acc, dsem):
        cid = lax.axis_index("c")
        sid = lax.axis_index("s")
        wid = sid * 2 + cid

        def fill_ones(i, _):
            ones[pl.ds(i * 16, 16)] = jnp.ones((16,), jnp.float32)
            return 0

        lax.fori_loop(0, CHUNK // 16, fill_ones, 0)

        def fill_zero(i, _):
            zbuf[pl.ds(i * 16, 16)] = jnp.zeros((16,), jnp.float32)
            return 0

        lax.fori_loop(0, PT // 16, fill_zero, 0)
        pltpu.sync_copy(zbuf, acc.at[pl.ds(sid * PT, PT)])
        plsc.subcore_barrier()

        nc = jnp.where(wid == NUM_TILES - 1, TAIL_CHUNKS, C_CHUNKS)

        @pl.when(wid < NUM_TILES - 1)
        def _():
            pltpu.sync_copy(dst_hbm.at[pl.ds(C_CHUNKS * wid, C_CHUNKS)], didx)

        @pl.when(wid == NUM_TILES - 1)
        def _():
            pltpu.sync_copy(dst_hbm.at[pl.ds(C_CHUNKS * (NUM_TILES - 1),
                                             TAIL_CHUNKS)],
                            didx.at[pl.ds(0, TAIL_CHUNKS)])

        def wait_one():
            pltpu.make_async_copy(ones, acc.at[didx.at[0]], dsem).wait()

        def body(j, _):
            @pl.when(j >= 8)
            def _():
                wait_one()

            pltpu.async_copy(ones, acc.at[didx.at[j]], dsem, add=True)
            return 0

        lax.fori_loop(0, nc, body, 0)
        for _ in range(8):
            wait_one()
        plsc.subcore_barrier()
        pltpu.sync_copy(acc.at[pl.ds(sid * PT, PT)],
                        out_hbm.at[cid, pl.ds(sid * PT, PT)])

    return deg_kernel(dst_t)


def _sc_scatter(z, src_t, dst_t, d):
    dp = min(d, 32)
    phases = d // dp

    @functools.partial(
        pl.kernel,
        out_type=jax.ShapeDtypeStruct((2, NPAD, 128), jnp.float32),
        mesh=plsc.VectorSubcoreMesh(**_MESH),
        compiler_params=pltpu.CompilerParams(use_tc_tiling_on_sc=False),
        scratch_types=[
            pltpu.VMEM((C_CHUNKS, CHUNK), jnp.int32),
            pltpu.VMEM((C_CHUNKS, CHUNK), jnp.int32),
            pltpu.VMEM((NBUF, CHUNK, dp), jnp.float32),
            pltpu.VMEM((CHUNK, dp), jnp.float32),
            pltpu.VMEM_SHARED((NPAD, dp), jnp.float32),
            pltpu.VMEM_SHARED((NPAD, dp), jnp.float32),
            pltpu.SemaphoreType.DMA,
            pltpu.SemaphoreType.DMA,
        ],
    )
    def scat_kernel(z_hbm, src_hbm, dst_hbm, out_hbm, sidx, didx, rows, zbuf,
                    acc, ztab, gsem, ssem):
        cid = lax.axis_index("c")
        sid = lax.axis_index("s")
        wid = sid * 2 + cid

        vecs_per_row = dp // 16

        def fill_zero(i, _):
            r = i // vecs_per_row
            col = (i % vecs_per_row) * 16
            zbuf[r, pl.ds(col, 16)] = jnp.zeros((16,), jnp.float32)
            return 0

        lax.fori_loop(0, CHUNK * vecs_per_row, fill_zero, 0)

        nc = jnp.where(wid == NUM_TILES - 1, TAIL_CHUNKS, C_CHUNKS)

        @pl.when(wid < NUM_TILES - 1)
        def _():
            row0 = pl.ds(C_CHUNKS * wid, C_CHUNKS)
            pltpu.sync_copy(src_hbm.at[row0], sidx)
            pltpu.sync_copy(dst_hbm.at[row0], didx)

        @pl.when(wid == NUM_TILES - 1)
        def _():
            row0 = pl.ds(C_CHUNKS * (NUM_TILES - 1), TAIL_CHUNKS)
            tsl = pl.ds(0, TAIL_CHUNKS)
            pltpu.sync_copy(src_hbm.at[row0], sidx.at[tsl])
            pltpu.sync_copy(dst_hbm.at[row0], didx.at[tsl])

        zsl = pl.ds(sid * PT, PT)

        def start_gather(j, b):
            pltpu.async_copy(ztab.at[sidx.at[j]], rows.at[b], gsem)

        def wait_gather():
            pltpu.make_async_copy(ztab.at[sidx.at[0]], rows.at[0], gsem).wait()

        def start_scatter(j, b):
            pltpu.async_copy(rows.at[b], acc.at[didx.at[j]], ssem, add=True)

        def wait_scatter():
            pltpu.make_async_copy(rows.at[0], acc.at[didx.at[0]], ssem).wait()

        for p in range(phases):
            csl = pl.ds(p * dp, dp)

            def zero_acc(i, _):
                pltpu.sync_copy(zbuf, acc.at[pl.ds(sid * PT + i * CHUNK, CHUNK)])
                return 0

            lax.fori_loop(0, PT // CHUNK, zero_acc, 0)
            pltpu.sync_copy(z_hbm.at[zsl, csl], ztab.at[zsl])
            plsc.subcore_barrier()

            for b in range(LOOKAHEAD):
                start_gather(b, b)

            def body(j, _):
                @pl.when(j >= LOOKAHEAD)
                def _():
                    wait_scatter()

                @pl.when(j + LOOKAHEAD < nc)
                def _():
                    start_gather(j + LOOKAHEAD, lax.rem(j + LOOKAHEAD, NBUF))

                wait_gather()
                start_scatter(j, lax.rem(j, NBUF))
                return 0

            lax.fori_loop(0, nc, body, 0)
            for _ in range(LOOKAHEAD):
                wait_scatter()
            plsc.subcore_barrier()

            def writeback(i, _):
                sl = pl.ds(sid * PT + i * CHUNK, CHUNK)
                pltpu.sync_copy(acc.at[sl], out_hbm.at[cid, sl, csl])
                return 0

            lax.fori_loop(0, PT // CHUNK, writeback, 0)
            if p + 1 < phases:
                plsc.subcore_barrier()

    return scat_kernel(z, src_t, dst_t)



def _dinv_block(degp_ref):
    deg = degp_ref[0, :] + degp_ref[1, :] + 1.0
    return lax.rsqrt(deg)


def _tc1_body(x_ref, w_ref, degp_ref, z_ref):
    dinv = _dinv_block(degp_ref)
    xw = jnp.dot(x_ref[...], w_ref[...], preferred_element_type=jnp.float32)
    z = xw * dinv[:, None]
    z_ref[...] = jnp.concatenate(
        [z, jnp.zeros((z.shape[0], 128 - D1), jnp.float32)], axis=1)


def _tc2_body(s1_ref, z1_ref, degp_ref, b1_ref, w2_ref, z2_ref):
    dinv = _dinv_block(degp_ref)
    s = s1_ref[0, :, :D1] + s1_ref[1, :, :D1] + z1_ref[:, :D1]
    h = jnp.maximum(s * dinv[:, None] + b1_ref[...], 0.0)
    z2 = jnp.dot(h, w2_ref[...],
                 preferred_element_type=jnp.float32) * dinv[:, None]
    z2_ref[...] = jnp.concatenate(
        [z2, jnp.zeros((z2.shape[0], 128 - D2), jnp.float32)], axis=1)


def _tc3_body(s2_ref, z2_ref, degp_ref, b2_ref, o_ref):
    dinv = _dinv_block(degp_ref)
    o = (s2_ref[0, :, :D2] + s2_ref[1, :, :D2]
         + z2_ref[:, :D2]) * dinv[:, None] + b2_ref[...]
    o_ref[...] = o[:, :2]


def _tc1(x, w1, degp):
    return pl.pallas_call(
        _tc1_body,
        grid=(NPAD // BR,),
        in_specs=[
            pl.BlockSpec((BR, 128), lambda i: (i, 0)),
            pl.BlockSpec((128, D1), lambda i: (0, 0)),
            pl.BlockSpec((2, BR), lambda i: (0, i)),
        ],
        out_specs=pl.BlockSpec((BR, 128), lambda i: (i, 0)),
        out_shape=jax.ShapeDtypeStruct((NPAD, 128), jnp.float32),
    )(x, w1, degp)


def _tc2(s1, z1, degp, b1, w2p):
    return pl.pallas_call(
        _tc2_body,
        grid=(NPAD // BR,),
        in_specs=[
            pl.BlockSpec((2, BR, 128), lambda i: (0, i, 0)),
            pl.BlockSpec((BR, 128), lambda i: (i, 0)),
            pl.BlockSpec((2, BR), lambda i: (0, i)),
            pl.BlockSpec((1, D1), lambda i: (0, 0)),
            pl.BlockSpec((D1, D2), lambda i: (0, 0)),
        ],
        out_specs=pl.BlockSpec((BR, 128), lambda i: (i, 0)),
        out_shape=jax.ShapeDtypeStruct((NPAD, 128), jnp.float32),
    )(s1, z1, degp, b1, w2p)


def _tc3(s2, z2, degp, b2p):
    return pl.pallas_call(
        _tc3_body,
        grid=(NPAD // BR,),
        in_specs=[
            pl.BlockSpec((2, BR, 128), lambda i: (0, i, 0)),
            pl.BlockSpec((BR, 128), lambda i: (i, 0)),
            pl.BlockSpec((2, BR), lambda i: (0, i)),
            pl.BlockSpec((1, D2), lambda i: (0, 0)),
        ],
        out_specs=pl.BlockSpec((BR, 2), lambda i: (i, 0)),
        out_shape=jax.ShapeDtypeStruct((N_NODES, 2), jnp.float32),
    )(s2, z2, degp, b2p)



def kernel(x, edge_index, W1, b1, W2, b2):
    src_t = edge_index[0].reshape(E_ROWS, CHUNK)
    dst_t = edge_index[1].reshape(E_ROWS, CHUNK)

    degp = _sc_deg(dst_t)
    z1 = _tc1(x, W1, degp)
    s1 = _sc_scatter(z1, src_t, dst_t, D1)
    w2p = jnp.pad(W2, ((0, 0), (0, D2 - W2.shape[1])))
    z2 = _tc2(s1, z1, degp, b1.reshape(1, D1), w2p)
    s2 = _sc_scatter(z2, src_t, dst_t, D2)
    b2p = jnp.pad(b2, (0, D2 - b2.shape[0])).reshape(1, D2)
    return _tc3(s2, z2, degp, b2p)

# --- scband reference (transcript-rebuilt; emitter-appended) ---
"""Pipeline reference for scband-gnnsurrogate-11295763988987 (READ-ONLY COPY).

The authoritative reference and input builder live on the scoring server;
editing this copy changes nothing except your own understanding.
"""

import jax, jax.numpy as jnp
import numpy as np

N = 10000
E = 320000
IN_DIM = 128
HIDDEN = 64
OUT_DIM = 2


def setup_inputs(seed: int = 0) -> dict:
    key = jax.random.key(seed)
    k1, k2, k3, k4, k5, k6 = jax.random.split(key, 6)
    x = jax.random.normal(k1, (N, IN_DIM), dtype=jnp.float32)
    edge_index = jax.random.randint(k2, (2, E), 0, N, dtype=jnp.int32)
    W1 = jax.random.normal(k3, (IN_DIM, HIDDEN), dtype=jnp.float32) * (1.0 / np.sqrt(IN_DIM))
    b1 = jnp.zeros((HIDDEN,), dtype=jnp.float32)
    W2 = jax.random.normal(k4, (HIDDEN, OUT_DIM), dtype=jnp.float32) * (1.0 / np.sqrt(HIDDEN))
    b2 = jnp.zeros((OUT_DIM,), dtype=jnp.float32)
    return {"x": x, "edge_index": edge_index, "W1": W1, "b1": b1, "W2": W2, "b2": b2}


def gcn_conv(x, edge_index, W, b):
    # PyG GCNConv: add self-loops, symmetric normalization, linear transform, scatter-add aggregation.
    n = x.shape[0]
    src = edge_index[0]
    dst = edge_index[1]
    loop = jnp.arange(n, dtype=src.dtype)
    src = jnp.concatenate([src, loop])
    dst = jnp.concatenate([dst, loop])
    xw = x @ W
    deg = jnp.zeros((n,), dtype=x.dtype).at[dst].add(1.0)
    dinv = jnp.where(deg > 0, deg ** -0.5, 0.0)
    norm = dinv[src] * dinv[dst]
    msg = xw[src] * norm[:, None]
    out = jnp.zeros((n, W.shape[1]), dtype=x.dtype).at[dst].add(msg)
    return out + b


def reference(x, edge_index, W1, b1, W2, b2):
    h = gcn_conv(x, edge_index, W1, b1)
    h = jax.nn.relu(h)
    out = gcn_conv(h, edge_index, W2, b2)
    return out

if __name__ == "__main__":
    import jax
    _d = setup_inputs()
    print(jax.jit(kernel)(*tuple(_d.values())))

</pallas_src>

<mosaic_0001>
#map = affine_map<(d0, d1) -> (0, 0)>
module attributes {stable_mosaic.version = 14 : i64} {
  func.func @deg_kernel(%arg0: i32, %arg1: i32, %arg2: memref<2500x128xi32, #tpu.memory_space<hbm>>, %arg3: memref<2x10240xf32, #tpu.memory_space<hbm>>, %arg4: memref<79x128xi32, #tpu.memory_space<vmem>>, %arg5: memref<128xf32, #tpu.memory_space<vmem>>, %arg6: memref<640xf32, #tpu.memory_space<vmem>>, %arg7: memref<10240xf32, #tpu.memory_space<vmem_shared>>, %arg8: memref<!tpu.dma_semaphore, #tpu.memory_space<semaphore_mem>>) attributes {dimension_semantics = [#tpu.dimension_semantics<core_parallel>, #tpu.dimension_semantics<subcore_parallel>], iteration_bounds = array<i64: 2, 16>, scalar_prefetch = 0 : i64, scratch_operands = 5 : i64, tpu.core_type = #tpu.core_type<sc_vector_subcore>, window_params = [{transform_indices = #map}, {transform_indices = #map}]} {
    %mul3A = arith.constant 2 : i32
    %mul3A_0 = arith.muli %arg1, %mul3A : i32
    %add3A = arith.addi %mul3A_0, %arg0 : i32
    %scan3A = arith.constant 0 : i32
    %scan3A_1 = arith.constant 0 : i32
    %scan3A_2 = arith.constant 8 : i32
    %scan3A_3 = arith.addi %scan3A_1, %scan3A_2 : i32
    %scan3A_4 = arith.constant 1 : i32
    %scan3A_5 = scf.for %scan3A_88 = %scan3A_1 to %scan3A_3 step %scan3A_4 iter_args(%scan3A_89 = %scan3A) -> (i32)  : i32 {
      %broadcast_in_dim3A = arith.constant 1.000000e+00 : f32
      %broadcast_in_dim3A_90 = vector.broadcast %broadcast_in_dim3A : f32 to vector<16xf32>
      %mul3A_91 = arith.constant 16 : i32
      %mul3A_92 = arith.muli %scan3A_88, %mul3A_91 : i32
      %swap3A = arith.index_cast %mul3A_92 : i32 to index
      %swap3A_93 = tpu.vector_load %arg5[%swap3A] {strides = array<i32>} : memref<128xf32, #tpu.memory_space<vmem>>, vector<16xf32>,
      %swap3A_94 = vector.shape_cast %swap3A_93 : vector<16xf32> to vector<16xf32>
      %swap3A_95 = vector.shape_cast %broadcast_in_dim3A_90 : vector<16xf32> to vector<16xf32>
      tpu.vector_store %arg5[%swap3A], %swap3A_95 {strides = array<i32>} : memref<128xf32, #tpu.memory_space<vmem>>, vector<16xf32>,
      %scan3A_96 = arith.constant 0 : i32
      scf.yield %scan3A_96 : i32
    }
    %scan3A_6 = arith.constant 8 : i32
    %scan3A_7 = arith.constant 0 : i32
    %scan3A_8 = arith.constant 0 : i32
    %scan3A_9 = arith.constant 40 : i32
    %scan3A_10 = arith.addi %scan3A_8, %scan3A_9 : i32
    %scan3A_11 = arith.constant 1 : i32
    %scan3A_12 = scf.for %scan3A_88 = %scan3A_8 to %scan3A_10 step %scan3A_11 iter_args(%scan3A_89 = %scan3A_7) -> (i32)  : i32 {
      %broadcast_in_dim3A = arith.constant 0.000000e+00 : f32
      %broadcast_in_dim3A_90 = vector.broadcast %broadcast_in_dim3A : f32 to vector<16xf32>
      %mul3A_91 = arith.constant 16 : i32
      %mul3A_92 = arith.muli %scan3A_88, %mul3A_91 : i32
      %swap3A = arith.index_cast %mul3A_92 : i32 to index
      %swap3A_93 = tpu.vector_load %arg6[%swap3A] {strides = array<i32>} : memref<640xf32, #tpu.memory_space<vmem>>, vector<16xf32>,
      %swap3A_94 = vector.shape_cast %swap3A_93 : vector<16xf32> to vector<16xf32>
      %swap3A_95 = vector.shape_cast %broadcast_in_dim3A_90 : vector<16xf32> to vector<16xf32>
      tpu.vector_store %arg6[%swap3A], %swap3A_95 {strides = array<i32>} : memref<640xf32, #tpu.memory_space<vmem>>, vector<16xf32>,
      %scan3A_96 = arith.constant 0 : i32
      scf.yield %scan3A_96 : i32
    }
    %scan3A_13 = arith.constant 40 : i32
    %mul3A_14 = arith.constant 640 : i32
    %mul3A_15 = arith.muli %arg1, %mul3A_14 : i32
    "tpu.region"() ({
      %run_scoped3A = tpu.sem_alloc : memref<!tpu.dma_semaphore, #tpu.memory_space<semaphore_mem>>
      %dma_start3A = tpu.memref_slice %arg7[%mul3A_15] : memref<10240xf32, #tpu.memory_space<vmem_shared>> -> memref<640xf32, #tpu.memory_space<vmem_shared>>
      %dma_start3A_88 = tpu.memref_slice %arg7[%mul3A_15] : memref<10240xf32, #tpu.memory_space<vmem_shared>> -> memref<640xf32, #tpu.memory_space<vmem_shared>>
      tpu.enqueue_dma source(%arg6 : memref<640xf32, #tpu.memory_space<vmem>>) target(%dma_start3A_88 : memref<640xf32, #tpu.memory_space<vmem_shared>>) target_semaphore(%run_scoped3A : memref<!tpu.dma_semaphore, #tpu.memory_space<semaphore_mem>>)
      %dma_wait3A_89 = tpu.memref_slice %arg7[%mul3A_15] : memref<10240xf32, #tpu.memory_space<vmem_shared>> -> memref<640xf32, #tpu.memory_space<vmem_shared>>
      %dma_wait3A_90 = tpu.memref_slice %arg7[%mul3A_15] : memref<10240xf32, #tpu.memory_space<vmem_shared>> -> memref<640xf32, #tpu.memory_space<vmem_shared>>
      tpu.wait_dma2 semaphore(%run_scoped3A : memref<!tpu.dma_semaphore, #tpu.memory_space<semaphore_mem>>) src(%arg6 : memref<640xf32, #tpu.memory_space<vmem>>) dst(%dma_wait3A_90 : memref<640xf32, #tpu.memory_space<vmem_shared>>)
      tpu.yield
    }) : () -> ()
    %barrier3A = arith.constant 0 : index
    tpu.barrier barrier_id(%barrier3A)
    %eq3A = arith.constant 31 : i32
    %eq3A_16 = arith.cmpi eq, %add3A, %eq3A : i32
    %jit3A = arith.constant 51 : i32
    %jit3A_17 = arith.constant 79 : i32
    %select_n3A = arith.select %eq3A_16, %jit3A, %jit3A_17 : i32
    %lt3A = arith.constant 31 : i32
    %lt3A_18 = arith.cmpi slt, %add3A, %lt3A : i32
    %convert_element_type3A = arith.extui %lt3A_18 : i1 to i32
    %cond3A = arith.constant 0 : i32
    %cond3A_19 = arith.cmpi ne, %convert_element_type3A, %cond3A : i32
    scf.if %cond3A_19 {
      %mul3A_88 = arith.constant 79 : i32
      %mul3A_89 = arith.muli %mul3A_88, %add3A : i32
      "tpu.region"() ({
        %run_scoped3A = tpu.sem_alloc : memref<!tpu.dma_semaphore, #tpu.memory_space<semaphore_mem>>
        %dma_start3A = arith.constant 0 : i32
        %dma_start3A_90 = tpu.memref_slice %arg2[%mul3A_89, %dma_start3A] : memref<2500x128xi32, #tpu.memory_space<hbm>> -> memref<79x128xi32, #tpu.memory_space<hbm>>
        %dma_start3A_91 = arith.constant 0 : i32
        %dma_start3A_92 = tpu.memref_slice %arg2[%mul3A_89, %dma_start3A_91] : memref<2500x128xi32, #tpu.memory_space<hbm>> -> memref<79x128xi32, #tpu.memory_space<hbm>>
        tpu.enqueue_dma source(%dma_start3A_92 : memref<79x128xi32, #tpu.memory_space<hbm>>) target(%arg4 : memref<79x128xi32, #tpu.memory_space<vmem>>) target_semaphore(%run_scoped3A : memref<!tpu.dma_semaphore, #tpu.memory_space<semaphore_mem>>)
        %dma_wait3A_93 = arith.constant 0 : i32
        %dma_wait3A_94 = tpu.memref_slice %arg2[%mul3A_89, %dma_wait3A_93] : memref<2500x128xi32, #tpu.memory_space<hbm>> -> memref<79x128xi32, #tpu.memory_space<hbm>>
        %dma_wait3A_95 = arith.constant 0 : i32
        %dma_wait3A_96 = tpu.memref_slice %arg2[%mul3A_89, %dma_wait3A_95] : memref<2500x128xi32, #tpu.memory_space<hbm>> -> memref<79x128xi32, #tpu.memory_space<hbm>>
        tpu.wait_dma2 semaphore(%run_scoped3A : memref<!tpu.dma_semaphore, #tpu.memory_space<semaphore_mem>>) src(%dma_wait3A_96 : memref<79x128xi32, #tpu.memory_space<hbm>>) dst(%arg4 : memref<79x128xi32, #tpu.memory_space<vmem>>)
        tpu.yield
      }) : () -> ()
    } else {
    }
    %eq3A_20 = arith.constant 31 : i32
    %eq3A_21 = arith.cmpi eq, %add3A, %eq3A_20 : i32
    %convert_element_type3A_22 = arith.extui %eq3A_21 : i1 to i32
    %cond3A_23 = arith.constant 0 : i32
    %cond3A_24 = arith.cmpi ne, %convert_element_type3A_22, %cond3A_23 : i32
    scf.if %cond3A_24 {
      "tpu.region"() ({
        %run_scoped3A = tpu.sem_alloc : memref<!tpu.dma_semaphore, #tpu.memory_space<semaphore_mem>>
        %dma_start3A = arith.constant 0 : i32
        %dma_start3A_88 = arith.constant 0 : i32
        %dma_start3A_89 = tpu.memref_slice %arg4[%dma_start3A, %dma_start3A_88] : memref<79x128xi32, #tpu.memory_space<vmem>> -> memref<51x128xi32, #tpu.memory_space<vmem>>
        %dma_start3A_90 = arith.constant 2449 : i32
        %dma_start3A_91 = arith.constant 0 : i32
        %dma_start3A_92 = tpu.memref_slice %arg2[%dma_start3A_90, %dma_start3A_91] : memref<2500x128xi32, #tpu.memory_space<hbm>> -> memref<51x128xi32, #tpu.memory_space<hbm>>
        %dma_start3A_93 = arith.constant 0 : i32
        %dma_start3A_94 = arith.constant 0 : i32
        %dma_start3A_95 = tpu.memref_slice %arg4[%dma_start3A_93, %dma_start3A_94] : memref<79x128xi32, #tpu.memory_space<vmem>> -> memref<51x128xi32, #tpu.memory_space<vmem>>
        %dma_start3A_96 = arith.constant 2449 : i32
        %dma_start3A_97 = arith.constant 0 : i32
        %dma_start3A_98 = tpu.memref_slice %arg2[%dma_start3A_96, %dma_start3A_97] : memref<2500x128xi32, #tpu.memory_space<hbm>> -> memref<51x128xi32, #tpu.memory_space<hbm>>
        tpu.enqueue_dma source(%dma_start3A_98 : memref<51x128xi32, #tpu.memory_space<hbm>>) target(%dma_start3A_95 : memref<51x128xi32, #tpu.memory_space<vmem>>) target_semaphore(%run_scoped3A : memref<!tpu.dma_semaphore, #tpu.memory_space<semaphore_mem>>)
        %dma_wait3A_99 = arith.constant 0 : i32
        %dma_wait3A_100 = arith.constant 0 : i32
        %dma_wait3A_101 = tpu.memref_slice %arg4[%dma_wait3A_99, %dma_wait3A_100] : memref<79x128xi32, #tpu.memory_space<vmem>> -> memref<51x128xi32, #tpu.memory_space<vmem>>
        %dma_wait3A_102 = arith.constant 2449 : i32
        %dma_wait3A_103 = arith.constant 0 : i32
        %dma_wait3A_104 = tpu.memref_slice %arg2[%dma_wait3A_102, %dma_wait3A_103] : memref<2500x128xi32, #tpu.memory_space<hbm>> -> memref<51x128xi32, #tpu.memory_space<hbm>>
        %dma_wait3A_105 = arith.constant 0 : i32
        %dma_wait3A_106 = arith.constant 0 : i32
        %dma_wait3A_107 = tpu.memref_slice %arg4[%dma_wait3A_105, %dma_wait3A_106] : memref<79x128xi32, #tpu.memory_space<vmem>> -> memref<51x128xi32, #tpu.memory_space<vmem>>
        %dma_wait3A_108 = arith.constant 2449 : i32
        %dma_wait3A_109 = arith.constant 0 : i32
        %dma_wait3A_110 = tpu.memref_slice %arg2[%dma_wait3A_108, %dma_wait3A_109] : memref<2500x128xi32, #tpu.memory_space<hbm>> -> memref<51x128xi32, #tpu.memory_space<hbm>>
        tpu.wait_dma2 semaphore(%run_scoped3A : memref<!tpu.dma_semaphore, #tpu.memory_space<semaphore_mem>>) src(%dma_wait3A_110 : memref<51x128xi32, #tpu.memory_space<hbm>>) dst(%dma_wait3A_107 : memref<51x128xi32, #tpu.memory_space<vmem>>)
        tpu.yield
      }) : () -> ()
    } else {
    }
    %while3A = arith.constant 0 : i32
    %while3A_25 = arith.constant 0 : i32
    %while3A_26 = arith.subi %select_n3A, %while3A : i32
    %while3A_27 = arith.addi %while3A, %while3A_26 : i32
    %while3A_28 = arith.constant 1 : i32
    %while3A_29 = arith.divsi %while3A_26, %while3A_28 : i32
    %while3A_30 = arith.muli %while3A_29, %while3A_28 : i32
    %while3A_31 = arith.addi %while3A, %while3A_30 : i32
    %while3A_32 = arith.constant 1 : i32
    %while3A_33 = scf.for %while3A_88 = %while3A to %while3A_31 step %while3A_32 iter_args(%while3A_89 = %while3A_25) -> (i32)  : i32 {
      %ge3A = arith.constant 8 : i32
      %ge3A_90 = arith.cmpi sge, %while3A_88, %ge3A : i32
      %convert_element_type3A_91 = arith.extui %ge3A_90 : i1 to i32
      %cond3A_92 = arith.constant 0 : i32
      %cond3A_93 = arith.cmpi ne, %convert_element_type3A_91, %cond3A_92 : i32
      scf.if %cond3A_93 {
        %dma_wait3A_99 = arith.constant 0 : i32
        %dma_wait3A_100 = arith.constant 0 : i32
        %dma_wait3A_101 = tpu.memref_slice %arg4[%dma_wait3A_99, %dma_wait3A_100] : memref<79x128xi32, #tpu.memory_space<vmem>> -> memref<1x128xi32, #tpu.memory_space<vmem>>
        %dma_wait3A_102 = tpu.memref_squeeze %dma_wait3A_101 : memref<1x128xi32, #tpu.memory_space<vmem>> -> memref<128xi32, #tpu.memory_space<vmem>>
        %dma_wait3A_103 = arith.constant 0 : i32
        %dma_wait3A_104 = tpu.memref_slice %arg7[%dma_wait3A_103] : memref<10240xf32, #tpu.memory_space<vmem_shared>> -> memref<10240xf32, #tpu.memory_space<vmem_shared>>
        tpu.wait_indirect_dma semaphore(%arg8 : memref<!tpu.dma_semaphore, #tpu.memory_space<semaphore_mem>>) src(%arg5 : memref<128xf32, #tpu.memory_space<vmem>>) dst(%dma_wait3A_104 : memref<10240xf32, #tpu.memory_space<vmem_shared>>)
      } else {
      }
      %dma_start3A = arith.constant 0 : i32
      %dma_start3A_94 = tpu.memref_slice %arg4[%while3A_88, %dma_start3A] : memref<79x128xi32, #tpu.memory_space<vmem>> -> memref<1x128xi32, #tpu.memory_space<vmem>>
      %dma_start3A_95 = tpu.memref_squeeze %dma_start3A_94 : memref<1x128xi32, #tpu.memory_space<vmem>> -> memref<128xi32, #tpu.memory_space<vmem>>
      %dma_start3A_96 = arith.constant 0 : i32
      %dma_start3A_97 = tpu.memref_slice %arg7[%dma_start3A_96] : memref<10240xf32, #tpu.memory_space<vmem_shared>> -> memref<10240xf32, #tpu.memory_space<vmem_shared>>
      tpu.enqueue_indirect_dma source(%arg5 : memref<128xf32, #tpu.memory_space<vmem>>) target(%dma_start3A_97 : memref<10240xf32, #tpu.memory_space<vmem_shared>>) offsets(%dma_start3A_95 : memref<128xi32, #tpu.memory_space<vmem>>) semaphore(%arg8 : memref<!tpu.dma_semaphore, #tpu.memory_space<semaphore_mem>>) {add = true}
      %while3A_98 = arith.constant 0 : i32
      scf.yield %while3A_98 : i32
    }
    %while3A_34 = arith.constant 1 : i32
    %while3A_35 = scf.for %while3A_88 = %while3A_31 to %while3A_27 step %while3A_34 iter_args(%while3A_89 = %while3A_33) -> (i32)  : i32 {
      %ge3A = arith.constant 8 : i32
      %ge3A_90 = arith.cmpi sge, %while3A_88, %ge3A : i32
      %convert_element_type3A_91 = arith.extui %ge3A_90 : i1 to i32
      %cond3A_92 = arith.constant 0 : i32
      %cond3A_93 = arith.cmpi ne, %convert_element_type3A_91, %cond3A_92 : i32
      scf.if %cond3A_93 {
        %dma_wait3A_99 = arith.constant 0 : i32
        %dma_wait3A_100 = arith.constant 0 : i32
        %dma_wait3A_101 = tpu.memref_slice %arg4[%dma_wait3A_99, %dma_wait3A_100] : memref<79x128xi32, #tpu.memory_space<vmem>> -> memref<1x128xi32, #tpu.memory_space<vmem>>
        %dma_wait3A_102 = tpu.memref_squeeze %dma_wait3A_101 : memref<1x128xi32, #tpu.memory_space<vmem>> -> memref<128xi32, #tpu.memory_space<vmem>>
        %dma_wait3A_103 = arith.constant 0 : i32
        %dma_wait3A_104 = tpu.memref_slice %arg7[%dma_wait3A_103] : memref<10240xf32, #tpu.memory_space<vmem_shared>> -> memref<10240xf32, #tpu.memory_space<vmem_shared>>
        tpu.wait_indirect_dma semaphore(%arg8 : memref<!tpu.dma_semaphore, #tpu.memory_space<semaphore_mem>>) src(%arg5 : memref<128xf32, #tpu.memory_space<vmem>>) dst(%dma_wait3A_104 : memref<10240xf32, #tpu.memory_space<vmem_shared>>)
      } else {
      }
      %dma_start3A = arith.constant 0 : i32
      %dma_start3A_94 = tpu.memref_slice %arg4[%while3A_88, %dma_start3A] : memref<79x128xi32, #tpu.memory_space<vmem>> -> memref<1x128xi32, #tpu.memory_space<vmem>>
      %dma_start3A_95 = tpu.memref_squeeze %dma_start3A_94 : memref<1x128xi32, #tpu.memory_space<vmem>> -> memref<128xi32, #tpu.memory_space<vmem>>
      %dma_start3A_96 = arith.constant 0 : i32
      %dma_start3A_97 = tpu.memref_slice %arg7[%dma_start3A_96] : memref<10240xf32, #tpu.memory_space<vmem_shared>> -> memref<10240xf32, #tpu.memory_space<vmem_shared>>
      tpu.enqueue_indirect_dma source(%arg5 : memref<128xf32, #tpu.memory_space<vmem>>) target(%dma_start3A_97 : memref<10240xf32, #tpu.memory_space<vmem_shared>>) offsets(%dma_start3A_95 : memref<128xi32, #tpu.memory_space<vmem>>) semaphore(%arg8 : memref<!tpu.dma_semaphore, #tpu.memory_space<semaphore_mem>>) {add = true}
      %while3A_98 = arith.constant 0 : i32
      scf.yield %while3A_98 : i32
    }
    %dma_wait3A = arith.constant 0 : i32
    %dma_wait3A_36 = arith.constant 0 : i32
    %dma_wait3A_37 = tpu.memref_slice %arg4[%dma_wait3A, %dma_wait3A_36] : memref<79x128xi32, #tpu.memory_space<vmem>> -> memref<1x128xi32, #tpu.memory_space<vmem>>
    %dma_wait3A_38 = tpu.memref_squeeze %dma_wait3A_37 : memref<1x128xi32, #tpu.memory_space<vmem>> -> memref<128xi32, #tpu.memory_space<vmem>>
    %dma_wait3A_39 = arith.constant 0 : i32
    %dma_wait3A_40 = tpu.memref_slice %arg7[%dma_wait3A_39] : memref<10240xf32, #tpu.memory_space<vmem_shared>> -> memref<10240xf32, #tpu.memory_space<vmem_shared>>
    tpu.wait_indirect_dma semaphore(%arg8 : memref<!tpu.dma_semaphore, #tpu.memory_space<semaphore_mem>>) src(%arg5 : memref<128xf32, #tpu.memory_space<vmem>>) dst(%dma_wait3A_40 : memref<10240xf32, #tpu.memory_space<vmem_shared>>)
    %dma_wait3A_41 = arith.constant 0 : i32
    %dma_wait3A_42 = arith.constant 0 : i32
    %dma_wait3A_43 = tpu.memref_slice %arg4[%dma_wait3A_41, %dma_wait3A_42] : memref<79x128xi32, #tpu.memory_space<vmem>> -> memref<1x128xi32, #tpu.memory_space<vmem>>
    %dma_wait3A_44 = tpu.memref_squeeze %dma_wait3A_43 : memref<1x128xi32, #tpu.memory_space<vmem>> -> memref<128xi32, #tpu.memory_space<vmem>>
    %dma_wait3A_45 = arith.constant 0 : i32
    %dma_wait3A_46 = tpu.memref_slice %arg7[%dma_wait3A_45] : memref<10240xf32, #tpu.memory_space<vmem_shared>> -> memref<10240xf32, #tpu.memory_space<vmem_shared>>
    tpu.wait_indirect_dma semaphore(%arg8 : memref<!tpu.dma_semaphore, #tpu.memory_space<semaphore_mem>>) src(%arg5 : memref<128xf32, #tpu.memory_space<vmem>>) dst(%dma_wait3A_46 : memref<10240xf32, #tpu.memory_space<vmem_shared>>)
    %dma_wait3A_47 = arith.constant 0 : i32
    %dma_wait3A_48 = arith.constant 0 : i32
    %dma_wait3A_49 = tpu.memref_slice %arg4[%dma_wait3A_47, %dma_wait3A_48] : memref<79x128xi32, #tpu.memory_space<vmem>> -> memref<1x128xi32, #tpu.memory_space<vmem>>
    %dma_wait3A_50 = tpu.memref_squeeze %dma_wait3A_49 : memref<1x128xi32, #tpu.memory_space<vmem>> -> memref<128xi32, #tpu.memory_space<vmem>>
    %dma_wait3A_51 = arith.constant 0 : i32
    %dma_wait3A_52 = tpu.memref_slice %arg7[%dma_wait3A_51] : memref<10240xf32, #tpu.memory_space<vmem_shared>> -> memref<10240xf32, #tpu.memory_space<vmem_shared>>
    tpu.wait_indirect_dma semaphore(%arg8 : memref<!tpu.dma_semaphore, #tpu.memory_space<semaphore_mem>>) src(%arg5 : memref<128xf32, #tpu.memory_space<vmem>>) dst(%dma_wait3A_52 : memref<10240xf32, #tpu.memory_space<vmem_shared>>)
    %dma_wait3A_53 = arith.constant 0 : i32
    %dma_wait3A_54 = arith.constant 0 : i32
    %dma_wait3A_55 = tpu.memref_slice %arg4[%dma_wait3A_53, %dma_wait3A_54] : memref<79x128xi32, #tpu.memory_space<vmem>> -> memref<1x128xi32, #tpu.memory_space<vmem>>
    %dma_wait3A_56 = tpu.memref_squeeze %dma_wait3A_55 : memref<1x128xi32, #tpu.memory_space<vmem>> -> memref<128xi32, #tpu.memory_space<vmem>>
    %dma_wait3A_57 = arith.constant 0 : i32
    %dma_wait3A_58 = tpu.memref_slice %arg7[%dma_wait3A_57] : memref<10240xf32, #tpu.memory_space<vmem_shared>> -> memref<10240xf32, #tpu.memory_space<vmem_shared>>
    tpu.wait_indirect_dma semaphore(%arg8 : memref<!tpu.dma_semaphore, #tpu.memory_space<semaphore_mem>>) src(%arg5 : memref<128xf32, #tpu.memory_space<vmem>>) dst(%dma_wait3A_58 : memref<10240xf32, #tpu.memory_space<vmem_shared>>)
    %dma_wait3A_59 = arith.constant 0 : i32
    %dma_wait3A_60 = arith.constant 0 : i32
    %dma_wait3A_61 = tpu.memref_slice %arg4[%dma_wait3A_59, %dma_wait3A_60] : memref<79x128xi32, #tpu.memory_space<vmem>> -> memref<1x128xi32, #tpu.memory_space<vmem>>
    %dma_wait3A_62 = tpu.memref_squeeze %dma_wait3A_61 : memref<1x128xi32, #tpu.memory_space<vmem>> -> memref<128xi32, #tpu.memory_space<vmem>>
    %dma_wait3A_63 = arith.constant 0 : i32
    %dma_wait3A_64 = tpu.memref_slice %arg7[%dma_wait3A_63] : memref<10240xf32, #tpu.memory_space<vmem_shared>> -> memref<10240xf32, #tpu.memory_space<vmem_shared>>
    tpu.wait_indirect_dma semaphore(%arg8 : memref<!tpu.dma_semaphore, #tpu.memory_space<semaphore_mem>>) src(%arg5 : memref<128xf32, #tpu.memory_space<vmem>>) dst(%dma_wait3A_64 : memref<10240xf32, #tpu.memory_space<vmem_shared>>)
    %dma_wait3A_65 = arith.constant 0 : i32
    %dma_wait3A_66 = arith.constant 0 : i32
    %dma_wait3A_67 = tpu.memref_slice %arg4[%dma_wait3A_65, %dma_wait3A_66] : memref<79x128xi32, #tpu.memory_space<vmem>> -> memref<1x128xi32, #tpu.memory_space<vmem>>
    %dma_wait3A_68 = tpu.memref_squeeze %dma_wait3A_67 : memref<1x128xi32, #tpu.memory_space<vmem>> -> memref<128xi32, #tpu.memory_space<vmem>>
    %dma_wait3A_69 = arith.constant 0 : i32
    %dma_wait3A_70 = tpu.memref_slice %arg7[%dma_wait3A_69] : memref<10240xf32, #tpu.memory_space<vmem_shared>> -> memref<10240xf32, #tpu.memory_space<vmem_shared>>
    tpu.wait_indirect_dma semaphore(%arg8 : memref<!tpu.dma_semaphore, #tpu.memory_space<semaphore_mem>>) src(%arg5 : memref<128xf32, #tpu.memory_space<vmem>>) dst(%dma_wait3A_70 : memref<10240xf32, #tpu.memory_space<vmem_shared>>)
    %dma_wait3A_71 = arith.constant 0 : i32
    %dma_wait3A_72 = arith.constant 0 : i32
    %dma_wait3A_73 = tpu.memref_slice %arg4[%dma_wait3A_71, %dma_wait3A_72] : memref<79x128xi32, #tpu.memory_space<vmem>> -> memref<1x128xi32, #tpu.memory_space<vmem>>
    %dma_wait3A_74 = tpu.memref_squeeze %dma_wait3A_73 : memref<1x128xi32, #tpu.memory_space<vmem>> -> memref<128xi32, #tpu.memory_space<vmem>>
    %dma_wait3A_75 = arith.constant 0 : i32
    %dma_wait3A_76 = tpu.memref_slice %arg7[%dma_wait3A_75] : memref<10240xf32, #tpu.memory_space<vmem_shared>> -> memref<10240xf32, #tpu.memory_space<vmem_shared>>
    tpu.wait_indirect_dma semaphore(%arg8 : memref<!tpu.dma_semaphore, #tpu.memory_space<semaphore_mem>>) src(%arg5 : memref<128xf32, #tpu.memory_space<vmem>>) dst(%dma_wait3A_76 : memref<10240xf32, #tpu.memory_space<vmem_shared>>)
    %dma_wait3A_77 = arith.constant 0 : i32
    %dma_wait3A_78 = arith.constant 0 : i32
    %dma_wait3A_79 = tpu.memref_slice %arg4[%dma_wait3A_77, %dma_wait3A_78] : memref<79x128xi32, #tpu.memory_space<vmem>> -> memref<1x128xi32, #tpu.memory_space<vmem>>
    %dma_wait3A_80 = tpu.memref_squeeze %dma_wait3A_79 : memref<1x128xi32, #tpu.memory_space<vmem>> -> memref<128xi32, #tpu.memory_space<vmem>>
    %dma_wait3A_81 = arith.constant 0 : i32
    %dma_wait3A_82 = tpu.memref_slice %arg7[%dma_wait3A_81] : memref<10240xf32, #tpu.memory_space<vmem_shared>> -> memref<10240xf32, #tpu.memory_space<vmem_shared>>
    tpu.wait_indirect_dma semaphore(%arg8 : memref<!tpu.dma_semaphore, #tpu.memory_space<semaphore_mem>>) src(%arg5 : memref<128xf32, #tpu.memory_space<vmem>>) dst(%dma_wait3A_82 : memref<10240xf32, #tpu.memory_space<vmem_shared>>)
    %barrier3A_83 = arith.constant 0 : index
    tpu.barrier barrier_id(%barrier3A_83)
    %mul3A_84 = arith.constant 640 : i32
    %mul3A_85 = arith.muli %arg1, %mul3A_84 : i32
    %mul3A_86 = arith.constant 640 : i32
    %mul3A_87 = arith.muli %arg1, %mul3A_86 : i32
    "tpu.region"() ({
      %run_scoped3A = tpu.sem_alloc : memref<!tpu.dma_semaphore, #tpu.memory_space<semaphore_mem>>
      %dma_start3A = tpu.memref_slice %arg3[%arg0, %mul3A_87] : memref<2x10240xf32, #tpu.memory_space<hbm>> -> memref<1x640xf32, #tpu.memory_space<hbm>>
      %dma_start3A_88 = tpu.memref_squeeze %dma_start3A : memref<1x640xf32, #tpu.memory_space<hbm>> -> memref<640xf32, #tpu.memory_space<hbm>>
      %dma_start3A_89 = tpu.memref_slice %arg7[%mul3A_85] : memref<10240xf32, #tpu.memory_space<vmem_shared>> -> memref<640xf32, #tpu.memory_space<vmem_shared>>
      tpu.enqueue_dma source(%dma_start3A_89 : memref<640xf32, #tpu.memory_space<vmem_shared>>) target(%dma_start3A_88 : memref<640xf32, #tpu.memory_space<hbm>>) target_semaphore(%run_scoped3A : memref<!tpu.dma_semaphore, #tpu.memory_space<semaphore_mem>>)
      %dma_wait3A_90 = tpu.memref_slice %arg3[%arg0, %mul3A_87] : memref<2x10240xf32, #tpu.memory_space<hbm>> -> memref<1x640xf32, #tpu.memory_space<hbm>>
      %dma_wait3A_91 = tpu.memref_squeeze %dma_wait3A_90 : memref<1x640xf32, #tpu.memory_space<hbm>> -> memref<640xf32, #tpu.memory_space<hbm>>
      %dma_wait3A_92 = tpu.memref_slice %arg7[%mul3A_85] : memref<10240xf32, #tpu.memory_space<vmem_shared>> -> memref<640xf32, #tpu.memory_space<vmem_shared>>
      tpu.wait_dma2 semaphore(%run_scoped3A : memref<!tpu.dma_semaphore, #tpu.memory_space<semaphore_mem>>) src(%dma_wait3A_92 : memref<640xf32, #tpu.memory_space<vmem_shared>>) dst(%dma_wait3A_91 : memref<640xf32, #tpu.memory_space<hbm>>)
      tpu.yield
    }) : () -> ()
    return
  }
}

#map = affine_map<(d0, d1) -> (0, 0)>
#map1 = affine_map<(d0, d1) -> (0, 0, 0)>
module attributes {stable_mosaic.version = 14 : i64} {
  func.func @scat_kernel(%arg0: i32, %arg1: i32, %arg2: memref<10240x128xf32, #tpu.memory_space<hbm>>, %arg3: memref<2500x128xi32, #tpu.memory_space<hbm>>, %arg4: memref<2500x128xi32, #tpu.memory_space<hbm>>, %arg5: memref<2x10240x128xf32, #tpu.memory_space<hbm>>, %arg6: memref<79x128xi32, #tpu.memory_space<vmem>>, %arg7: memref<79x128xi32, #tpu.memory_space<vmem>>, %arg8: memref<8x128x16xf32, #tpu.memory_space<vmem>>, %arg9: memref<128x16xf32, #tpu.memory_space<vmem>>, %arg10: memref<10240x16xf32, #tpu.memory_space<vmem_shared>>, %arg11: memref<10240x16xf32, #tpu.memory_space<vmem_shared>>, %arg12: memref<!tpu.dma_semaphore, #tpu.memory_space<semaphore_mem>>, %arg13: memref<!tpu.dma_semaphore, #tpu.memory_space<semaphore_mem>>) attributes {dimension_semantics = [#tpu.dimension_semantics<core_parallel>, #tpu.dimension_semantics<subcore_parallel>], iteration_bounds = array<i64: 2, 16>, scalar_prefetch = 0 : i64, scratch_operands = 8 : i64, tpu.core_type = #tpu.core_type<sc_vector_subcore>, window_params = [{transform_indices = #map}, {transform_indices = #map}, {transform_indices = #map}, {transform_indices = #map1}]} {
    %mul3A = arith.constant 2 : i32
    %mul3A_0 = arith.muli %arg1, %mul3A : i32
    %add3A = arith.addi %mul3A_0, %arg0 : i32
    %scan3A = arith.constant 0 : i32
    %scan3A_1 = arith.constant 0 : i32
    %scan3A_2 = arith.constant 128 : i32
    %scan3A_3 = arith.addi %scan3A_1, %scan3A_2 : i32
    %scan3A_4 = arith.constant 1 : i32
    %scan3A_5 = scf.for %scan3A_138 = %scan3A_1 to %scan3A_3 step %scan3A_4 iter_args(%scan3A_139 = %scan3A) -> (i32)  : i32 {
      %jit3A_140 = arith.constant 1 : i32
      %div3A = arith.divsi %scan3A_138, %jit3A_140 : i32
      %sign3A = arith.constant 0 : i32
      %sign3A_141 = arith.cmpi sgt, %scan3A_138, %sign3A : i32
      %sign3A_142 = arith.extui %sign3A_141 : i1 to i32
      %sign3A_143 = arith.constant 0 : i32
      %sign3A_144 = arith.cmpi slt, %scan3A_138, %sign3A_143 : i32
      %sign3A_145 = arith.extui %sign3A_144 : i1 to i32
      %sign3A_146 = arith.subi %sign3A_142, %sign3A_145 : i32
      %sign3A_147 = arith.constant 0 : i32
      %sign3A_148 = arith.cmpi sgt, %jit3A_140, %sign3A_147 : i32
      %sign3A_149 = arith.extui %sign3A_148 : i1 to i32
      %sign3A_150 = arith.constant 0 : i32
      %sign3A_151 = arith.cmpi slt, %jit3A_140, %sign3A_150 : i32
      %sign3A_152 = arith.extui %sign3A_151 : i1 to i32
      %sign3A_153 = arith.subi %sign3A_149, %sign3A_152 : i32
      %ne3A = arith.cmpi ne, %sign3A_146, %sign3A_153 : i32
      %rem3A = arith.remsi %scan3A_138, %jit3A_140 : i32
      %ne3A_154 = arith.constant 0 : i32
      %ne3A_155 = arith.cmpi ne, %rem3A, %ne3A_154 : i32
      %and3A = arith.andi %ne3A, %ne3A_155 : i1
      %sub3A = arith.constant 1 : i32
      %sub3A_156 = arith.subi %div3A, %sub3A : i32
      %select_n3A_157 = arith.select %and3A, %sub3A_156, %div3A : i32
      %jit3A_158 = arith.constant 1 : i32
      %eq3A_159 = arith.constant 0 : i32
      %eq3A_160 = arith.cmpi eq, %jit3A_158, %eq3A_159 : i32
      %jit3A_161 = arith.constant 1 : i32
      %select_n3A_162 = arith.select %eq3A_160, %jit3A_161, %jit3A_158 : i32
      %rem3A_163 = arith.remsi %scan3A_138, %select_n3A_162 : i32
      %ne3A_164 = arith.constant 0 : i32
      %ne3A_165 = arith.cmpi ne, %rem3A_163, %ne3A_164 : i32
      %lt3A_166 = arith.constant 0 : i32
      %lt3A_167 = arith.cmpi slt, %rem3A_163, %lt3A_166 : i32
      %lt3A_168 = arith.constant 0 : i32
      %lt3A_169 = arith.cmpi slt, %select_n3A_162, %lt3A_168 : i32
      %ne3A_170 = arith.xori %lt3A_167, %lt3A_169 : i1
      %and3A_171 = arith.andi %ne3A_170, %ne3A_165 : i1
      %add3A_172 = arith.addi %rem3A_163, %select_n3A_162 : i32
      %select_n3A_173 = arith.select %and3A_171, %add3A_172, %rem3A_163 : i32
      %mul3A_174 = arith.constant 16 : i32
      %mul3A_175 = arith.muli %select_n3A_173, %mul3A_174 : i32
      %broadcast_in_dim3A = arith.constant 0.000000e+00 : f32
      %broadcast_in_dim3A_176 = vector.broadcast %broadcast_in_dim3A : f32 to vector<16xf32>
      %swap3A = arith.index_cast %select_n3A_157 : i32 to index
      %swap3A_177 = arith.index_cast %mul3A_175 : i32 to index
      %swap3A_178 = tpu.vector_load %arg9[%swap3A, %swap3A_177] {strides = array<i32>} : memref<128x16xf32, #tpu.memory_space<vmem>>, vector<1x16xf32>,
      %swap3A_179 = vector.shape_cast %swap3A_178 : vector<1x16xf32> to vector<16xf32>
      %swap3A_180 = vector.shape_cast %broadcast_in_dim3A_176 : vector<16xf32> to vector<1x16xf32>
      tpu.vector_store %arg9[%swap3A, %swap3A_177], %swap3A_180 {strides = array<i32>} : memref<128x16xf32, #tpu.memory_space<vmem>>, vector<1x16xf32>,
      %scan3A_181 = arith.constant 0 : i32
      scf.yield %scan3A_181 : i32
    }
    %scan3A_6 = arith.constant 128 : i32
    %eq3A = arith.constant 31 : i32
    %eq3A_7 = arith.cmpi eq, %add3A, %eq3A : i32
    %jit3A = arith.constant 51 : i32
    %jit3A_8 = arith.constant 79 : i32
    %select_n3A = arith.select %eq3A_7, %jit3A, %jit3A_8 : i32
    %lt3A = arith.constant 31 : i32
    %lt3A_9 = arith.cmpi slt, %add3A, %lt3A : i32
    %convert_element_type3A = arith.extui %lt3A_9 : i1 to i32
    %cond3A = arith.constant 0 : i32
    %cond3A_10 = arith.cmpi ne, %convert_element_type3A, %cond3A : i32
    scf.if %cond3A_10 {
      %mul3A_138 = arith.constant 79 : i32
      %mul3A_139 = arith.muli %mul3A_138, %add3A : i32
      "tpu.region"() ({
        %run_scoped3A = tpu.sem_alloc : memref<!tpu.dma_semaphore, #tpu.memory_space<semaphore_mem>>
        %dma_start3A_140 = arith.constant 0 : i32
        %dma_start3A_141 = tpu.memref_slice %arg3[%mul3A_139, %dma_start3A_140] : memref<2500x128xi32, #tpu.memory_space<hbm>> -> memref<79x128xi32, #tpu.memory_space<hbm>>
        %dma_start3A_142 = arith.constant 0 : i32
        %dma_start3A_143 = tpu.memref_slice %arg3[%mul3A_139, %dma_start3A_142] : memref<2500x128xi32, #tpu.memory_space<hbm>> -> memref<79x128xi32, #tpu.memory_space<hbm>>
        tpu.enqueue_dma source(%dma_start3A_143 : memref<79x128xi32, #tpu.memory_space<hbm>>) target(%arg6 : memref<79x128xi32, #tpu.memory_space<vmem>>) target_semaphore(%run_scoped3A : memref<!tpu.dma_semaphore, #tpu.memory_space<semaphore_mem>>)
        %dma_wait3A_144 = arith.constant 0 : i32
        %dma_wait3A_145 = tpu.memref_slice %arg3[%mul3A_139, %dma_wait3A_144] : memref<2500x128xi32, #tpu.memory_space<hbm>> -> memref<79x128xi32, #tpu.memory_space<hbm>>
        %dma_wait3A_146 = arith.constant 0 : i32
        %dma_wait3A_147 = tpu.memref_slice %arg3[%mul3A_139, %dma_wait3A_146] : memref<2500x128xi32, #tpu.memory_space<hbm>> -> memref<79x128xi32, #tpu.memory_space<hbm>>
        tpu.wait_dma2 semaphore(%run_scoped3A : memref<!tpu.dma_semaphore, #tpu.memory_space<semaphore_mem>>) src(%dma_wait3A_147 : memref<79x128xi32, #tpu.memory_space<hbm>>) dst(%arg6 : memref<79x128xi32, #tpu.memory_space<vmem>>)
        tpu.yield
      }) : () -> ()
      "tpu.region"() ({
        %run_scoped3A = tpu.sem_alloc : memref<!tpu.dma_semaphore, #tpu.memory_space<semaphore_mem>>
        %dma_start3A_140 = arith.constant 0 : i32
        %dma_start3A_141 = tpu.memref_slice %arg4[%mul3A_139, %dma_start3A_140] : memref<2500x128xi32, #tpu.memory_space<hbm>> -> memref<79x128xi32, #tpu.memory_space<hbm>>
        %dma_start3A_142 = arith.constant 0 : i32
        %dma_start3A_143 = tpu.memref_slice %arg4[%mul3A_139, %dma_start3A_142] : memref<2500x128xi32, #tpu.memory_space<hbm>> -> memref<79x128xi32, #tpu.memory_space<hbm>>
        tpu.enqueue_dma source(%dma_start3A_143 : memref<79x128xi32, #tpu.memory_space<hbm>>) target(%arg7 : memref<79x128xi32, #tpu.memory_space<vmem>>) target_semaphore(%run_scoped3A : memref<!tpu.dma_semaphore, #tpu.memory_space<semaphore_mem>>)
        %dma_wait3A_144 = arith.constant 0 : i32
        %dma_wait3A_145 = tpu.memref_slice %arg4[%mul3A_139, %dma_wait3A_144] : memref<2500x128xi32, #tpu.memory_space<hbm>> -> memref<79x128xi32, #tpu.memory_space<hbm>>
        %dma_wait3A_146 = arith.constant 0 : i32
        %dma_wait3A_147 = tpu.memref_slice %arg4[%mul3A_139, %dma_wait3A_146] : memref<2500x128xi32, #tpu.memory_space<hbm>> -> memref<79x128xi32, #tpu.memory_space<hbm>>
        tpu.wait_dma2 semaphore(%run_scoped3A : memref<!tpu.dma_semaphore, #tpu.memory_space<semaphore_mem>>) src(%dma_wait3A_147 : memref<79x128xi32, #tpu.memory_space<hbm>>) dst(%arg7 : memref<79x128xi32, #tpu.memory_space<vmem>>)
        tpu.yield
      }) : () -> ()
    } else {
    }
    %eq3A_11 = arith.constant 31 : i32
    %eq3A_12 = arith.cmpi eq, %add3A, %eq3A_11 : i32
    %convert_element_type3A_13 = arith.extui %eq3A_12 : i1 to i32
    %cond3A_14 = arith.constant 0 : i32
    %cond3A_15 = arith.cmpi ne, %convert_element_type3A_13, %cond3A_14 : i32
    scf.if %cond3A_15 {
      "tpu.region"() ({
        %run_scoped3A = tpu.sem_alloc : memref<!tpu.dma_semaphore, #tpu.memory_space<semaphore_mem>>
        %dma_start3A_138 = arith.constant 0 : i32
        %dma_start3A_139 = arith.constant 0 : i32
        %dma_start3A_140 = tpu.memref_slice %arg6[%dma_start3A_138, %dma_start3A_139] : memref<79x128xi32, #tpu.memory_space<vmem>> -> memref<51x128xi32, #tpu.memory_space<vmem>>
        %dma_start3A_141 = arith.constant 2449 : i32
        %dma_start3A_142 = arith.constant 0 : i32
        %dma_start3A_143 = tpu.memref_slice %arg3[%dma_start3A_141, %dma_start3A_142] : memref<2500x128xi32, #tpu.memory_space<hbm>> -> memref<51x128xi32, #tpu.memory_space<hbm>>
        %dma_start3A_144 = arith.constant 0 : i32
        %dma_start3A_145 = arith.constant 0 : i32
        %dma_start3A_146 = tpu.memref_slice %arg6[%dma_start3A_144, %dma_start3A_145] : memref<79x128xi32, #tpu.memory_space<vmem>> -> memref<51x128xi32, #tpu.memory_space<vmem>>
        %dma_start3A_147 = arith.constant 2449 : i32
        %dma_start3A_148 = arith.constant 0 : i32
        %dma_start3A_149 = tpu.memref_slice %arg3[%dma_start3A_147, %dma_start3A_148] : memref<2500x128xi32, #tpu.memory_space<hbm>> -> memref<51x128xi32, #tpu.memory_space<hbm>>
        tpu.enqueue_dma source(%dma_start3A_149 : memref<51x128xi32, #tpu.memory_space<hbm>>) target(%dma_start3A_146 : memref<51x128xi32, #tpu.memory_space<vmem>>) target_semaphore(%run_scoped3A : memref<!tpu.dma_semaphore, #tpu.memory_space<semaphore_mem>>)
        %dma_wait3A_150 = arith.constant 0 : i32
        %dma_wait3A_151 = arith.constant 0 : i32
        %dma_wait3A_152 = tpu.memref_slice %arg6[%dma_wait3A_150, %dma_wait3A_151] : memref<79x128xi32, #tpu.memory_space<vmem>> -> memref<51x128xi32, #tpu.memory_space<vmem>>
        %dma_wait3A_153 = arith.constant 2449 : i32
        %dma_wait3A_154 = arith.constant 0 : i32
        %dma_wait3A_155 = tpu.memref_slice %arg3[%dma_wait3A_153, %dma_wait3A_154] : memref<2500x128xi32, #tpu.memory_space<hbm>> -> memref<51x128xi32, #tpu.memory_space<hbm>>
        %dma_wait3A_156 = arith.constant 0 : i32
        %dma_wait3A_157 = arith.constant 0 : i32
        %dma_wait3A_158 = tpu.memref_slice %arg6[%dma_wait3A_156, %dma_wait3A_157] : memref<79x128xi32, #tpu.memory_space<vmem>> -> memref<51x128xi32, #tpu.memory_space<vmem>>
        %dma_wait3A_159 = arith.constant 2449 : i32
        %dma_wait3A_160 = arith.constant 0 : i32
        %dma_wait3A_161 = tpu.memref_slice %arg3[%dma_wait3A_159, %dma_wait3A_160] : memref<2500x128xi32, #tpu.memory_space<hbm>> -> memref<51x128xi32, #tpu.memory_space<hbm>>
        tpu.wait_dma2 semaphore(%run_scoped3A : memref<!tpu.dma_semaphore, #tpu.memory_space<semaphore_mem>>) src(%dma_wait3A_161 : memref<51x128xi32, #tpu.memory_space<hbm>>) dst(%dma_wait3A_158 : memref<51x128xi32, #tpu.memory_space<vmem>>)
        tpu.yield
      }) : () -> ()
      "tpu.region"() ({
        %run_scoped3A = tpu.sem_alloc : memref<!tpu.dma_semaphore, #tpu.memory_space<semaphore_mem>>
        %dma_start3A_138 = arith.constant 0 : i32
        %dma_start3A_139 = arith.constant 0 : i32
        %dma_start3A_140 = tpu.memref_slice %arg7[%dma_start3A_138, %dma_start3A_139] : memref<79x128xi32, #tpu.memory_space<vmem>> -> memref<51x128xi32, #tpu.memory_space<vmem>>
        %dma_start3A_141 = arith.constant 2449 : i32
        %dma_start3A_142 = arith.constant 0 : i32
        %dma_start3A_143 = tpu.memref_slice %arg4[%dma_start3A_141, %dma_start3A_142] : memref<2500x128xi32, #tpu.memory_space<hbm>> -> memref<51x128xi32, #tpu.memory_space<hbm>>
        %dma_start3A_144 = arith.constant 0 : i32
        %dma_start3A_145 = arith.constant 0 : i32
        %dma_start3A_146 = tpu.memref_slice %arg7[%dma_start3A_144, %dma_start3A_145] : memref<79x128xi32, #tpu.memory_space<vmem>> -> memref<51x128xi32, #tpu.memory_space<vmem>>
        %dma_start3A_147 = arith.constant 2449 : i32
        %dma_start3A_148 = arith.constant 0 : i32
        %dma_start3A_149 = tpu.memref_slice %arg4[%dma_start3A_147, %dma_start3A_148] : memref<2500x128xi32, #tpu.memory_space<hbm>> -> memref<51x128xi32, #tpu.memory_space<hbm>>
        tpu.enqueue_dma source(%dma_start3A_149 : memref<51x128xi32, #tpu.memory_space<hbm>>) target(%dma_start3A_146 : memref<51x128xi32, #tpu.memory_space<vmem>>) target_semaphore(%run_scoped3A : memref<!tpu.dma_semaphore, #tpu.memory_space<semaphore_mem>>)
        %dma_wait3A_150 = arith.constant 0 : i32
        %dma_wait3A_151 = arith.constant 0 : i32
        %dma_wait3A_152 = tpu.memref_slice %arg7[%dma_wait3A_150, %dma_wait3A_151] : memref<79x128xi32, #tpu.memory_space<vmem>> -> memref<51x128xi32, #tpu.memory_space<vmem>>
        %dma_wait3A_153 = arith.constant 2449 : i32
        %dma_wait3A_154 = arith.constant 0 : i32
        %dma_wait3A_155 = tpu.memref_slice %arg4[%dma_wait3A_153, %dma_wait3A_154] : memref<2500x128xi32, #tpu.memory_space<hbm>> -> memref<51x128xi32, #tpu.memory_space<hbm>>
        %dma_wait3A_156 = arith.constant 0 : i32
        %dma_wait3A_157 = arith.constant 0 : i32
        %dma_wait3A_158 = tpu.memref_slice %arg7[%dma_wait3A_156, %dma_wait3A_157] : memref<79x128xi32, #tpu.memory_space<vmem>> -> memref<51x128xi32, #tpu.memory_space<vmem>>
        %dma_wait3A_159 = arith.constant 2449 : i32
        %dma_wait3A_160 = arith.constant 0 : i32
        %dma_wait3A_161 = tpu.memref_slice %arg4[%dma_wait3A_159, %dma_wait3A_160] : memref<2500x128xi32, #tpu.memory_space<hbm>> -> memref<51x128xi32, #tpu.memory_space<hbm>>
        tpu.wait_dma2 semaphore(%run_scoped3A : memref<!tpu.dma_semaphore, #tpu.memory_space<semaphore_mem>>) src(%dma_wait3A_161 : memref<51x128xi32, #tpu.memory_space<hbm>>) dst(%dma_wait3A_158 : memref<51x128xi32, #tpu.memory_space<vmem>>)
        tpu.yield
      }) : () -> ()
    } else {
    }
    %mul3A_16 = arith.constant 640 : i32
    %mul3A_17 = arith.muli %arg1, %mul3A_16 : i32
    %scan3A_18 = arith.constant 0 : i32
    %scan3A_19 = arith.constant 0 : i32
    %scan3A_20 = arith.constant 5 : i32
    %scan3A_21 = arith.addi %scan3A_19, %scan3A_20 : i32
    %scan3A_22 = arith.constant 1 : i32
    %scan3A_23 = scf.for %scan3A_138 = %scan3A_19 to %scan3A_21 step %scan3A_22 iter_args(%scan3A_139 = %scan3A_18) -> (i32)  : i32 {
      %mul3A_140 = arith.constant 640 : i32
      %mul3A_141 = arith.muli %arg1, %mul3A_140 : i32
      %mul3A_142 = arith.constant 128 : i32
      %mul3A_143 = arith.muli %scan3A_138, %mul3A_142 : i32
      %add3A_144 = arith.addi %mul3A_141, %mul3A_143 : i32
      "tpu.region"() ({
        %run_scoped3A = tpu.sem_alloc : memref<!tpu.dma_semaphore, #tpu.memory_space<semaphore_mem>>
        %dma_start3A_146 = arith.constant 0 : i32
        %dma_start3A_147 = tpu.memref_slice %arg10[%add3A_144, %dma_start3A_146] : memref<10240x16xf32, #tpu.memory_space<vmem_shared>> -> memref<128x16xf32, #tpu.memory_space<vmem_shared>>
        %dma_start3A_148 = arith.constant 0 : i32
        %dma_start3A_149 = tpu.memref_slice %arg10[%add3A_144, %dma_start3A_148] : memref<10240x16xf32, #tpu.memory_space<vmem_shared>> -> memref<128x16xf32, #tpu.memory_space<vmem_shared>>
        tpu.enqueue_dma source(%arg9 : memref<128x16xf32, #tpu.memory_space<vmem>>) target(%dma_start3A_149 : memref<128x16xf32, #tpu.memory_space<vmem_shared>>) target_semaphore(%run_scoped3A : memref<!tpu.dma_semaphore, #tpu.memory_space<semaphore_mem>>)
        %dma_wait3A_150 = arith.constant 0 : i32
        %dma_wait3A_151 = tpu.memref_slice %arg10[%add3A_144, %dma_wait3A_150] : memref<10240x16xf32, #tpu.memory_space<vmem_shared>> -> memref<128x16xf32, #tpu.memory_space<vmem_shared>>
        %dma_wait3A_152 = arith.constant 0 : i32
        %dma_wait3A_153 = tpu.memref_slice %arg10[%add3A_144, %dma_wait3A_152] : memref<10240x16xf32, #tpu.memory_space<vmem_shared>> -> memref<128x16xf32, #tpu.memory_space<vmem_shared>>
        tpu.wait_dma2 semaphore(%run_scoped3A : memref<!tpu.dma_semaphore, #tpu.memory_space<semaphore_mem>>) src(%arg9 : memref<128x16xf32, #tpu.memory_space<vmem>>) dst(%dma_wait3A_153 : memref<128x16xf32, #tpu.memory_space<vmem_shared>>)
        tpu.yield
      }) : () -> ()
      %scan3A_145 = arith.constant 0 : i32
      scf.yield %scan3A_145 : i32
    }
    %scan3A_24 = arith.constant 5 : i32
    "tpu.region"() ({
      %run_scoped3A = tpu.sem_alloc : memref<!tpu.dma_semaphore, #tpu.memory_space<semaphore_mem>>
      %dma_start3A_138 = arith.constant 0 : i32
      %dma_start3A_139 = tpu.memref_slice %arg11[%mul3A_17, %dma_start3A_138] : memref<10240x16xf32, #tpu.memory_space<vmem_shared>> -> memref<640x16xf32, #tpu.memory_space<vmem_shared>>
      %dma_start3A_140 = arith.constant 0 : i32
      %dma_start3A_141 = tpu.memref_slice %arg2[%mul3A_17, %dma_start3A_140] : memref<10240x128xf32, #tpu.memory_space<hbm>> -> memref<640x16xf32, #tpu.memory_space<hbm>>
      tpu.enqueue_dma source(%dma_start3A_141 : memref<640x16xf32, #tpu.memory_space<hbm>>) target(%dma_start3A_139 : memref<640x16xf32, #tpu.memory_space<vmem_shared>>) target_semaphore(%run_scoped3A : memref<!tpu.dma_semaphore, #tpu.memory_space<semaphore_mem>>)
      %dma_wait3A_142 = arith.constant 0 : i32
      %dma_wait3A_143 = tpu.memref_slice %arg11[%mul3A_17, %dma_wait3A_142] : memref<10240x16xf32, #tpu.memory_space<vmem_shared>> -> memref<640x16xf32, #tpu.memory_space<vmem_shared>>
      %dma_wait3A_144 = arith.constant 0 : i32
      %dma_wait3A_145 = tpu.memref_slice %arg2[%mul3A_17, %dma_wait3A_144] : memref<10240x128xf32, #tpu.memory_space<hbm>> -> memref<640x16xf32, #tpu.memory_space<hbm>>
      tpu.wait_dma2 semaphore(%run_scoped3A : memref<!tpu.dma_semaphore, #tpu.memory_space<semaphore_mem>>) src(%dma_wait3A_145 : memref<640x16xf32, #tpu.memory_space<hbm>>) dst(%dma_wait3A_143 : memref<640x16xf32, #tpu.memory_space<vmem_shared>>)
      tpu.yield
    }) : () -> ()
    %barrier3A = arith.constant 0 : index
    tpu.barrier barrier_id(%barrier3A)
    %dma_start3A = arith.constant 0 : i32
    %dma_start3A_25 = arith.constant 0 : i32
    %dma_start3A_26 = arith.constant 0 : i32
    %dma_start3A_27 = arith.constant 0 : i32
    %dma_start3A_28 = tpu.memref_slice %arg8[%dma_start3A_25, %dma_start3A_26, %dma_start3A_27] : memref<8x128x16xf32, #tpu.memory_space<vmem>> -> memref<1x128x16xf32, #tpu.memory_space<vmem>>
    %dma_start3A_29 = tpu.memref_squeeze %dma_start3A_28 : memref<1x128x16xf32, #tpu.memory_space<vmem>> -> memref<128x16xf32, #tpu.memory_space<vmem>>
    %dma_start3A_30 = arith.constant 0 : i32
    %dma_start3A_31 = tpu.memref_slice %arg6[%dma_start3A, %dma_start3A_30] : memref<79x128xi32, #tpu.memory_space<vmem>> -> memref<1x128xi32, #tpu.memory_space<vmem>>
    %dma_start3A_32 = tpu.memref_squeeze %dma_start3A_31 : memref<1x128xi32, #tpu.memory_space<vmem>> -> memref<128xi32, #tpu.memory_space<vmem>>
    %dma_start3A_33 = arith.constant 0 : i32
    %dma_start3A_34 = arith.constant 0 : i32
    %dma_start3A_35 = tpu.memref_slice %arg11[%dma_start3A_33, %dma_start3A_34] : memref<10240x16xf32, #tpu.memory_space<vmem_shared>> -> memref<10240x16xf32, #tpu.memory_space<vmem_shared>>
    tpu.enqueue_indirect_dma source(%dma_start3A_35 : memref<10240x16xf32, #tpu.memory_space<vmem_shared>>) target(%dma_start3A_29 : memref<128x16xf32, #tpu.memory_space<vmem>>) offsets(%dma_start3A_32 : memref<128xi32, #tpu.memory_space<vmem>>) semaphore(%arg12 : memref<!tpu.dma_semaphore, #tpu.memory_space<semaphore_mem>>)
    %dma_start3A_36 = arith.constant 1 : i32
    %dma_start3A_37 = arith.constant 1 : i32
    %dma_start3A_38 = arith.constant 0 : i32
    %dma_start3A_39 = arith.constant 0 : i32
    %dma_start3A_40 = tpu.memref_slice %arg8[%dma_start3A_37, %dma_start3A_38, %dma_start3A_39] : memref<8x128x16xf32, #tpu.memory_space<vmem>> -> memref<1x128x16xf32, #tpu.memory_space<vmem>>
    %dma_start3A_41 = tpu.memref_squeeze %dma_start3A_40 : memref<1x128x16xf32, #tpu.memory_space<vmem>> -> memref<128x16xf32, #tpu.memory_space<vmem>>
    %dma_start3A_42 = arith.constant 0 : i32
    %dma_start3A_43 = tpu.memref_slice %arg6[%dma_start3A_36, %dma_start3A_42] : memref<79x128xi32, #tpu.memory_space<vmem>> -> memref<1x128xi32, #tpu.memory_space<vmem>>
    %dma_start3A_44 = tpu.memref_squeeze %dma_start3A_43 : memref<1x128xi32, #tpu.memory_space<vmem>> -> memref<128xi32, #tpu.memory_space<vmem>>
    %dma_start3A_45 = arith.constant 0 : i32
    %dma_start3A_46 = arith.constant 0 : i32
    %dma_start3A_47 = tpu.memref_slice %arg11[%dma_start3A_45, %dma_start3A_46] : memref<10240x16xf32, #tpu.memory_space<vmem_shared>> -> memref<10240x16xf32, #tpu.memory_space<vmem_shared>>
    tpu.enqueue_indirect_dma source(%dma_start3A_47 : memref<10240x16xf32, #tpu.memory_space<vmem_shared>>) target(%dma_start3A_41 : memref<128x16xf32, #tpu.memory_space<vmem>>) offsets(%dma_start3A_44 : memref<128xi32, #tpu.memory_space<vmem>>) semaphore(%arg12 : memref<!tpu.dma_semaphore, #tpu.memory_space<semaphore_mem>>)
    %dma_start3A_48 = arith.constant 2 : i32
    %dma_start3A_49 = arith.constant 2 : i32
    %dma_start3A_50 = arith.constant 0 : i32
    %dma_start3A_51 = arith.constant 0 : i32
    %dma_start3A_52 = tpu.memref_slice %arg8[%dma_start3A_49, %dma_start3A_50, %dma_start3A_51] : memref<8x128x16xf32, #tpu.memory_space<vmem>> -> memref<1x128x16xf32, #tpu.memory_space<vmem>>
    %dma_start3A_53 = tpu.memref_squeeze %dma_start3A_52 : memref<1x128x16xf32, #tpu.memory_space<vmem>> -> memref<128x16xf32, #tpu.memory_space<vmem>>
    %dma_start3A_54 = arith.constant 0 : i32
    %dma_start3A_55 = tpu.memref_slice %arg6[%dma_start3A_48, %dma_start3A_54] : memref<79x128xi32, #tpu.memory_space<vmem>> -> memref<1x128xi32, #tpu.memory_space<vmem>>
    %dma_start3A_56 = tpu.memref_squeeze %dma_start3A_55 : memref<1x128xi32, #tpu.memory_space<vmem>> -> memref<128xi32, #tpu.memory_space<vmem>>
    %dma_start3A_57 = arith.constant 0 : i32
    %dma_start3A_58 = arith.constant 0 : i32
    %dma_start3A_59 = tpu.memref_slice %arg11[%dma_start3A_57, %dma_start3A_58] : memref<10240x16xf32, #tpu.memory_space<vmem_shared>> -> memref<10240x16xf32, #tpu.memory_space<vmem_shared>>
    tpu.enqueue_indirect_dma source(%dma_start3A_59 : memref<10240x16xf32, #tpu.memory_space<vmem_shared>>) target(%dma_start3A_53 : memref<128x16xf32, #tpu.memory_space<vmem>>) offsets(%dma_start3A_56 : memref<128xi32, #tpu.memory_space<vmem>>) semaphore(%arg12 : memref<!tpu.dma_semaphore, #tpu.memory_space<semaphore_mem>>)
    %dma_start3A_60 = arith.constant 3 : i32
    %dma_start3A_61 = arith.constant 3 : i32
    %dma_start3A_62 = arith.constant 0 : i32
    %dma_start3A_63 = arith.constant 0 : i32
    %dma_start3A_64 = tpu.memref_slice %arg8[%dma_start3A_61, %dma_start3A_62, %dma_start3A_63] : memref<8x128x16xf32, #tpu.memory_space<vmem>> -> memref<1x128x16xf32, #tpu.memory_space<vmem>>
    %dma_start3A_65 = tpu.memref_squeeze %dma_start3A_64 : memref<1x128x16xf32, #tpu.memory_space<vmem>> -> memref<128x16xf32, #tpu.memory_space<vmem>>
    %dma_start3A_66 = arith.constant 0 : i32
    %dma_start3A_67 = tpu.memref_slice %arg6[%dma_start3A_60, %dma_start3A_66] : memref<79x128xi32, #tpu.memory_space<vmem>> -> memref<1x128xi32, #tpu.memory_space<vmem>>
    %dma_start3A_68 = tpu.memref_squeeze %dma_start3A_67 : memref<1x128xi32, #tpu.memory_space<vmem>> -> memref<128xi32, #tpu.memory_space<vmem>>
    %dma_start3A_69 = arith.constant 0 : i32
    %dma_start3A_70 = arith.constant 0 : i32
    %dma_start3A_71 = tpu.memref_slice %arg11[%dma_start3A_69, %dma_start3A_70] : memref<10240x16xf32, #tpu.memory_space<vmem_shared>> -> memref<10240x16xf32, #tpu.memory_space<vmem_shared>>
    tpu.enqueue_indirect_dma source(%dma_start3A_71 : memref<10240x16xf32, #tpu.memory_space<vmem_shared>>) target(%dma_start3A_65 : memref<128x16xf32, #tpu.memory_space<vmem>>) offsets(%dma_start3A_68 : memref<128xi32, #tpu.memory_space<vmem>>) semaphore(%arg12 : memref<!tpu.dma_semaphore, #tpu.memory_space<semaphore_mem>>)
    %while3A = arith.constant 0 : i32
    %while3A_72 = arith.constant 0 : i32
    %while3A_73 = arith.subi %select_n3A, %while3A : i32
    %while3A_74 = arith.addi %while3A, %while3A_73 : i32
    %while3A_75 = arith.constant 1 : i32
    %while3A_76 = arith.divsi %while3A_73, %while3A_75 : i32
    %while3A_77 = arith.muli %while3A_76, %while3A_75 : i32
    %while3A_78 = arith.addi %while3A, %while3A_77 : i32
    %while3A_79 = arith.constant 1 : i32
    %while3A_80 = scf.for %while3A_138 = %while3A to %while3A_78 step %while3A_79 iter_args(%while3A_139 = %while3A_72) -> (i32)  : i32 {
      %ge3A = arith.constant 4 : i32
      %ge3A_140 = arith.cmpi sge, %while3A_138, %ge3A : i32
      %convert_element_type3A_141 = arith.extui %ge3A_140 : i1 to i32
      %cond3A_142 = arith.constant 0 : i32
      %cond3A_143 = arith.cmpi ne, %convert_element_type3A_141, %cond3A_142 : i32
      scf.if %cond3A_143 {
        %dma_wait3A_174 = arith.constant 0 : i32
        %dma_wait3A_175 = arith.constant 0 : i32
        %dma_wait3A_176 = arith.constant 0 : i32
        %dma_wait3A_177 = arith.constant 0 : i32
        %dma_wait3A_178 = tpu.memref_slice %arg8[%dma_wait3A_174, %dma_wait3A_176, %dma_wait3A_177] : memref<8x128x16xf32, #tpu.memory_space<vmem>> -> memref<1x128x16xf32, #tpu.memory_space<vmem>>
        %dma_wait3A_179 = tpu.memref_squeeze %dma_wait3A_178 : memref<1x128x16xf32, #tpu.memory_space<vmem>> -> memref<128x16xf32, #tpu.memory_space<vmem>>
        %dma_wait3A_180 = arith.constant 0 : i32
        %dma_wait3A_181 = tpu.memref_slice %arg7[%dma_wait3A_175, %dma_wait3A_180] : memref<79x128xi32, #tpu.memory_space<vmem>> -> memref<1x128xi32, #tpu.memory_space<vmem>>
        %dma_wait3A_182 = tpu.memref_squeeze %dma_wait3A_181 : memref<1x128xi32, #tpu.memory_space<vmem>> -> memref<128xi32, #tpu.memory_space<vmem>>
        %dma_wait3A_183 = arith.constant 0 : i32
        %dma_wait3A_184 = arith.constant 0 : i32
        %dma_wait3A_185 = tpu.memref_slice %arg10[%dma_wait3A_183, %dma_wait3A_184] : memref<10240x16xf32, #tpu.memory_space<vmem_shared>> -> memref<10240x16xf32, #tpu.memory_space<vmem_shared>>
        tpu.wait_indirect_dma semaphore(%arg13 : memref<!tpu.dma_semaphore, #tpu.memory_space<semaphore_mem>>) src(%dma_wait3A_179 : memref<128x16xf32, #tpu.memory_space<vmem>>) dst(%dma_wait3A_185 : memref<10240x16xf32, #tpu.memory_space<vmem_shared>>)
      } else {
      }
      %add3A_144 = arith.constant 4 : i32
      %add3A_145 = arith.addi %while3A_138, %add3A_144 : i32
      %lt3A_146 = arith.cmpi slt, %add3A_145, %select_n3A : i32
      %convert_element_type3A_147 = arith.extui %lt3A_146 : i1 to i32
      %cond3A_148 = arith.constant 0 : i32
      %cond3A_149 = arith.cmpi ne, %convert_element_type3A_147, %cond3A_148 : i32
      scf.if %cond3A_149 {
        %add3A_174 = arith.constant 4 : i32
        %add3A_175 = arith.addi %while3A_138, %add3A_174 : i32
        %add3A_176 = arith.constant 4 : i32
        %add3A_177 = arith.addi %while3A_138, %add3A_176 : i32
        %rem3A_178 = arith.constant 8 : i32
        %rem3A_179 = arith.remsi %add3A_177, %rem3A_178 : i32
        %dma_start3A_180 = arith.constant 0 : i32
        %dma_start3A_181 = arith.constant 0 : i32
        %dma_start3A_182 = tpu.memref_slice %arg8[%rem3A_179, %dma_start3A_180, %dma_start3A_181] : memref<8x128x16xf32, #tpu.memory_space<vmem>> -> memref<1x128x16xf32, #tpu.memory_space<vmem>>
        %dma_start3A_183 = tpu.memref_squeeze %dma_start3A_182 : memref<1x128x16xf32, #tpu.memory_space<vmem>> -> memref<128x16xf32, #tpu.memory_space<vmem>>
        %dma_start3A_184 = arith.constant 0 : i32
        %dma_start3A_185 = tpu.memref_slice %arg6[%add3A_175, %dma_start3A_184] : memref<79x128xi32, #tpu.memory_space<vmem>> -> memref<1x128xi32, #tpu.memory_space<vmem>>
        %dma_start3A_186 = tpu.memref_squeeze %dma_start3A_185 : memref<1x128xi32, #tpu.memory_space<vmem>> -> memref<128xi32, #tpu.memory_space<vmem>>
        %dma_start3A_187 = arith.constant 0 : i32
        %dma_start3A_188 = arith.constant 0 : i32
        %dma_start3A_189 = tpu.memref_slice %arg11[%dma_start3A_187, %dma_start3A_188] : memref<10240x16xf32, #tpu.memory_space<vmem_shared>> -> memref<10240x16xf32, #tpu.memory_space<vmem_shared>>
        tpu.enqueue_indirect_dma source(%dma_start3A_189 : memref<10240x16xf32, #tpu.memory_space<vmem_shared>>) target(%dma_start3A_183 : memref<128x16xf32, #tpu.memory_space<vmem>>) offsets(%dma_start3A_186 : memref<128xi32, #tpu.memory_space<vmem>>) semaphore(%arg12 : memref<!tpu.dma_semaphore, #tpu.memory_space<semaphore_mem>>)
      } else {
      }
      %dma_wait3A_150 = arith.constant 0 : i32
      %dma_wait3A_151 = arith.constant 0 : i32
      %dma_wait3A_152 = arith.constant 0 : i32
      %dma_wait3A_153 = arith.constant 0 : i32
      %dma_wait3A_154 = tpu.memref_slice %arg8[%dma_wait3A_151, %dma_wait3A_152, %dma_wait3A_153] : memref<8x128x16xf32, #tpu.memory_space<vmem>> -> memref<1x128x16xf32, #tpu.memory_space<vmem>>
      %dma_wait3A_155 = tpu.memref_squeeze %dma_wait3A_154 : memref<1x128x16xf32, #tpu.memory_space<vmem>> -> memref<128x16xf32, #tpu.memory_space<vmem>>
      %dma_wait3A_156 = arith.constant 0 : i32
      %dma_wait3A_157 = tpu.memref_slice %arg6[%dma_wait3A_150, %dma_wait3A_156] : memref<79x128xi32, #tpu.memory_space<vmem>> -> memref<1x128xi32, #tpu.memory_space<vmem>>
      %dma_wait3A_158 = tpu.memref_squeeze %dma_wait3A_157 : memref<1x128xi32, #tpu.memory_space<vmem>> -> memref<128xi32, #tpu.memory_space<vmem>>
      %dma_wait3A_159 = arith.constant 0 : i32
      %dma_wait3A_160 = arith.constant 0 : i32
      %dma_wait3A_161 = tpu.memref_slice %arg11[%dma_wait3A_159, %dma_wait3A_160] : memref<10240x16xf32, #tpu.memory_space<vmem_shared>> -> memref<10240x16xf32, #tpu.memory_space<vmem_shared>>
      tpu.wait_indirect_dma semaphore(%arg12 : memref<!tpu.dma_semaphore, #tpu.memory_space<semaphore_mem>>) src(%dma_wait3A_161 : memref<10240x16xf32, #tpu.memory_space<vmem_shared>>) dst(%dma_wait3A_155 : memref<128x16xf32, #tpu.memory_space<vmem>>)
      %rem3A = arith.constant 8 : i32
      %rem3A_162 = arith.remsi %while3A_138, %rem3A : i32
      %dma_start3A_163 = arith.constant 0 : i32
      %dma_start3A_164 = arith.constant 0 : i32
      %dma_start3A_165 = tpu.memref_slice %arg8[%rem3A_162, %dma_start3A_163, %dma_start3A_164] : memref<8x128x16xf32, #tpu.memory_space<vmem>> -> memref<1x128x16xf32, #tpu.memory_space<vmem>>
      %dma_start3A_166 = tpu.memref_squeeze %dma_start3A_165 : memref<1x128x16xf32, #tpu.memory_space<vmem>> -> memref<128x16xf32, #tpu.memory_space<vmem>>
      %dma_start3A_167 = arith.constant 0 : i32
      %dma_start3A_168 = tpu.memref_slice %arg7[%while3A_138, %dma_start3A_167] : memref<79x128xi32, #tpu.memory_space<vmem>> -> memref<1x128xi32, #tpu.memory_space<vmem>>
      %dma_start3A_169 = tpu.memref_squeeze %dma_start3A_168 : memref<1x128xi32, #tpu.memory_space<vmem>> -> memref<128xi32, #tpu.memory_space<vmem>>
      %dma_start3A_170 = arith.constant 0 : i32
      %dma_start3A_171 = arith.constant 0 : i32
      %dma_start3A_172 = tpu.memref_slice %arg10[%dma_start3A_170, %dma_start3A_171] : memref<10240x16xf32, #tpu.memory_space<vmem_shared>> -> memref<10240x16xf32, #tpu.memory_space<vmem_shared>>
      tpu.enqueue_indirect_dma source(%dma_start3A_166 : memref<128x16xf32, #tpu.memory_space<vmem>>) target(%dma_start3A_172 : memref<10240x16xf32, #tpu.memory_space<vmem_shared>>) offsets(%dma_start3A_169 : memref<128xi32, #tpu.memory_space<vmem>>) semaphore(%arg13 : memref<!tpu.dma_semaphore, #tpu.memory_space<semaphore_mem>>) {add = true}
      %while3A_173 = arith.constant 0 : i32
      scf.yield %while3A_173 : i32
    }
    %while3A_81 = arith.constant 1 : i32
    %while3A_82 = scf.for %while3A_138 = %while3A_78 to %while3A_74 step %while3A_81 iter_args(%while3A_139 = %while3A_80) -> (i32)  : i32 {
      %ge3A = arith.constant 4 : i32
      %ge3A_140 = arith.cmpi sge, %while3A_138, %ge3A : i32
      %convert_element_type3A_141 = arith.extui %ge3A_140 : i1 to i32
      %cond3A_142 = arith.constant 0 : i32
      %cond3A_143 = arith.cmpi ne, %convert_element_type3A_141, %cond3A_142 : i32
      scf.if %cond3A_143 {
        %dma_wait3A_174 = arith.constant 0 : i32
        %dma_wait3A_175 = arith.constant 0 : i32
        %dma_wait3A_176 = arith.constant 0 : i32
        %dma_wait3A_177 = arith.constant 0 : i32
        %dma_wait3A_178 = tpu.memref_slice %arg8[%dma_wait3A_174, %dma_wait3A_176, %dma_wait3A_177] : memref<8x128x16xf32, #tpu.memory_space<vmem>> -> memref<1x128x16xf32, #tpu.memory_space<vmem>>
        %dma_wait3A_179 = tpu.memref_squeeze %dma_wait3A_178 : memref<1x128x16xf32, #tpu.memory_space<vmem>> -> memref<128x16xf32, #tpu.memory_space<vmem>>
        %dma_wait3A_180 = arith.constant 0 : i32
        %dma_wait3A_181 = tpu.memref_slice %arg7[%dma_wait3A_175, %dma_wait3A_180] : memref<79x128xi32, #tpu.memory_space<vmem>> -> memref<1x128xi32, #tpu.memory_space<vmem>>
        %dma_wait3A_182 = tpu.memref_squeeze %dma_wait3A_181 : memref<1x128xi32, #tpu.memory_space<vmem>> -> memref<128xi32, #tpu.memory_space<vmem>>
        %dma_wait3A_183 = arith.constant 0 : i32
        %dma_wait3A_184 = arith.constant 0 : i32
        %dma_wait3A_185 = tpu.memref_slice %arg10[%dma_wait3A_183, %dma_wait3A_184] : memref<10240x16xf32, #tpu.memory_space<vmem_shared>> -> memref<10240x16xf32, #tpu.memory_space<vmem_shared>>
        tpu.wait_indirect_dma semaphore(%arg13 : memref<!tpu.dma_semaphore, #tpu.memory_space<semaphore_mem>>) src(%dma_wait3A_179 : memref<128x16xf32, #tpu.memory_space<vmem>>) dst(%dma_wait3A_185 : memref<10240x16xf32, #tpu.memory_space<vmem_shared>>)
      } else {
      }
      %add3A_144 = arith.constant 4 : i32
      %add3A_145 = arith.addi %while3A_138, %add3A_144 : i32
      %lt3A_146 = arith.cmpi slt, %add3A_145, %select_n3A : i32
      %convert_element_type3A_147 = arith.extui %lt3A_146 : i1 to i32
      %cond3A_148 = arith.constant 0 : i32
      %cond3A_149 = arith.cmpi ne, %convert_element_type3A_147, %cond3A_148 : i32
      scf.if %cond3A_149 {
        %add3A_174 = arith.constant 4 : i32
        %add3A_175 = arith.addi %while3A_138, %add3A_174 : i32
        %add3A_176 = arith.constant 4 : i32
        %add3A_177 = arith.addi %while3A_138, %add3A_176 : i32
        %rem3A_178 = arith.constant 8 : i32
        %rem3A_179 = arith.remsi %add3A_177, %rem3A_178 : i32
        %dma_start3A_180 = arith.constant 0 : i32
        %dma_start3A_181 = arith.constant 0 : i32
        %dma_start3A_182 = tpu.memref_slice %arg8[%rem3A_179, %dma_start3A_180, %dma_start3A_181] : memref<8x128x16xf32, #tpu.memory_space<vmem>> -> memref<1x128x16xf32, #tpu.memory_space<vmem>>
        %dma_start3A_183 = tpu.memref_squeeze %dma_start3A_182 : memref<1x128x16xf32, #tpu.memory_space<vmem>> -> memref<128x16xf32, #tpu.memory_space<vmem>>
        %dma_start3A_184 = arith.constant 0 : i32
        %dma_start3A_185 = tpu.memref_slice %arg6[%add3A_175, %dma_start3A_184] : memref<79x128xi32, #tpu.memory_space<vmem>> -> memref<1x128xi32, #tpu.memory_space<vmem>>
        %dma_start3A_186 = tpu.memref_squeeze %dma_start3A_185 : memref<1x128xi32, #tpu.memory_space<vmem>> -> memref<128xi32, #tpu.memory_space<vmem>>
        %dma_start3A_187 = arith.constant 0 : i32
        %dma_start3A_188 = arith.constant 0 : i32
        %dma_start3A_189 = tpu.memref_slice %arg11[%dma_start3A_187, %dma_start3A_188] : memref<10240x16xf32, #tpu.memory_space<vmem_shared>> -> memref<10240x16xf32, #tpu.memory_space<vmem_shared>>
        tpu.enqueue_indirect_dma source(%dma_start3A_189 : memref<10240x16xf32, #tpu.memory_space<vmem_shared>>) target(%dma_start3A_183 : memref<128x16xf32, #tpu.memory_space<vmem>>) offsets(%dma_start3A_186 : memref<128xi32, #tpu.memory_space<vmem>>) semaphore(%arg12 : memref<!tpu.dma_semaphore, #tpu.memory_space<semaphore_mem>>)
      } else {
      }
      %dma_wait3A_150 = arith.constant 0 : i32
      %dma_wait3A_151 = arith.constant 0 : i32
      %dma_wait3A_152 = arith.constant 0 : i32
      %dma_wait3A_153 = arith.constant 0 : i32
      %dma_wait3A_154 = tpu.memref_slice %arg8[%dma_wait3A_151, %dma_wait3A_152, %dma_wait3A_153] : memref<8x128x16xf32, #tpu.memory_space<vmem>> -> memref<1x128x16xf32, #tpu.memory_space<vmem>>
      %dma_wait3A_155 = tpu.memref_squeeze %dma_wait3A_154 : memref<1x128x16xf32, #tpu.memory_space<vmem>> -> memref<128x16xf32, #tpu.memory_space<vmem>>
      %dma_wait3A_156 = arith.constant 0 : i32
      %dma_wait3A_157 = tpu.memref_slice %arg6[%dma_wait3A_150, %dma_wait3A_156] : memref<79x128xi32, #tpu.memory_space<vmem>> -> memref<1x128xi32, #tpu.memory_space<vmem>>
      %dma_wait3A_158 = tpu.memref_squeeze %dma_wait3A_157 : memref<1x128xi32, #tpu.memory_space<vmem>> -> memref<128xi32, #tpu.memory_space<vmem>>
      %dma_wait3A_159 = arith.constant 0 : i32
      %dma_wait3A_160 = arith.constant 0 : i32
      %dma_wait3A_161 = tpu.memref_slice %arg11[%dma_wait3A_159, %dma_wait3A_160] : memref<10240x16xf32, #tpu.memory_space<vmem_shared>> -> memref<10240x16xf32, #tpu.memory_space<vmem_shared>>
      tpu.wait_indirect_dma semaphore(%arg12 : memref<!tpu.dma_semaphore, #tpu.memory_space<semaphore_mem>>) src(%dma_wait3A_161 : memref<10240x16xf32, #tpu.memory_space<vmem_shared>>) dst(%dma_wait3A_155 : memref<128x16xf32, #tpu.memory_space<vmem>>)
      %rem3A = arith.constant 8 : i32
      %rem3A_162 = arith.remsi %while3A_138, %rem3A : i32
      %dma_start3A_163 = arith.constant 0 : i32
      %dma_start3A_164 = arith.constant 0 : i32
      %dma_start3A_165 = tpu.memref_slice %arg8[%rem3A_162, %dma_start3A_163, %dma_start3A_164] : memref<8x128x16xf32, #tpu.memory_space<vmem>> -> memref<1x128x16xf32, #tpu.memory_space<vmem>>
      %dma_start3A_166 = tpu.memref_squeeze %dma_start3A_165 : memref<1x128x16xf32, #tpu.memory_space<vmem>> -> memref<128x16xf32, #tpu.memory_space<vmem>>
      %dma_start3A_167 = arith.constant 0 : i32
      %dma_start3A_168 = tpu.memref_slice %arg7[%while3A_138, %dma_start3A_167] : memref<79x128xi32, #tpu.memory_space<vmem>> -> memref<1x128xi32, #tpu.memory_space<vmem>>
      %dma_start3A_169 = tpu.memref_squeeze %dma_start3A_168 : memref<1x128xi32, #tpu.memory_space<vmem>> -> memref<128xi32, #tpu.memory_space<vmem>>
      %dma_start3A_170 = arith.constant 0 : i32
      %dma_start3A_171 = arith.constant 0 : i32
      %dma_start3A_172 = tpu.memref_slice %arg10[%dma_start3A_170, %dma_start3A_171] : memref<10240x16xf32, #tpu.memory_space<vmem_shared>> -> memref<10240x16xf32, #tpu.memory_space<vmem_shared>>
      tpu.enqueue_indirect_dma source(%dma_start3A_166 : memref<128x16xf32, #tpu.memory_space<vmem>>) target(%dma_start3A_172 : memref<10240x16xf32, #tpu.memory_space<vmem_shared>>) offsets(%dma_start3A_169 : memref<128xi32, #tpu.memory_space<vmem>>) semaphore(%arg13 : memref<!tpu.dma_semaphore, #tpu.memory_space<semaphore_mem>>) {add = true}
      %while3A_173 = arith.constant 0 : i32
      scf.yield %while3A_173 : i32
    }
    %dma_wait3A = arith.constant 0 : i32
    %dma_wait3A_83 = arith.constant 0 : i32
    %dma_wait3A_84 = arith.constant 0 : i32
    %dma_wait3A_85 = arith.constant 0 : i32
    %dma_wait3A_86 = tpu.memref_slice %arg8[%dma_wait3A, %dma_wait3A_84, %dma_wait3A_85] : memref<8x128x16xf32, #tpu.memory_space<vmem>> -> memref<1x128x16xf32, #tpu.memory_space<vmem>>
    %dma_wait3A_87 = tpu.memref_squeeze %dma_wait3A_86 : memref<1x128x16xf32, #tpu.memory_space<vmem>> -> memref<128x16xf32, #tpu.memory_space<vmem>>
    %dma_wait3A_88 = arith.constant 0 : i32
    %dma_wait3A_89 = tpu.memref_slice %arg7[%dma_wait3A_83, %dma_wait3A_88] : memref<79x128xi32, #tpu.memory_space<vmem>> -> memref<1x128xi32, #tpu.memory_space<vmem>>
    %dma_wait3A_90 = tpu.memref_squeeze %dma_wait3A_89 : memref<1x128xi32, #tpu.memory_space<vmem>> -> memref<128xi32, #tpu.memory_space<vmem>>
    %dma_wait3A_91 = arith.constant 0 : i32
    %dma_wait3A_92 = arith.constant 0 : i32
    %dma_wait3A_93 = tpu.memref_slice %arg10[%dma_wait3A_91, %dma_wait3A_92] : memref<10240x16xf32, #tpu.memory_space<vmem_shared>> -> memref<10240x16xf32, #tpu.memory_space<vmem_shared>>
    tpu.wait_indirect_dma semaphore(%arg13 : memref<!tpu.dma_semaphore, #tpu.memory_space<semaphore_mem>>) src(%dma_wait3A_87 : memref<128x16xf32, #tpu.memory_space<vmem>>) dst(%dma_wait3A_93 : memref<10240x16xf32, #tpu.memory_space<vmem_shared>>)
    %dma_wait3A_94 = arith.constant 0 : i32
    %dma_wait3A_95 = arith.constant 0 : i32
    %dma_wait3A_96 = arith.constant 0 : i32
    %dma_wait3A_97 = arith.constant 0 : i32
    %dma_wait3A_98 = tpu.memref_slice %arg8[%dma_wait3A_94, %dma_wait3A_96, %dma_wait3A_97] : memref<8x128x16xf32, #tpu.memory_space<vmem>> -> memref<1x128x16xf32, #tpu.memory_space<vmem>>
    %dma_wait3A_99 = tpu.memref_squeeze %dma_wait3A_98 : memref<1x128x16xf32, #tpu.memory_space<vmem>> -> memref<128x16xf32, #tpu.memory_space<vmem>>
    %dma_wait3A_100 = arith.constant 0 : i32
    %dma_wait3A_101 = tpu.memref_slice %arg7[%dma_wait3A_95, %dma_wait3A_100] : memref<79x128xi32, #tpu.memory_space<vmem>> -> memref<1x128xi32, #tpu.memory_space<vmem>>
    %dma_wait3A_102 = tpu.memref_squeeze %dma_wait3A_101 : memref<1x128xi32, #tpu.memory_space<vmem>> -> memref<128xi32, #tpu.memory_space<vmem>>
    %dma_wait3A_103 = arith.constant 0 : i32
    %dma_wait3A_104 = arith.constant 0 : i32
    %dma_wait3A_105 = tpu.memref_slice %arg10[%dma_wait3A_103, %dma_wait3A_104] : memref<10240x16xf32, #tpu.memory_space<vmem_shared>> -> memref<10240x16xf32, #tpu.memory_space<vmem_shared>>
    tpu.wait_indirect_dma semaphore(%arg13 : memref<!tpu.dma_semaphore, #tpu.memory_space<semaphore_mem>>) src(%dma_wait3A_99 : memref<128x16xf32, #tpu.memory_space<vmem>>) dst(%dma_wait3A_105 : memref<10240x16xf32, #tpu.memory_space<vmem_shared>>)
    %dma_wait3A_106 = arith.constant 0 : i32
    %dma_wait3A_107 = arith.constant 0 : i32
    %dma_wait3A_108 = arith.constant 0 : i32
    %dma_wait3A_109 = arith.constant 0 : i32
    %dma_wait3A_110 = tpu.memref_slice %arg8[%dma_wait3A_106, %dma_wait3A_108, %dma_wait3A_109] : memref<8x128x16xf32, #tpu.memory_space<vmem>> -> memref<1x128x16xf32, #tpu.memory_space<vmem>>
    %dma_wait3A_111 = tpu.memref_squeeze %dma_wait3A_110 : memref<1x128x16xf32, #tpu.memory_space<vmem>> -> memref<128x16xf32, #tpu.memory_space<vmem>>
    %dma_wait3A_112 = arith.constant 0 : i32
    %dma_wait3A_113 = tpu.memref_slice %arg7[%dma_wait3A_107, %dma_wait3A_112] : memref<79x128xi32, #tpu.memory_space<vmem>> -> memref<1x128xi32, #tpu.memory_space<vmem>>
    %dma_wait3A_114 = tpu.memref_squeeze %dma_wait3A_113 : memref<1x128xi32, #tpu.memory_space<vmem>> -> memref<128xi32, #tpu.memory_space<vmem>>
    %dma_wait3A_115 = arith.constant 0 : i32
    %dma_wait3A_116 = arith.constant 0 : i32
    %dma_wait3A_117 = tpu.memref_slice %arg10[%dma_wait3A_115, %dma_wait3A_116] : memref<10240x16xf32, #tpu.memory_space<vmem_shared>> -> memref<10240x16xf32, #tpu.memory_space<vmem_shared>>
    tpu.wait_indirect_dma semaphore(%arg13 : memref<!tpu.dma_semaphore, #tpu.memory_space<semaphore_mem>>) src(%dma_wait3A_111 : memref<128x16xf32, #tpu.memory_space<vmem>>) dst(%dma_wait3A_117 : memref<10240x16xf32, #tpu.memory_space<vmem_shared>>)
    %dma_wait3A_118 = arith.constant 0 : i32
    %dma_wait3A_119 = arith.constant 0 : i32
    %dma_wait3A_120 = arith.constant 0 : i32
    %dma_wait3A_121 = arith.constant 0 : i32
    %dma_wait3A_122 = tpu.memref_slice %arg8[%dma_wait3A_118, %dma_wait3A_120, %dma_wait3A_121] : memref<8x128x16xf32, #tpu.memory_space<vmem>> -> memref<1x128x16xf32, #tpu.memory_space<vmem>>
    %dma_wait3A_123 = tpu.memref_squeeze %dma_wait3A_122 : memref<1x128x16xf32, #tpu.memory_space<vmem>> -> memref<128x16xf32, #tpu.memory_space<vmem>>
    %dma_wait3A_124 = arith.constant 0 : i32
    %dma_wait3A_125 = tpu.memref_slice %arg7[%dma_wait3A_119, %dma_wait3A_124] : memref<79x128xi32, #tpu.memory_space<vmem>> -> memref<1x128xi32, #tpu.memory_space<vmem>>
    %dma_wait3A_126 = tpu.memref_squeeze %dma_wait3A_125 : memref<1x128xi32, #tpu.memory_space<vmem>> -> memref<128xi32, #tpu.memory_space<vmem>>
    %dma_wait3A_127 = arith.constant 0 : i32
    %dma_wait3A_128 = arith.constant 0 : i32
    %dma_wait3A_129 = tpu.memref_slice %arg10[%dma_wait3A_127, %dma_wait3A_128] : memref<10240x16xf32, #tpu.memory_space<vmem_shared>> -> memref<10240x16xf32, #tpu.memory_space<vmem_shared>>
    tpu.wait_indirect_dma semaphore(%arg13 : memref<!tpu.dma_semaphore, #tpu.memory_space<semaphore_mem>>) src(%dma_wait3A_123 : memref<128x16xf32, #tpu.memory_space<vmem>>) dst(%dma_wait3A_129 : memref<10240x16xf32, #tpu.memory_space<vmem_shared>>)
    %barrier3A_130 = arith.constant 0 : index
    tpu.barrier barrier_id(%barrier3A_130)
    %scan3A_131 = arith.constant 0 : i32
    %scan3A_132 = arith.constant 0 : i32
    %scan3A_133 = arith.constant 5 : i32
    %scan3A_134 = arith.addi %scan3A_132, %scan3A_133 : i32
    %scan3A_135 = arith.constant 1 : i32
    %scan3A_136 = scf.for %scan3A_138 = %scan3A_132 to %scan3A_134 step %scan3A_135 iter_args(%scan3A_139 = %scan3A_131) -> (i32)  : i32 {
      %mul3A_140 = arith.constant 640 : i32
      %mul3A_141 = arith.muli %arg1, %mul3A_140 : i32
      %mul3A_142 = arith.constant 128 : i32
      %mul3A_143 = arith.muli %scan3A_138, %mul3A_142 : i32
      %add3A_144 = arith.addi %mul3A_141, %mul3A_143 : i32
      "tpu.region"() ({
        %run_scoped3A = tpu.sem_alloc : memref<!tpu.dma_semaphore, #tpu.memory_space<semaphore_mem>>
        %dma_start3A_146 = arith.constant 0 : i32
        %dma_start3A_147 = tpu.memref_slice %arg5[%arg0, %add3A_144, %dma_start3A_146] : memref<2x10240x128xf32, #tpu.memory_space<hbm>> -> memref<1x128x16xf32, #tpu.memory_space<hbm>>
        %dma_start3A_148 = tpu.memref_squeeze %dma_start3A_147 : memref<1x128x16xf32, #tpu.memory_space<hbm>> -> memref<128x16xf32, #tpu.memory_space<hbm>>
        %dma_start3A_149 = arith.constant 0 : i32
        %dma_start3A_150 = tpu.memref_slice %arg10[%add3A_144, %dma_start3A_149] : memref<10240x16xf32, #tpu.memory_space<vmem_shared>> -> memref<128x16xf32, #tpu.memory_space<vmem_shared>>
        tpu.enqueue_dma source(%dma_start3A_150 : memref<128x16xf32, #tpu.memory_space<vmem_shared>>) target(%dma_start3A_148 : memref<128x16xf32, #tpu.memory_space<hbm>>) target_semaphore(%run_scoped3A : memref<!tpu.dma_semaphore, #tpu.memory_space<semaphore_mem>>)
        %dma_wait3A_151 = arith.constant 0 : i32
        %dma_wait3A_152 = tpu.memref_slice %arg5[%arg0, %add3A_144, %dma_wait3A_151] : memref<2x10240x128xf32, #tpu.memory_space<hbm>> -> memref<1x128x16xf32, #tpu.memory_space<hbm>>
        %dma_wait3A_153 = tpu.memref_squeeze %dma_wait3A_152 : memref<1x128x16xf32, #tpu.memory_space<hbm>> -> memref<128x16xf32, #tpu.memory_space<hbm>>
        %dma_wait3A_154 = arith.constant 0 : i32
        %dma_wait3A_155 = tpu.memref_slice %arg10[%add3A_144, %dma_wait3A_154] : memref<10240x16xf32, #tpu.memory_space<vmem_shared>> -> memref<128x16xf32, #tpu.memory_space<vmem_shared>>
        tpu.wait_dma2 semaphore(%run_scoped3A : memref<!tpu.dma_semaphore, #tpu.memory_space<semaphore_mem>>) src(%dma_wait3A_155 : memref<128x16xf32, #tpu.memory_space<vmem_shared>>) dst(%dma_wait3A_153 : memref<128x16xf32, #tpu.memory_space<hbm>>)
        tpu.yield
      }) : () -> ()
      %scan3A_145 = arith.constant 0 : i32
      scf.yield %scan3A_145 : i32
    }
    %scan3A_137 = arith.constant 5 : i32
    return
  }
}

#map = affine_map<(d0, d1) -> (0, 0)>
#map1 = affine_map<(d0, d1) -> (0, 0, 0)>
module attributes {stable_mosaic.version = 14 : i64} {
  func.func @scat_kernel(%arg0: i32, %arg1: i32, %arg2: memref<10240x128xf32, #tpu.memory_space<hbm>>, %arg3: memref<2500x128xi32, #tpu.memory_space<hbm>>, %arg4: memref<2500x128xi32, #tpu.memory_space<hbm>>, %arg5: memref<2x10240x128xf32, #tpu.memory_space<hbm>>, %arg6: memref<79x128xi32, #tpu.memory_space<vmem>>, %arg7: memref<79x128xi32, #tpu.memory_space<vmem>>, %arg8: memref<8x128x32xf32, #tpu.memory_space<vmem>>, %arg9: memref<128x32xf32, #tpu.memory_space<vmem>>, %arg10: memref<10240x32xf32, #tpu.memory_space<vmem_shared>>, %arg11: memref<10240x32xf32, #tpu.memory_space<vmem_shared>>, %arg12: memref<!tpu.dma_semaphore, #tpu.memory_space<semaphore_mem>>, %arg13: memref<!tpu.dma_semaphore, #tpu.memory_space<semaphore_mem>>) attributes {dimension_semantics = [#tpu.dimension_semantics<core_parallel>, #tpu.dimension_semantics<subcore_parallel>], iteration_bounds = array<i64: 2, 16>, scalar_prefetch = 0 : i64, scratch_operands = 8 : i64, tpu.core_type = #tpu.core_type<sc_vector_subcore>, window_params = [{transform_indices = #map}, {transform_indices = #map}, {transform_indices = #map}, {transform_indices = #map1}]} {
    %mul3A = arith.constant 2 : i32
    %mul3A_0 = arith.muli %arg1, %mul3A : i32
    %add3A = arith.addi %mul3A_0, %arg0 : i32
    %scan3A = arith.constant 0 : i32
    %scan3A_1 = arith.constant 0 : i32
    %scan3A_2 = arith.constant 256 : i32
    %scan3A_3 = arith.addi %scan3A_1, %scan3A_2 : i32
    %scan3A_4 = arith.constant 1 : i32
    %scan3A_5 = scf.for %scan3A_263 = %scan3A_1 to %scan3A_3 step %scan3A_4 iter_args(%scan3A_264 = %scan3A) -> (i32)  : i32 {
      %jit3A_265 = arith.constant 2 : i32
      %div3A = arith.divsi %scan3A_263, %jit3A_265 : i32
      %sign3A = arith.constant 0 : i32
      %sign3A_266 = arith.cmpi sgt, %scan3A_263, %sign3A : i32
      %sign3A_267 = arith.extui %sign3A_266 : i1 to i32
      %sign3A_268 = arith.constant 0 : i32
      %sign3A_269 = arith.cmpi slt, %scan3A_263, %sign3A_268 : i32
      %sign3A_270 = arith.extui %sign3A_269 : i1 to i32
      %sign3A_271 = arith.subi %sign3A_267, %sign3A_270 : i32
      %sign3A_272 = arith.constant 0 : i32
      %sign3A_273 = arith.cmpi sgt, %jit3A_265, %sign3A_272 : i32
      %sign3A_274 = arith.extui %sign3A_273 : i1 to i32
      %sign3A_275 = arith.constant 0 : i32
      %sign3A_276 = arith.cmpi slt, %jit3A_265, %sign3A_275 : i32
      %sign3A_277 = arith.extui %sign3A_276 : i1 to i32
      %sign3A_278 = arith.subi %sign3A_274, %sign3A_277 : i32
      %ne3A = arith.cmpi ne, %sign3A_271, %sign3A_278 : i32
      %rem3A = arith.remsi %scan3A_263, %jit3A_265 : i32
      %ne3A_279 = arith.constant 0 : i32
      %ne3A_280 = arith.cmpi ne, %rem3A, %ne3A_279 : i32
      %and3A = arith.andi %ne3A, %ne3A_280 : i1
      %sub3A = arith.constant 1 : i32
      %sub3A_281 = arith.subi %div3A, %sub3A : i32
      %select_n3A_282 = arith.select %and3A, %sub3A_281, %div3A : i32
      %jit3A_283 = arith.constant 2 : i32
      %eq3A_284 = arith.constant 0 : i32
      %eq3A_285 = arith.cmpi eq, %jit3A_283, %eq3A_284 : i32
      %jit3A_286 = arith.constant 1 : i32
      %select_n3A_287 = arith.select %eq3A_285, %jit3A_286, %jit3A_283 : i32
      %rem3A_288 = arith.remsi %scan3A_263, %select_n3A_287 : i32
      %ne3A_289 = arith.constant 0 : i32
      %ne3A_290 = arith.cmpi ne, %rem3A_288, %ne3A_289 : i32
      %lt3A_291 = arith.constant 0 : i32
      %lt3A_292 = arith.cmpi slt, %rem3A_288, %lt3A_291 : i32
      %lt3A_293 = arith.constant 0 : i32
      %lt3A_294 = arith.cmpi slt, %select_n3A_287, %lt3A_293 : i32
      %ne3A_295 = arith.xori %lt3A_292, %lt3A_294 : i1
      %and3A_296 = arith.andi %ne3A_295, %ne3A_290 : i1
      %add3A_297 = arith.addi %rem3A_288, %select_n3A_287 : i32
      %select_n3A_298 = arith.select %and3A_296, %add3A_297, %rem3A_288 : i32
      %mul3A_299 = arith.constant 16 : i32
      %mul3A_300 = arith.muli %select_n3A_298, %mul3A_299 : i32
      %broadcast_in_dim3A = arith.constant 0.000000e+00 : f32
      %broadcast_in_dim3A_301 = vector.broadcast %broadcast_in_dim3A : f32 to vector<16xf32>
      %swap3A = arith.index_cast %select_n3A_282 : i32 to index
      %swap3A_302 = arith.index_cast %mul3A_300 : i32 to index
      %swap3A_303 = tpu.vector_load %arg9[%swap3A, %swap3A_302] {strides = array<i32>} : memref<128x32xf32, #tpu.memory_space<vmem>>, vector<1x16xf32>,
      %swap3A_304 = vector.shape_cast %swap3A_303 : vector<1x16xf32> to vector<16xf32>
      %swap3A_305 = vector.shape_cast %broadcast_in_dim3A_301 : vector<16xf32> to vector<1x16xf32>
      tpu.vector_store %arg9[%swap3A, %swap3A_302], %swap3A_305 {strides = array<i32>} : memref<128x32xf32, #tpu.memory_space<vmem>>, vector<1x16xf32>,
      %scan3A_306 = arith.constant 0 : i32
      scf.yield %scan3A_306 : i32
    }
    %scan3A_6 = arith.constant 256 : i32
    %eq3A = arith.constant 31 : i32
    %eq3A_7 = arith.cmpi eq, %add3A, %eq3A : i32
    %jit3A = arith.constant 51 : i32
    %jit3A_8 = arith.constant 79 : i32
    %select_n3A = arith.select %eq3A_7, %jit3A, %jit3A_8 : i32
    %lt3A = arith.constant 31 : i32
    %lt3A_9 = arith.cmpi slt, %add3A, %lt3A : i32
    %convert_element_type3A = arith.extui %lt3A_9 : i1 to i32
    %cond3A = arith.constant 0 : i32
    %cond3A_10 = arith.cmpi ne, %convert_element_type3A, %cond3A : i32
    scf.if %cond3A_10 {
      %mul3A_263 = arith.constant 79 : i32
      %mul3A_264 = arith.muli %mul3A_263, %add3A : i32
      "tpu.region"() ({
        %run_scoped3A = tpu.sem_alloc : memref<!tpu.dma_semaphore, #tpu.memory_space<semaphore_mem>>
        %dma_start3A_265 = arith.constant 0 : i32
        %dma_start3A_266 = tpu.memref_slice %arg3[%mul3A_264, %dma_start3A_265] : memref<2500x128xi32, #tpu.memory_space<hbm>> -> memref<79x128xi32, #tpu.memory_space<hbm>>
        %dma_start3A_267 = arith.constant 0 : i32
        %dma_start3A_268 = tpu.memref_slice %arg3[%mul3A_264, %dma_start3A_267] : memref<2500x128xi32, #tpu.memory_space<hbm>> -> memref<79x128xi32, #tpu.memory_space<hbm>>
        tpu.enqueue_dma source(%dma_start3A_268 : memref<79x128xi32, #tpu.memory_space<hbm>>) target(%arg6 : memref<79x128xi32, #tpu.memory_space<vmem>>) target_semaphore(%run_scoped3A : memref<!tpu.dma_semaphore, #tpu.memory_space<semaphore_mem>>)
        %dma_wait3A_269 = arith.constant 0 : i32
        %dma_wait3A_270 = tpu.memref_slice %arg3[%mul3A_264, %dma_wait3A_269] : memref<2500x128xi32, #tpu.memory_space<hbm>> -> memref<79x128xi32, #tpu.memory_space<hbm>>
        %dma_wait3A_271 = arith.constant 0 : i32
        %dma_wait3A_272 = tpu.memref_slice %arg3[%mul3A_264, %dma_wait3A_271] : memref<2500x128xi32, #tpu.memory_space<hbm>> -> memref<79x128xi32, #tpu.memory_space<hbm>>
        tpu.wait_dma2 semaphore(%run_scoped3A : memref<!tpu.dma_semaphore, #tpu.memory_space<semaphore_mem>>) src(%dma_wait3A_272 : memref<79x128xi32, #tpu.memory_space<hbm>>) dst(%arg6 : memref<79x128xi32, #tpu.memory_space<vmem>>)
        tpu.yield
      }) : () -> ()
      "tpu.region"() ({
        %run_scoped3A = tpu.sem_alloc : memref<!tpu.dma_semaphore, #tpu.memory_space<semaphore_mem>>
        %dma_start3A_265 = arith.constant 0 : i32
        %dma_start3A_266 = tpu.memref_slice %arg4[%mul3A_264, %dma_start3A_265] : memref<2500x128xi32, #tpu.memory_space<hbm>> -> memref<79x128xi32, #tpu.memory_space<hbm>>
        %dma_start3A_267 = arith.constant 0 : i32
        %dma_start3A_268 = tpu.memref_slice %arg4[%mul3A_264, %dma_start3A_267] : memref<2500x128xi32, #tpu.memory_space<hbm>> -> memref<79x128xi32, #tpu.memory_space<hbm>>
        tpu.enqueue_dma source(%dma_start3A_268 : memref<79x128xi32, #tpu.memory_space<hbm>>) target(%arg7 : memref<79x128xi32, #tpu.memory_space<vmem>>) target_semaphore(%run_scoped3A : memref<!tpu.dma_semaphore, #tpu.memory_space<semaphore_mem>>)
        %dma_wait3A_269 = arith.constant 0 : i32
        %dma_wait3A_270 = tpu.memref_slice %arg4[%mul3A_264, %dma_wait3A_269] : memref<2500x128xi32, #tpu.memory_space<hbm>> -> memref<79x128xi32, #tpu.memory_space<hbm>>
        %dma_wait3A_271 = arith.constant 0 : i32
        %dma_wait3A_272 = tpu.memref_slice %arg4[%mul3A_264, %dma_wait3A_271] : memref<2500x128xi32, #tpu.memory_space<hbm>> -> memref<79x128xi32, #tpu.memory_space<hbm>>
        tpu.wait_dma2 semaphore(%run_scoped3A : memref<!tpu.dma_semaphore, #tpu.memory_space<semaphore_mem>>) src(%dma_wait3A_272 : memref<79x128xi32, #tpu.memory_space<hbm>>) dst(%arg7 : memref<79x128xi32, #tpu.memory_space<vmem>>)
        tpu.yield
      }) : () -> ()
    } else {
    }
    %eq3A_11 = arith.constant 31 : i32
    %eq3A_12 = arith.cmpi eq, %add3A, %eq3A_11 : i32
    %convert_element_type3A_13 = arith.extui %eq3A_12 : i1 to i32
    %cond3A_14 = arith.constant 0 : i32
    %cond3A_15 = arith.cmpi ne, %convert_element_type3A_13, %cond3A_14 : i32
    scf.if %cond3A_15 {
      "tpu.region"() ({
        %run_scoped3A = tpu.sem_alloc : memref<!tpu.dma_semaphore, #tpu.memory_space<semaphore_mem>>
        %dma_start3A_263 = arith.constant 0 : i32
        %dma_start3A_264 = arith.constant 0 : i32
        %dma_start3A_265 = tpu.memref_slice %arg6[%dma_start3A_263, %dma_start3A_264] : memref<79x128xi32, #tpu.memory_space<vmem>> -> memref<51x128xi32, #tpu.memory_space<vmem>>
        %dma_start3A_266 = arith.constant 2449 : i32
        %dma_start3A_267 = arith.constant 0 : i32
        %dma_start3A_268 = tpu.memref_slice %arg3[%dma_start3A_266, %dma_start3A_267] : memref<2500x128xi32, #tpu.memory_space<hbm>> -> memref<51x128xi32, #tpu.memory_space<hbm>>
        %dma_start3A_269 = arith.constant 0 : i32
        %dma_start3A_270 = arith.constant 0 : i32
        %dma_start3A_271 = tpu.memref_slice %arg6[%dma_start3A_269, %dma_start3A_270] : memref<79x128xi32, #tpu.memory_space<vmem>> -> memref<51x128xi32, #tpu.memory_space<vmem>>
        %dma_start3A_272 = arith.constant 2449 : i32
        %dma_start3A_273 = arith.constant 0 : i32
        %dma_start3A_274 = tpu.memref_slice %arg3[%dma_start3A_272, %dma_start3A_273] : memref<2500x128xi32, #tpu.memory_space<hbm>> -> memref<51x128xi32, #tpu.memory_space<hbm>>
        tpu.enqueue_dma source(%dma_start3A_274 : memref<51x128xi32, #tpu.memory_space<hbm>>) target(%dma_start3A_271 : memref<51x128xi32, #tpu.memory_space<vmem>>) target_semaphore(%run_scoped3A : memref<!tpu.dma_semaphore, #tpu.memory_space<semaphore_mem>>)
        %dma_wait3A_275 = arith.constant 0 : i32
        %dma_wait3A_276 = arith.constant 0 : i32
        %dma_wait3A_277 = tpu.memref_slice %arg6[%dma_wait3A_275, %dma_wait3A_276] : memref<79x128xi32, #tpu.memory_space<vmem>> -> memref<51x128xi32, #tpu.memory_space<vmem>>
        %dma_wait3A_278 = arith.constant 2449 : i32
        %dma_wait3A_279 = arith.constant 0 : i32
        %dma_wait3A_280 = tpu.memref_slice %arg3[%dma_wait3A_278, %dma_wait3A_279] : memref<2500x128xi32, #tpu.memory_space<hbm>> -> memref<51x128xi32, #tpu.memory_space<hbm>>
        %dma_wait3A_281 = arith.constant 0 : i32
        %dma_wait3A_282 = arith.constant 0 : i32
        %dma_wait3A_283 = tpu.memref_slice %arg6[%dma_wait3A_281, %dma_wait3A_282] : memref<79x128xi32, #tpu.memory_space<vmem>> -> memref<51x128xi32, #tpu.memory_space<vmem>>
        %dma_wait3A_284 = arith.constant 2449 : i32
        %dma_wait3A_285 = arith.constant 0 : i32
        %dma_wait3A_286 = tpu.memref_slice %arg3[%dma_wait3A_284, %dma_wait3A_285] : memref<2500x128xi32, #tpu.memory_space<hbm>> -> memref<51x128xi32, #tpu.memory_space<hbm>>
        tpu.wait_dma2 semaphore(%run_scoped3A : memref<!tpu.dma_semaphore, #tpu.memory_space<semaphore_mem>>) src(%dma_wait3A_286 : memref<51x128xi32, #tpu.memory_space<hbm>>) dst(%dma_wait3A_283 : memref<51x128xi32, #tpu.memory_space<vmem>>)
        tpu.yield
      }) : () -> ()
      "tpu.region"() ({
        %run_scoped3A = tpu.sem_alloc : memref<!tpu.dma_semaphore, #tpu.memory_space<semaphore_mem>>
        %dma_start3A_263 = arith.constant 0 : i32
        %dma_start3A_264 = arith.constant 0 : i32
        %dma_start3A_265 = tpu.memref_slice %arg7[%dma_start3A_263, %dma_start3A_264] : memref<79x128xi32, #tpu.memory_space<vmem>> -> memref<51x128xi32, #tpu.memory_space<vmem>>
        %dma_start3A_266 = arith.constant 2449 : i32
        %dma_start3A_267 = arith.constant 0 : i32
        %dma_start3A_268 = tpu.memref_slice %arg4[%dma_start3A_266, %dma_start3A_267] : memref<2500x128xi32, #tpu.memory_space<hbm>> -> memref<51x128xi32, #tpu.memory_space<hbm>>
        %dma_start3A_269 = arith.constant 0 : i32
        %dma_start3A_270 = arith.constant 0 : i32
        %dma_start3A_271 = tpu.memref_slice %arg7[%dma_start3A_269, %dma_start3A_270] : memref<79x128xi32, #tpu.memory_space<vmem>> -> memref<51x128xi32, #tpu.memory_space<vmem>>
        %dma_start3A_272 = arith.constant 2449 : i32
        %dma_start3A_273 = arith.constant 0 : i32
        %dma_start3A_274 = tpu.memref_slice %arg4[%dma_start3A_272, %dma_start3A_273] : memref<2500x128xi32, #tpu.memory_space<hbm>> -> memref<51x128xi32, #tpu.memory_space<hbm>>
        tpu.enqueue_dma source(%dma_start3A_274 : memref<51x128xi32, #tpu.memory_space<hbm>>) target(%dma_start3A_271 : memref<51x128xi32, #tpu.memory_space<vmem>>) target_semaphore(%run_scoped3A : memref<!tpu.dma_semaphore, #tpu.memory_space<semaphore_mem>>)
        %dma_wait3A_275 = arith.constant 0 : i32
        %dma_wait3A_276 = arith.constant 0 : i32
        %dma_wait3A_277 = tpu.memref_slice %arg7[%dma_wait3A_275, %dma_wait3A_276] : memref<79x128xi32, #tpu.memory_space<vmem>> -> memref<51x128xi32, #tpu.memory_space<vmem>>
        %dma_wait3A_278 = arith.constant 2449 : i32
        %dma_wait3A_279 = arith.constant 0 : i32
        %dma_wait3A_280 = tpu.memref_slice %arg4[%dma_wait3A_278, %dma_wait3A_279] : memref<2500x128xi32, #tpu.memory_space<hbm>> -> memref<51x128xi32, #tpu.memory_space<hbm>>
        %dma_wait3A_281 = arith.constant 0 : i32
        %dma_wait3A_282 = arith.constant 0 : i32
        %dma_wait3A_283 = tpu.memref_slice %arg7[%dma_wait3A_281, %dma_wait3A_282] : memref<79x128xi32, #tpu.memory_space<vmem>> -> memref<51x128xi32, #tpu.memory_space<vmem>>
        %dma_wait3A_284 = arith.constant 2449 : i32
        %dma_wait3A_285 = arith.constant 0 : i32
        %dma_wait3A_286 = tpu.memref_slice %arg4[%dma_wait3A_284, %dma_wait3A_285] : memref<2500x128xi32, #tpu.memory_space<hbm>> -> memref<51x128xi32, #tpu.memory_space<hbm>>
        tpu.wait_dma2 semaphore(%run_scoped3A : memref<!tpu.dma_semaphore, #tpu.memory_space<semaphore_mem>>) src(%dma_wait3A_286 : memref<51x128xi32, #tpu.memory_space<hbm>>) dst(%dma_wait3A_283 : memref<51x128xi32, #tpu.memory_space<vmem>>)
        tpu.yield
      }) : () -> ()
    } else {
    }
    %mul3A_16 = arith.constant 640 : i32
    %mul3A_17 = arith.muli %arg1, %mul3A_16 : i32
    %scan3A_18 = arith.constant 0 : i32
    %scan3A_19 = arith.constant 0 : i32
    %scan3A_20 = arith.constant 5 : i32
    %scan3A_21 = arith.addi %scan3A_19, %scan3A_20 : i32
    %scan3A_22 = arith.constant 1 : i32
    %scan3A_23 = scf.for %scan3A_263 = %scan3A_19 to %scan3A_21 step %scan3A_22 iter_args(%scan3A_264 = %scan3A_18) -> (i32)  : i32 {
      %mul3A_265 = arith.constant 640 : i32
      %mul3A_266 = arith.muli %arg1, %mul3A_265 : i32
      %mul3A_267 = arith.constant 128 : i32
      %mul3A_268 = arith.muli %scan3A_263, %mul3A_267 : i32
      %add3A_269 = arith.addi %mul3A_266, %mul3A_268 : i32
      "tpu.region"() ({
        %run_scoped3A = tpu.sem_alloc : memref<!tpu.dma_semaphore, #tpu.memory_space<semaphore_mem>>
        %dma_start3A_271 = arith.constant 0 : i32
        %dma_start3A_272 = tpu.memref_slice %arg10[%add3A_269, %dma_start3A_271] : memref<10240x32xf32, #tpu.memory_space<vmem_shared>> -> memref<128x32xf32, #tpu.memory_space<vmem_shared>>
        %dma_start3A_273 = arith.constant 0 : i32
        %dma_start3A_274 = tpu.memref_slice %arg10[%add3A_269, %dma_start3A_273] : memref<10240x32xf32, #tpu.memory_space<vmem_shared>> -> memref<128x32xf32, #tpu.memory_space<vmem_shared>>
        tpu.enqueue_dma source(%arg9 : memref<128x32xf32, #tpu.memory_space<vmem>>) target(%dma_start3A_274 : memref<128x32xf32, #tpu.memory_space<vmem_shared>>) target_semaphore(%run_scoped3A : memref<!tpu.dma_semaphore, #tpu.memory_space<semaphore_mem>>)
        %dma_wait3A_275 = arith.constant 0 : i32
        %dma_wait3A_276 = tpu.memref_slice %arg10[%add3A_269, %dma_wait3A_275] : memref<10240x32xf32, #tpu.memory_space<vmem_shared>> -> memref<128x32xf32, #tpu.memory_space<vmem_shared>>
        %dma_wait3A_277 = arith.constant 0 : i32
        %dma_wait3A_278 = tpu.memref_slice %arg10[%add3A_269, %dma_wait3A_277] : memref<10240x32xf32, #tpu.memory_space<vmem_shared>> -> memref<128x32xf32, #tpu.memory_space<vmem_shared>>
        tpu.wait_dma2 semaphore(%run_scoped3A : memref<!tpu.dma_semaphore, #tpu.memory_space<semaphore_mem>>) src(%arg9 : memref<128x32xf32, #tpu.memory_space<vmem>>) dst(%dma_wait3A_278 : memref<128x32xf32, #tpu.memory_space<vmem_shared>>)
        tpu.yield
      }) : () -> ()
      %scan3A_270 = arith.constant 0 : i32
      scf.yield %scan3A_270 : i32
    }
    %scan3A_24 = arith.constant 5 : i32
    "tpu.region"() ({
      %run_scoped3A = tpu.sem_alloc : memref<!tpu.dma_semaphore, #tpu.memory_space<semaphore_mem>>
      %dma_start3A_263 = arith.constant 0 : i32
      %dma_start3A_264 = tpu.memref_slice %arg11[%mul3A_17, %dma_start3A_263] : memref<10240x32xf32, #tpu.memory_space<vmem_shared>> -> memref<640x32xf32, #tpu.memory_space<vmem_shared>>
      %dma_start3A_265 = arith.constant 0 : i32
      %dma_start3A_266 = tpu.memref_slice %arg2[%mul3A_17, %dma_start3A_265] : memref<10240x128xf32, #tpu.memory_space<hbm>> -> memref<640x32xf32, #tpu.memory_space<hbm>>
      tpu.enqueue_dma source(%dma_start3A_266 : memref<640x32xf32, #tpu.memory_space<hbm>>) target(%dma_start3A_264 : memref<640x32xf32, #tpu.memory_space<vmem_shared>>) target_semaphore(%run_scoped3A : memref<!tpu.dma_semaphore, #tpu.memory_space<semaphore_mem>>)
      %dma_wait3A_267 = arith.constant 0 : i32
      %dma_wait3A_268 = tpu.memref_slice %arg11[%mul3A_17, %dma_wait3A_267] : memref<10240x32xf32, #tpu.memory_space<vmem_shared>> -> memref<640x32xf32, #tpu.memory_space<vmem_shared>>
      %dma_wait3A_269 = arith.constant 0 : i32
      %dma_wait3A_270 = tpu.memref_slice %arg2[%mul3A_17, %dma_wait3A_269] : memref<10240x128xf32, #tpu.memory_space<hbm>> -> memref<640x32xf32, #tpu.memory_space<hbm>>
      tpu.wait_dma2 semaphore(%run_scoped3A : memref<!tpu.dma_semaphore, #tpu.memory_space<semaphore_mem>>) src(%dma_wait3A_270 : memref<640x32xf32, #tpu.memory_space<hbm>>) dst(%dma_wait3A_268 : memref<640x32xf32, #tpu.memory_space<vmem_shared>>)
      tpu.yield
    }) : () -> ()
    %barrier3A = arith.constant 0 : index
    tpu.barrier barrier_id(%barrier3A)
    %dma_start3A = arith.constant 0 : i32
    %dma_start3A_25 = arith.constant 0 : i32
    %dma_start3A_26 = arith.constant 0 : i32
    %dma_start3A_27 = arith.constant 0 : i32
    %dma_start3A_28 = tpu.memref_slice %arg8[%dma_start3A_25, %dma_start3A_26, %dma_start3A_27] : memref<8x128x32xf32, #tpu.memory_space<vmem>> -> memref<1x128x32xf32, #tpu.memory_space<vmem>>
    %dma_start3A_29 = tpu.memref_squeeze %dma_start3A_28 : memref<1x128x32xf32, #tpu.memory_space<vmem>> -> memref<128x32xf32, #tpu.memory_space<vmem>>
    %dma_start3A_30 = arith.constant 0 : i32
    %dma_start3A_31 = tpu.memref_slice %arg6[%dma_start3A, %dma_start3A_30] : memref<79x128xi32, #tpu.memory_space<vmem>> -> memref<1x128xi32, #tpu.memory_space<vmem>>
    %dma_start3A_32 = tpu.memref_squeeze %dma_start3A_31 : memref<1x128xi32, #tpu.memory_space<vmem>> -> memref<128xi32, #tpu.memory_space<vmem>>
    %dma_start3A_33 = arith.constant 0 : i32
    %dma_start3A_34 = arith.constant 0 : i32
    %dma_start3A_35 = tpu.memref_slice %arg11[%dma_start3A_33, %dma_start3A_34] : memref<10240x32xf32, #tpu.memory_space<vmem_shared>> -> memref<10240x32xf32, #tpu.memory_space<vmem_shared>>
    tpu.enqueue_indirect_dma source(%dma_start3A_35 : memref<10240x32xf32, #tpu.memory_space<vmem_shared>>) target(%dma_start3A_29 : memref<128x32xf32, #tpu.memory_space<vmem>>) offsets(%dma_start3A_32 : memref<128xi32, #tpu.memory_space<vmem>>) semaphore(%arg12 : memref<!tpu.dma_semaphore, #tpu.memory_space<semaphore_mem>>)
    %dma_start3A_36 = arith.constant 1 : i32
    %dma_start3A_37 = arith.constant 1 : i32
    %dma_start3A_38 = arith.constant 0 : i32
    %dma_start3A_39 = arith.constant 0 : i32
    %dma_start3A_40 = tpu.memref_slice %arg8[%dma_start3A_37, %dma_start3A_38, %dma_start3A_39] : memref<8x128x32xf32, #tpu.memory_space<vmem>> -> memref<1x128x32xf32, #tpu.memory_space<vmem>>
    %dma_start3A_41 = tpu.memref_squeeze %dma_start3A_40 : memref<1x128x32xf32, #tpu.memory_space<vmem>> -> memref<128x32xf32, #tpu.memory_space<vmem>>
    %dma_start3A_42 = arith.constant 0 : i32
    %dma_start3A_43 = tpu.memref_slice %arg6[%dma_start3A_36, %dma_start3A_42] : memref<79x128xi32, #tpu.memory_space<vmem>> -> memref<1x128xi32, #tpu.memory_space<vmem>>
    %dma_start3A_44 = tpu.memref_squeeze %dma_start3A_43 : memref<1x128xi32, #tpu.memory_space<vmem>> -> memref<128xi32, #tpu.memory_space<vmem>>
    %dma_start3A_45 = arith.constant 0 : i32
    %dma_start3A_46 = arith.constant 0 : i32
    %dma_start3A_47 = tpu.memref_slice %arg11[%dma_start3A_45, %dma_start3A_46] : memref<10240x32xf32, #tpu.memory_space<vmem_shared>> -> memref<10240x32xf32, #tpu.memory_space<vmem_shared>>
    tpu.enqueue_indirect_dma source(%dma_start3A_47 : memref<10240x32xf32, #tpu.memory_space<vmem_shared>>) target(%dma_start3A_41 : memref<128x32xf32, #tpu.memory_space<vmem>>) offsets(%dma_start3A_44 : memref<128xi32, #tpu.memory_space<vmem>>) semaphore(%arg12 : memref<!tpu.dma_semaphore, #tpu.memory_space<semaphore_mem>>)
    %dma_start3A_48 = arith.constant 2 : i32
    %dma_start3A_49 = arith.constant 2 : i32
    %dma_start3A_50 = arith.constant 0 : i32
    %dma_start3A_51 = arith.constant 0 : i32
    %dma_start3A_52 = tpu.memref_slice %arg8[%dma_start3A_49, %dma_start3A_50, %dma_start3A_51] : memref<8x128x32xf32, #tpu.memory_space<vmem>> -> memref<1x128x32xf32, #tpu.memory_space<vmem>>
    %dma_start3A_53 = tpu.memref_squeeze %dma_start3A_52 : memref<1x128x32xf32, #tpu.memory_space<vmem>> -> memref<128x32xf32, #tpu.memory_space<vmem>>
    %dma_start3A_54 = arith.constant 0 : i32
    %dma_start3A_55 = tpu.memref_slice %arg6[%dma_start3A_48, %dma_start3A_54] : memref<79x128xi32, #tpu.memory_space<vmem>> -> memref<1x128xi32, #tpu.memory_space<vmem>>
    %dma_start3A_56 = tpu.memref_squeeze %dma_start3A_55 : memref<1x128xi32, #tpu.memory_space<vmem>> -> memref<128xi32, #tpu.memory_space<vmem>>
    %dma_start3A_57 = arith.constant 0 : i32
    %dma_start3A_58 = arith.constant 0 : i32
    %dma_start3A_59 = tpu.memref_slice %arg11[%dma_start3A_57, %dma_start3A_58] : memref<10240x32xf32, #tpu.memory_space<vmem_shared>> -> memref<10240x32xf32, #tpu.memory_space<vmem_shared>>
    tpu.enqueue_indirect_dma source(%dma_start3A_59 : memref<10240x32xf32, #tpu.memory_space<vmem_shared>>) target(%dma_start3A_53 : memref<128x32xf32, #tpu.memory_space<vmem>>) offsets(%dma_start3A_56 : memref<128xi32, #tpu.memory_space<vmem>>) semaphore(%arg12 : memref<!tpu.dma_semaphore, #tpu.memory_space<semaphore_mem>>)
    %dma_start3A_60 = arith.constant 3 : i32
    %dma_start3A_61 = arith.constant 3 : i32
    %dma_start3A_62 = arith.constant 0 : i32
    %dma_start3A_63 = arith.constant 0 : i32
    %dma_start3A_64 = tpu.memref_slice %arg8[%dma_start3A_61, %dma_start3A_62, %dma_start3A_63] : memref<8x128x32xf32, #tpu.memory_space<vmem>> -> memref<1x128x32xf32, #tpu.memory_space<vmem>>
    %dma_start3A_65 = tpu.memref_squeeze %dma_start3A_64 : memref<1x128x32xf32, #tpu.memory_space<vmem>> -> memref<128x32xf32, #tpu.memory_space<vmem>>
    %dma_start3A_66 = arith.constant 0 : i32
    %dma_start3A_67 = tpu.memref_slice %arg6[%dma_start3A_60, %dma_start3A_66] : memref<79x128xi32, #tpu.memory_space<vmem>> -> memref<1x128xi32, #tpu.memory_space<vmem>>
    %dma_start3A_68 = tpu.memref_squeeze %dma_start3A_67 : memref<1x128xi32, #tpu.memory_space<vmem>> -> memref<128xi32, #tpu.memory_space<vmem>>
    %dma_start3A_69 = arith.constant 0 : i32
    %dma_start3A_70 = arith.constant 0 : i32
    %dma_start3A_71 = tpu.memref_slice %arg11[%dma_start3A_69, %dma_start3A_70] : memref<10240x32xf32, #tpu.memory_space<vmem_shared>> -> memref<10240x32xf32, #tpu.memory_space<vmem_shared>>
    tpu.enqueue_indirect_dma source(%dma_start3A_71 : memref<10240x32xf32, #tpu.memory_space<vmem_shared>>) target(%dma_start3A_65 : memref<128x32xf32, #tpu.memory_space<vmem>>) offsets(%dma_start3A_68 : memref<128xi32, #tpu.memory_space<vmem>>) semaphore(%arg12 : memref<!tpu.dma_semaphore, #tpu.memory_space<semaphore_mem>>)
    %while3A = arith.constant 0 : i32
    %while3A_72 = arith.constant 0 : i32
    %while3A_73 = arith.subi %select_n3A, %while3A : i32
    %while3A_74 = arith.addi %while3A, %while3A_73 : i32
    %while3A_75 = arith.constant 1 : i32
    %while3A_76 = arith.divsi %while3A_73, %while3A_75 : i32
    %while3A_77 = arith.muli %while3A_76, %while3A_75 : i32
    %while3A_78 = arith.addi %while3A, %while3A_77 : i32
    %while3A_79 = arith.constant 1 : i32
    %while3A_80 = scf.for %while3A_263 = %while3A to %while3A_78 step %while3A_79 iter_args(%while3A_264 = %while3A_72) -> (i32)  : i32 {
      %ge3A = arith.constant 4 : i32
      %ge3A_265 = arith.cmpi sge, %while3A_263, %ge3A : i32
      %convert_element_type3A_266 = arith.extui %ge3A_265 : i1 to i32
      %cond3A_267 = arith.constant 0 : i32
      %cond3A_268 = arith.cmpi ne, %convert_element_type3A_266, %cond3A_267 : i32
      scf.if %cond3A_268 {
        %dma_wait3A_299 = arith.constant 0 : i32
        %dma_wait3A_300 = arith.constant 0 : i32
        %dma_wait3A_301 = arith.constant 0 : i32
        %dma_wait3A_302 = arith.constant 0 : i32
        %dma_wait3A_303 = tpu.memref_slice %arg8[%dma_wait3A_299, %dma_wait3A_301, %dma_wait3A_302] : memref<8x128x32xf32, #tpu.memory_space<vmem>> -> memref<1x128x32xf32, #tpu.memory_space<vmem>>
        %dma_wait3A_304 = tpu.memref_squeeze %dma_wait3A_303 : memref<1x128x32xf32, #tpu.memory_space<vmem>> -> memref<128x32xf32, #tpu.memory_space<vmem>>
        %dma_wait3A_305 = arith.constant 0 : i32
        %dma_wait3A_306 = tpu.memref_slice %arg7[%dma_wait3A_300, %dma_wait3A_305] : memref<79x128xi32, #tpu.memory_space<vmem>> -> memref<1x128xi32, #tpu.memory_space<vmem>>
        %dma_wait3A_307 = tpu.memref_squeeze %dma_wait3A_306 : memref<1x128xi32, #tpu.memory_space<vmem>> -> memref<128xi32, #tpu.memory_space<vmem>>
        %dma_wait3A_308 = arith.constant 0 : i32
        %dma_wait3A_309 = arith.constant 0 : i32
        %dma_wait3A_310 = tpu.memref_slice %arg10[%dma_wait3A_308, %dma_wait3A_309] : memref<10240x32xf32, #tpu.memory_space<vmem_shared>> -> memref<10240x32xf32, #tpu.memory_space<vmem_shared>>
        tpu.wait_indirect_dma semaphore(%arg13 : memref<!tpu.dma_semaphore, #tpu.memory_space<semaphore_mem>>) src(%dma_wait3A_304 : memref<128x32xf32, #tpu.memory_space<vmem>>) dst(%dma_wait3A_310 : memref<10240x32xf32, #tpu.memory_space<vmem_shared>>)
      } else {
      }
      %add3A_269 = arith.constant 4 : i32
      %add3A_270 = arith.addi %while3A_263, %add3A_269 : i32
      %lt3A_271 = arith.cmpi slt, %add3A_270, %select_n3A : i32
      %convert_element_type3A_272 = arith.extui %lt3A_271 : i1 to i32
      %cond3A_273 = arith.constant 0 : i32
      %cond3A_274 = arith.cmpi ne, %convert_element_type3A_272, %cond3A_273 : i32
      scf.if %cond3A_274 {
        %add3A_299 = arith.constant 4 : i32
        %add3A_300 = arith.addi %while3A_263, %add3A_299 : i32
        %add3A_301 = arith.constant 4 : i32
        %add3A_302 = arith.addi %while3A_263, %add3A_301 : i32
        %rem3A_303 = arith.constant 8 : i32
        %rem3A_304 = arith.remsi %add3A_302, %rem3A_303 : i32
        %dma_start3A_305 = arith.constant 0 : i32
        %dma_start3A_306 = arith.constant 0 : i32
        %dma_start3A_307 = tpu.memref_slice %arg8[%rem3A_304, %dma_start3A_305, %dma_start3A_306] : memref<8x128x32xf32, #tpu.memory_space<vmem>> -> memref<1x128x32xf32, #tpu.memory_space<vmem>>
        %dma_start3A_308 = tpu.memref_squeeze %dma_start3A_307 : memref<1x128x32xf32, #tpu.memory_space<vmem>> -> memref<128x32xf32, #tpu.memory_space<vmem>>
        %dma_start3A_309 = arith.constant 0 : i32
        %dma_start3A_310 = tpu.memref_slice %arg6[%add3A_300, %dma_start3A_309] : memref<79x128xi32, #tpu.memory_space<vmem>> -> memref<1x128xi32, #tpu.memory_space<vmem>>
        %dma_start3A_311 = tpu.memref_squeeze %dma_start3A_310 : memref<1x128xi32, #tpu.memory_space<vmem>> -> memref<128xi32, #tpu.memory_space<vmem>>
        %dma_start3A_312 = arith.constant 0 : i32
        %dma_start3A_313 = arith.constant 0 : i32
        %dma_start3A_314 = tpu.memref_slice %arg11[%dma_start3A_312, %dma_start3A_313] : memref<10240x32xf32, #tpu.memory_space<vmem_shared>> -> memref<10240x32xf32, #tpu.memory_space<vmem_shared>>
        tpu.enqueue_indirect_dma source(%dma_start3A_314 : memref<10240x32xf32, #tpu.memory_space<vmem_shared>>) target(%dma_start3A_308 : memref<128x32xf32, #tpu.memory_space<vmem>>) offsets(%dma_start3A_311 : memref<128xi32, #tpu.memory_space<vmem>>) semaphore(%arg12 : memref<!tpu.dma_semaphore, #tpu.memory_space<semaphore_mem>>)
      } else {
      }
      %dma_wait3A_275 = arith.constant 0 : i32
      %dma_wait3A_276 = arith.constant 0 : i32
      %dma_wait3A_277 = arith.constant 0 : i32
      %dma_wait3A_278 = arith.constant 0 : i32
      %dma_wait3A_279 = tpu.memref_slice %arg8[%dma_wait3A_276, %dma_wait3A_277, %dma_wait3A_278] : memref<8x128x32xf32, #tpu.memory_space<vmem>> -> memref<1x128x32xf32, #tpu.memory_space<vmem>>
      %dma_wait3A_280 = tpu.memref_squeeze %dma_wait3A_279 : memref<1x128x32xf32, #tpu.memory_space<vmem>> -> memref<128x32xf32, #tpu.memory_space<vmem>>
      %dma_wait3A_281 = arith.constant 0 : i32
      %dma_wait3A_282 = tpu.memref_slice %arg6[%dma_wait3A_275, %dma_wait3A_281] : memref<79x128xi32, #tpu.memory_space<vmem>> -> memref<1x128xi32, #tpu.memory_space<vmem>>
      %dma_wait3A_283 = tpu.memref_squeeze %dma_wait3A_282 : memref<1x128xi32, #tpu.memory_space<vmem>> -> memref<128xi32, #tpu.memory_space<vmem>>
      %dma_wait3A_284 = arith.constant 0 : i32
      %dma_wait3A_285 = arith.constant 0 : i32
      %dma_wait3A_286 = tpu.memref_slice %arg11[%dma_wait3A_284, %dma_wait3A_285] : memref<10240x32xf32, #tpu.memory_space<vmem_shared>> -> memref<10240x32xf32, #tpu.memory_space<vmem_shared>>
      tpu.wait_indirect_dma semaphore(%arg12 : memref<!tpu.dma_semaphore, #tpu.memory_space<semaphore_mem>>) src(%dma_wait3A_286 : memref<10240x32xf32, #tpu.memory_space<vmem_shared>>) dst(%dma_wait3A_280 : memref<128x32xf32, #tpu.memory_space<vmem>>)
      %rem3A = arith.constant 8 : i32
      %rem3A_287 = arith.remsi %while3A_263, %rem3A : i32
      %dma_start3A_288 = arith.constant 0 : i32
      %dma_start3A_289 = arith.constant 0 : i32
      %dma_start3A_290 = tpu.memref_slice %arg8[%rem3A_287, %dma_start3A_288, %dma_start3A_289] : memref<8x128x32xf32, #tpu.memory_space<vmem>> -> memref<1x128x32xf32, #tpu.memory_space<vmem>>
      %dma_start3A_291 = tpu.memref_squeeze %dma_start3A_290 : memref<1x128x32xf32, #tpu.memory_space<vmem>> -> memref<128x32xf32, #tpu.memory_space<vmem>>
      %dma_start3A_292 = arith.constant 0 : i32
      %dma_start3A_293 = tpu.memref_slice %arg7[%while3A_263, %dma_start3A_292] : memref<79x128xi32, #tpu.memory_space<vmem>> -> memref<1x128xi32, #tpu.memory_space<vmem>>
      %dma_start3A_294 = tpu.memref_squeeze %dma_start3A_293 : memref<1x128xi32, #tpu.memory_space<vmem>> -> memref<128xi32, #tpu.memory_space<vmem>>
      %dma_start3A_295 = arith.constant 0 : i32
      %dma_start3A_296 = arith.constant 0 : i32
      %dma_start3A_297 = tpu.memref_slice %arg10[%dma_start3A_295, %dma_start3A_296] : memref<10240x32xf32, #tpu.memory_space<vmem_shared>> -> memref<10240x32xf32, #tpu.memory_space<vmem_shared>>
      tpu.enqueue_indirect_dma source(%dma_start3A_291 : memref<128x32xf32, #tpu.memory_space<vmem>>) target(%dma_start3A_297 : memref<10240x32xf32, #tpu.memory_space<vmem_shared>>) offsets(%dma_start3A_294 : memref<128xi32, #tpu.memory_space<vmem>>) semaphore(%arg13 : memref<!tpu.dma_semaphore, #tpu.memory_space<semaphore_mem>>) {add = true}
      %while3A_298 = arith.constant 0 : i32
      scf.yield %while3A_298 : i32
    }
    %while3A_81 = arith.constant 1 : i32
    %while3A_82 = scf.for %while3A_263 = %while3A_78 to %while3A_74 step %while3A_81 iter_args(%while3A_264 = %while3A_80) -> (i32)  : i32 {
      %ge3A = arith.constant 4 : i32
      %ge3A_265 = arith.cmpi sge, %while3A_263, %ge3A : i32
      %convert_element_type3A_266 = arith.extui %ge3A_265 : i1 to i32
      %cond3A_267 = arith.constant 0 : i32
      %cond3A_268 = arith.cmpi ne, %convert_element_type3A_266, %cond3A_267 : i32
      scf.if %cond3A_268 {
        %dma_wait3A_299 = arith.constant 0 : i32
        %dma_wait3A_300 = arith.constant 0 : i32
        %dma_wait3A_301 = arith.constant 0 : i32
        %dma_wait3A_302 = arith.constant 0 : i32
        %dma_wait3A_303 = tpu.memref_slice %arg8[%dma_wait3A_299, %dma_wait3A_301, %dma_wait3A_302] : memref<8x128x32xf32, #tpu.memory_space<vmem>> -> memref<1x128x32xf32, #tpu.memory_space<vmem>>
        %dma_wait3A_304 = tpu.memref_squeeze %dma_wait3A_303 : memref<1x128x32xf32, #tpu.memory_space<vmem>> -> memref<128x32xf32, #tpu.memory_space<vmem>>
        %dma_wait3A_305 = arith.constant 0 : i32
        %dma_wait3A_306 = tpu.memref_slice %arg7[%dma_wait3A_300, %dma_wait3A_305] : memref<79x128xi32, #tpu.memory_space<vmem>> -> memref<1x128xi32, #tpu.memory_space<vmem>>
        %dma_wait3A_307 = tpu.memref_squeeze %dma_wait3A_306 : memref<1x128xi32, #tpu.memory_space<vmem>> -> memref<128xi32, #tpu.memory_space<vmem>>
        %dma_wait3A_308 = arith.constant 0 : i32
        %dma_wait3A_309 = arith.constant 0 : i32
        %dma_wait3A_310 = tpu.memref_slice %arg10[%dma_wait3A_308, %dma_wait3A_309] : memref<10240x32xf32, #tpu.memory_space<vmem_shared>> -> memref<10240x32xf32, #tpu.memory_space<vmem_shared>>
        tpu.wait_indirect_dma semaphore(%arg13 : memref<!tpu.dma_semaphore, #tpu.memory_space<semaphore_mem>>) src(%dma_wait3A_304 : memref<128x32xf32, #tpu.memory_space<vmem>>) dst(%dma_wait3A_310 : memref<10240x32xf32, #tpu.memory_space<vmem_shared>>)
      } else {
      }
      %add3A_269 = arith.constant 4 : i32
      %add3A_270 = arith.addi %while3A_263, %add3A_269 : i32
      %lt3A_271 = arith.cmpi slt, %add3A_270, %select_n3A : i32
      %convert_element_type3A_272 = arith.extui %lt3A_271 : i1 to i32
      %cond3A_273 = arith.constant 0 : i32
      %cond3A_274 = arith.cmpi ne, %convert_element_type3A_272, %cond3A_273 : i32
      scf.if %cond3A_274 {
        %add3A_299 = arith.constant 4 : i32
        %add3A_300 = arith.addi %while3A_263, %add3A_299 : i32
        %add3A_301 = arith.constant 4 : i32
        %add3A_302 = arith.addi %while3A_263, %add3A_301 : i32
        %rem3A_303 = arith.constant 8 : i32
        %rem3A_304 = arith.remsi %add3A_302, %rem3A_303 : i32
        %dma_start3A_305 = arith.constant 0 : i32
        %dma_start3A_306 = arith.constant 0 : i32
        %dma_start3A_307 = tpu.memref_slice %arg8[%rem3A_304, %dma_start3A_305, %dma_start3A_306] : memref<8x128x32xf32, #tpu.memory_space<vmem>> -> memref<1x128x32xf32, #tpu.memory_space<vmem>>
        %dma_start3A_308 = tpu.memref_squeeze %dma_start3A_307 : memref<1x128x32xf32, #tpu.memory_space<vmem>> -> memref<128x32xf32, #tpu.memory_space<vmem>>
        %dma_start3A_309 = arith.constant 0 : i32
        %dma_start3A_310 = tpu.memref_slice %arg6[%add3A_300, %dma_start3A_309] : memref<79x128xi32, #tpu.memory_space<vmem>> -> memref<1x128xi32, #tpu.memory_space<vmem>>
        %dma_start3A_311 = tpu.memref_squeeze %dma_start3A_310 : memref<1x128xi32, #tpu.memory_space<vmem>> -> memref<128xi32, #tpu.memory_space<vmem>>
        %dma_start3A_312 = arith.constant 0 : i32
        %dma_start3A_313 = arith.constant 0 : i32
        %dma_start3A_314 = tpu.memref_slice %arg11[%dma_start3A_312, %dma_start3A_313] : memref<10240x32xf32, #tpu.memory_space<vmem_shared>> -> memref<10240x32xf32, #tpu.memory_space<vmem_shared>>
        tpu.enqueue_indirect_dma source(%dma_start3A_314 : memref<10240x32xf32, #tpu.memory_space<vmem_shared>>) target(%dma_start3A_308 : memref<128x32xf32, #tpu.memory_space<vmem>>) offsets(%dma_start3A_311 : memref<128xi32, #tpu.memory_space<vmem>>) semaphore(%arg12 : memref<!tpu.dma_semaphore, #tpu.memory_space<semaphore_mem>>)
      } else {
      }
      %dma_wait3A_275 = arith.constant 0 : i32
      %dma_wait3A_276 = arith.constant 0 : i32
      %dma_wait3A_277 = arith.constant 0 : i32
      %dma_wait3A_278 = arith.constant 0 : i32
      %dma_wait3A_279 = tpu.memref_slice %arg8[%dma_wait3A_276, %dma_wait3A_277, %dma_wait3A_278] : memref<8x128x32xf32, #tpu.memory_space<vmem>> -> memref<1x128x32xf32, #tpu.memory_space<vmem>>
      %dma_wait3A_280 = tpu.memref_squeeze %dma_wait3A_279 : memref<1x128x32xf32, #tpu.memory_space<vmem>> -> memref<128x32xf32, #tpu.memory_space<vmem>>
      %dma_wait3A_281 = arith.constant 0 : i32
      %dma_wait3A_282 = tpu.memref_slice %arg6[%dma_wait3A_275, %dma_wait3A_281] : memref<79x128xi32, #tpu.memory_space<vmem>> -> memref<1x128xi32, #tpu.memory_space<vmem>>
      %dma_wait3A_283 = tpu.memref_squeeze %dma_wait3A_282 : memref<1x128xi32, #tpu.memory_space<vmem>> -> memref<128xi32, #tpu.memory_space<vmem>>
      %dma_wait3A_284 = arith.constant 0 : i32
      %dma_wait3A_285 = arith.constant 0 : i32
      %dma_wait3A_286 = tpu.memref_slice %arg11[%dma_wait3A_284, %dma_wait3A_285] : memref<10240x32xf32, #tpu.memory_space<vmem_shared>> -> memref<10240x32xf32, #tpu.memory_space<vmem_shared>>
      tpu.wait_indirect_dma semaphore(%arg12 : memref<!tpu.dma_semaphore, #tpu.memory_space<semaphore_mem>>) src(%dma_wait3A_286 : memref<10240x32xf32, #tpu.memory_space<vmem_shared>>) dst(%dma_wait3A_280 : memref<128x32xf32, #tpu.memory_space<vmem>>)
      %rem3A = arith.constant 8 : i32
      %rem3A_287 = arith.remsi %while3A_263, %rem3A : i32
      %dma_start3A_288 = arith.constant 0 : i32
      %dma_start3A_289 = arith.constant 0 : i32
      %dma_start3A_290 = tpu.memref_slice %arg8[%rem3A_287, %dma_start3A_288, %dma_start3A_289] : memref<8x128x32xf32, #tpu.memory_space<vmem>> -> memref<1x128x32xf32, #tpu.memory_space<vmem>>
      %dma_start3A_291 = tpu.memref_squeeze %dma_start3A_290 : memref<1x128x32xf32, #tpu.memory_space<vmem>> -> memref<128x32xf32, #tpu.memory_space<vmem>>
      %dma_start3A_292 = arith.constant 0 : i32
      %dma_start3A_293 = tpu.memref_slice %arg7[%while3A_263, %dma_start3A_292] : memref<79x128xi32, #tpu.memory_space<vmem>> -> memref<1x128xi32, #tpu.memory_space<vmem>>
      %dma_start3A_294 = tpu.memref_squeeze %dma_start3A_293 : memref<1x128xi32, #tpu.memory_space<vmem>> -> memref<128xi32, #tpu.memory_space<vmem>>
      %dma_start3A_295 = arith.constant 0 : i32
      %dma_start3A_296 = arith.constant 0 : i32
      %dma_start3A_297 = tpu.memref_slice %arg10[%dma_start3A_295, %dma_start3A_296] : memref<10240x32xf32, #tpu.memory_space<vmem_shared>> -> memref<10240x32xf32, #tpu.memory_space<vmem_shared>>
      tpu.enqueue_indirect_dma source(%dma_start3A_291 : memref<128x32xf32, #tpu.memory_space<vmem>>) target(%dma_start3A_297 : memref<10240x32xf32, #tpu.memory_space<vmem_shared>>) offsets(%dma_start3A_294 : memref<128xi32, #tpu.memory_space<vmem>>) semaphore(%arg13 : memref<!tpu.dma_semaphore, #tpu.memory_space<semaphore_mem>>) {add = true}
      %while3A_298 = arith.constant 0 : i32
      scf.yield %while3A_298 : i32
    }
    %dma_wait3A = arith.constant 0 : i32
    %dma_wait3A_83 = arith.constant 0 : i32
    %dma_wait3A_84 = arith.constant 0 : i32
    %dma_wait3A_85 = arith.constant 0 : i32
    %dma_wait3A_86 = tpu.memref_slice %arg8[%dma_wait3A, %dma_wait3A_84, %dma_wait3A_85] : memref<8x128x32xf32, #tpu.memory_space<vmem>> -> memref<1x128x32xf32, #tpu.memory_space<vmem>>
    %dma_wait3A_87 = tpu.memref_squeeze %dma_wait3A_86 : memref<1x128x32xf32, #tpu.memory_space<vmem>> -> memref<128x32xf32, #tpu.memory_space<vmem>>
    %dma_wait3A_88 = arith.constant 0 : i32
    %dma_wait3A_89 = tpu.memref_slice %arg7[%dma_wait3A_83, %dma_wait3A_88] : memref<79x128xi32, #tpu.memory_space<vmem>> -> memref<1x128xi32, #tpu.memory_space<vmem>>
    %dma_wait3A_90 = tpu.memref_squeeze %dma_wait3A_89 : memref<1x128xi32, #tpu.memory_space<vmem>> -> memref<128xi32, #tpu.memory_space<vmem>>
    %dma_wait3A_91 = arith.constant 0 : i32
    %dma_wait3A_92 = arith.constant 0 : i32
    %dma_wait3A_93 = tpu.memref_slice %arg10[%dma_wait3A_91, %dma_wait3A_92] : memref<10240x32xf32, #tpu.memory_space<vmem_shared>> -> memref<10240x32xf32, #tpu.memory_space<vmem_shared>>
    tpu.wait_indirect_dma semaphore(%arg13 : memref<!tpu.dma_semaphore, #tpu.memory_space<semaphore_mem>>) src(%dma_wait3A_87 : memref<128x32xf32, #tpu.memory_space<vmem>>) dst(%dma_wait3A_93 : memref<10240x32xf32, #tpu.memory_space<vmem_shared>>)
    %dma_wait3A_94 = arith.constant 0 : i32
    %dma_wait3A_95 = arith.constant 0 : i32
    %dma_wait3A_96 = arith.constant 0 : i32
    %dma_wait3A_97 = arith.constant 0 : i32
    %dma_wait3A_98 = tpu.memref_slice %arg8[%dma_wait3A_94, %dma_wait3A_96, %dma_wait3A_97] : memref<8x128x32xf32, #tpu.memory_space<vmem>> -> memref<1x128x32xf32, #tpu.memory_space<vmem>>
    %dma_wait3A_99 = tpu.memref_squeeze %dma_wait3A_98 : memref<1x128x32xf32, #tpu.memory_space<vmem>> -> memref<128x32xf32, #tpu.memory_space<vmem>>
    %dma_wait3A_100 = arith.constant 0 : i32
    %dma_wait3A_101 = tpu.memref_slice %arg7[%dma_wait3A_95, %dma_wait3A_100] : memref<79x128xi32, #tpu.memory_space<vmem>> -> memref<1x128xi32, #tpu.memory_space<vmem>>
    %dma_wait3A_102 = tpu.memref_squeeze %dma_wait3A_101 : memref<1x128xi32, #tpu.memory_space<vmem>> -> memref<128xi32, #tpu.memory_space<vmem>>
    %dma_wait3A_103 = arith.constant 0 : i32
    %dma_wait3A_104 = arith.constant 0 : i32
    %dma_wait3A_105 = tpu.memref_slice %arg10[%dma_wait3A_103, %dma_wait3A_104] : memref<10240x32xf32, #tpu.memory_space<vmem_shared>> -> memref<10240x32xf32, #tpu.memory_space<vmem_shared>>
    tpu.wait_indirect_dma semaphore(%arg13 : memref<!tpu.dma_semaphore, #tpu.memory_space<semaphore_mem>>) src(%dma_wait3A_99 : memref<128x32xf32, #tpu.memory_space<vmem>>) dst(%dma_wait3A_105 : memref<10240x32xf32, #tpu.memory_space<vmem_shared>>)
    %dma_wait3A_106 = arith.constant 0 : i32
    %dma_wait3A_107 = arith.constant 0 : i32
    %dma_wait3A_108 = arith.constant 0 : i32
    %dma_wait3A_109 = arith.constant 0 : i32
    %dma_wait3A_110 = tpu.memref_slice %arg8[%dma_wait3A_106, %dma_wait3A_108, %dma_wait3A_109] : memref<8x128x32xf32, #tpu.memory_space<vmem>> -> memref<1x128x32xf32, #tpu.memory_space<vmem>>
    %dma_wait3A_111 = tpu.memref_squeeze %dma_wait3A_110 : memref<1x128x32xf32, #tpu.memory_space<vmem>> -> memref<128x32xf32, #tpu.memory_space<vmem>>
    %dma_wait3A_112 = arith.constant 0 : i32
    %dma_wait3A_113 = tpu.memref_slice %arg7[%dma_wait3A_107, %dma_wait3A_112] : memref<79x128xi32, #tpu.memory_space<vmem>> -> memref<1x128xi32, #tpu.memory_space<vmem>>
    %dma_wait3A_114 = tpu.memref_squeeze %dma_wait3A_113 : memref<1x128xi32, #tpu.memory_space<vmem>> -> memref<128xi32, #tpu.memory_space<vmem>>
    %dma_wait3A_115 = arith.constant 0 : i32
    %dma_wait3A_116 = arith.constant 0 : i32
    %dma_wait3A_117 = tpu.memref_slice %arg10[%dma_wait3A_115, %dma_wait3A_116] : memref<10240x32xf32, #tpu.memory_space<vmem_shared>> -> memref<10240x32xf32, #tpu.memory_space<vmem_shared>>
    tpu.wait_indirect_dma semaphore(%arg13 : memref<!tpu.dma_semaphore, #tpu.memory_space<semaphore_mem>>) src(%dma_wait3A_111 : memref<128x32xf32, #tpu.memory_space<vmem>>) dst(%dma_wait3A_117 : memref<10240x32xf32, #tpu.memory_space<vmem_shared>>)
    %dma_wait3A_118 = arith.constant 0 : i32
    %dma_wait3A_119 = arith.constant 0 : i32
    %dma_wait3A_120 = arith.constant 0 : i32
    %dma_wait3A_121 = arith.constant 0 : i32
    %dma_wait3A_122 = tpu.memref_slice %arg8[%dma_wait3A_118, %dma_wait3A_120, %dma_wait3A_121] : memref<8x128x32xf32, #tpu.memory_space<vmem>> -> memref<1x128x32xf32, #tpu.memory_space<vmem>>
    %dma_wait3A_123 = tpu.memref_squeeze %dma_wait3A_122 : memref<1x128x32xf32, #tpu.memory_space<vmem>> -> memref<128x32xf32, #tpu.memory_space<vmem>>
    %dma_wait3A_124 = arith.constant 0 : i32
    %dma_wait3A_125 = tpu.memref_slice %arg7[%dma_wait3A_119, %dma_wait3A_124] : memref<79x128xi32, #tpu.memory_space<vmem>> -> memref<1x128xi32, #tpu.memory_space<vmem>>
    %dma_wait3A_126 = tpu.memref_squeeze %dma_wait3A_125 : memref<1x128xi32, #tpu.memory_space<vmem>> -> memref<128xi32, #tpu.memory_space<vmem>>
    %dma_wait3A_127 = arith.constant 0 : i32
    %dma_wait3A_128 = arith.constant 0 : i32
    %dma_wait3A_129 = tpu.memref_slice %arg10[%dma_wait3A_127, %dma_wait3A_128] : memref<10240x32xf32, #tpu.memory_space<vmem_shared>> -> memref<10240x32xf32, #tpu.memory_space<vmem_shared>>
    tpu.wait_indirect_dma semaphore(%arg13 : memref<!tpu.dma_semaphore, #tpu.memory_space<semaphore_mem>>) src(%dma_wait3A_123 : memref<128x32xf32, #tpu.memory_space<vmem>>) dst(%dma_wait3A_129 : memref<10240x32xf32, #tpu.memory_space<vmem_shared>>)
    %barrier3A_130 = arith.constant 0 : index
    tpu.barrier barrier_id(%barrier3A_130)
    %scan3A_131 = arith.constant 0 : i32
    %scan3A_132 = arith.constant 0 : i32
    %scan3A_133 = arith.constant 5 : i32
    %scan3A_134 = arith.addi %scan3A_132, %scan3A_133 : i32
    %scan3A_135 = arith.constant 1 : i32
    %scan3A_136 = scf.for %scan3A_263 = %scan3A_132 to %scan3A_134 step %scan3A_135 iter_args(%scan3A_264 = %scan3A_131) -> (i32)  : i32 {
      %mul3A_265 = arith.constant 640 : i32
      %mul3A_266 = arith.muli %arg1, %mul3A_265 : i32
      %mul3A_267 = arith.constant 128 : i32
      %mul3A_268 = arith.muli %scan3A_263, %mul3A_267 : i32
      %add3A_269 = arith.addi %mul3A_266, %mul3A_268 : i32
      "tpu.region"() ({
        %run_scoped3A = tpu.sem_alloc : memref<!tpu.dma_semaphore, #tpu.memory_space<semaphore_mem>>
        %dma_start3A_271 = arith.constant 0 : i32
        %dma_start3A_272 = tpu.memref_slice %arg5[%arg0, %add3A_269, %dma_start3A_271] : memref<2x10240x128xf32, #tpu.memory_space<hbm>> -> memref<1x128x32xf32, #tpu.memory_space<hbm>>
        %dma_start3A_273 = tpu.memref_squeeze %dma_start3A_272 : memref<1x128x32xf32, #tpu.memory_space<hbm>> -> memref<128x32xf32, #tpu.memory_space<hbm>>
        %dma_start3A_274 = arith.constant 0 : i32
        %dma_start3A_275 = tpu.memref_slice %arg10[%add3A_269, %dma_start3A_274] : memref<10240x32xf32, #tpu.memory_space<vmem_shared>> -> memref<128x32xf32, #tpu.memory_space<vmem_shared>>
        tpu.enqueue_dma source(%dma_start3A_275 : memref<128x32xf32, #tpu.memory_space<vmem_shared>>) target(%dma_start3A_273 : memref<128x32xf32, #tpu.memory_space<hbm>>) target_semaphore(%run_scoped3A : memref<!tpu.dma_semaphore, #tpu.memory_space<semaphore_mem>>)
        %dma_wait3A_276 = arith.constant 0 : i32
        %dma_wait3A_277 = tpu.memref_slice %arg5[%arg0, %add3A_269, %dma_wait3A_276] : memref<2x10240x128xf32, #tpu.memory_space<hbm>> -> memref<1x128x32xf32, #tpu.memory_space<hbm>>
        %dma_wait3A_278 = tpu.memref_squeeze %dma_wait3A_277 : memref<1x128x32xf32, #tpu.memory_space<hbm>> -> memref<128x32xf32, #tpu.memory_space<hbm>>
        %dma_wait3A_279 = arith.constant 0 : i32
        %dma_wait3A_280 = tpu.memref_slice %arg10[%add3A_269, %dma_wait3A_279] : memref<10240x32xf32, #tpu.memory_space<vmem_shared>> -> memref<128x32xf32, #tpu.memory_space<vmem_shared>>
        tpu.wait_dma2 semaphore(%run_scoped3A : memref<!tpu.dma_semaphore, #tpu.memory_space<semaphore_mem>>) src(%dma_wait3A_280 : memref<128x32xf32, #tpu.memory_space<vmem_shared>>) dst(%dma_wait3A_278 : memref<128x32xf32, #tpu.memory_space<hbm>>)
        tpu.yield
      }) : () -> ()
      %scan3A_270 = arith.constant 0 : i32
      scf.yield %scan3A_270 : i32
    }
    %scan3A_137 = arith.constant 5 : i32
    %barrier3A_138 = arith.constant 0 : index
    tpu.barrier barrier_id(%barrier3A_138)
    %scan3A_139 = arith.constant 0 : i32
    %scan3A_140 = arith.constant 0 : i32
    %scan3A_141 = arith.constant 5 : i32
    %scan3A_142 = arith.addi %scan3A_140, %scan3A_141 : i32
    %scan3A_143 = arith.constant 1 : i32
    %scan3A_144 = scf.for %scan3A_263 = %scan3A_140 to %scan3A_142 step %scan3A_143 iter_args(%scan3A_264 = %scan3A_139) -> (i32)  : i32 {
      %mul3A_265 = arith.constant 640 : i32
      %mul3A_266 = arith.muli %arg1, %mul3A_265 : i32
      %mul3A_267 = arith.constant 128 : i32
      %mul3A_268 = arith.muli %scan3A_263, %mul3A_267 : i32
      %add3A_269 = arith.addi %mul3A_266, %mul3A_268 : i32
      "tpu.region"() ({
        %run_scoped3A = tpu.sem_alloc : memref<!tpu.dma_semaphore, #tpu.memory_space<semaphore_mem>>
        %dma_start3A_271 = arith.constant 0 : i32
        %dma_start3A_272 = tpu.memref_slice %arg10[%add3A_269, %dma_start3A_271] : memref<10240x32xf32, #tpu.memory_space<vmem_shared>> -> memref<128x32xf32, #tpu.memory_space<vmem_shared>>
        %dma_start3A_273 = arith.constant 0 : i32
        %dma_start3A_274 = tpu.memref_slice %arg10[%add3A_269, %dma_start3A_273] : memref<10240x32xf32, #tpu.memory_space<vmem_shared>> -> memref<128x32xf32, #tpu.memory_space<vmem_shared>>
        tpu.enqueue_dma source(%arg9 : memref<128x32xf32, #tpu.memory_space<vmem>>) target(%dma_start3A_274 : memref<128x32xf32, #tpu.memory_space<vmem_shared>>) target_semaphore(%run_scoped3A : memref<!tpu.dma_semaphore, #tpu.memory_space<semaphore_mem>>)
        %dma_wait3A_275 = arith.constant 0 : i32
        %dma_wait3A_276 = tpu.memref_slice %arg10[%add3A_269, %dma_wait3A_275] : memref<10240x32xf32, #tpu.memory_space<vmem_shared>> -> memref<128x32xf32, #tpu.memory_space<vmem_shared>>
        %dma_wait3A_277 = arith.constant 0 : i32
        %dma_wait3A_278 = tpu.memref_slice %arg10[%add3A_269, %dma_wait3A_277] : memref<10240x32xf32, #tpu.memory_space<vmem_shared>> -> memref<128x32xf32, #tpu.memory_space<vmem_shared>>
        tpu.wait_dma2 semaphore(%run_scoped3A : memref<!tpu.dma_semaphore, #tpu.memory_space<semaphore_mem>>) src(%arg9 : memref<128x32xf32, #tpu.memory_space<vmem>>) dst(%dma_wait3A_278 : memref<128x32xf32, #tpu.memory_space<vmem_shared>>)
        tpu.yield
      }) : () -> ()
      %scan3A_270 = arith.constant 0 : i32
      scf.yield %scan3A_270 : i32
    }
    %scan3A_145 = arith.constant 5 : i32
    "tpu.region"() ({
      %run_scoped3A = tpu.sem_alloc : memref<!tpu.dma_semaphore, #tpu.memory_space<semaphore_mem>>
      %dma_start3A_263 = arith.constant 0 : i32
      %dma_start3A_264 = tpu.memref_slice %arg11[%mul3A_17, %dma_start3A_263] : memref<10240x32xf32, #tpu.memory_space<vmem_shared>> -> memref<640x32xf32, #tpu.memory_space<vmem_shared>>
      %dma_start3A_265 = arith.constant 32 : i32
      %dma_start3A_266 = tpu.memref_slice %arg2[%mul3A_17, %dma_start3A_265] : memref<10240x128xf32, #tpu.memory_space<hbm>> -> memref<640x32xf32, #tpu.memory_space<hbm>>
      tpu.enqueue_dma source(%dma_start3A_266 : memref<640x32xf32, #tpu.memory_space<hbm>>) target(%dma_start3A_264 : memref<640x32xf32, #tpu.memory_space<vmem_shared>>) target_semaphore(%run_scoped3A : memref<!tpu.dma_semaphore, #tpu.memory_space<semaphore_mem>>)
      %dma_wait3A_267 = arith.constant 0 : i32
      %dma_wait3A_268 = tpu.memref_slice %arg11[%mul3A_17, %dma_wait3A_267] : memref<10240x32xf32, #tpu.memory_space<vmem_shared>> -> memref<640x32xf32, #tpu.memory_space<vmem_shared>>
      %dma_wait3A_269 = arith.constant 32 : i32
      %dma_wait3A_270 = tpu.memref_slice %arg2[%mul3A_17, %dma_wait3A_269] : memref<10240x128xf32, #tpu.memory_space<hbm>> -> memref<640x32xf32, #tpu.memory_space<hbm>>
      tpu.wait_dma2 semaphore(%run_scoped3A : memref<!tpu.dma_semaphore, #tpu.memory_space<semaphore_mem>>) src(%dma_wait3A_270 : memref<640x32xf32, #tpu.memory_space<hbm>>) dst(%dma_wait3A_268 : memref<640x32xf32, #tpu.memory_space<vmem_shared>>)
      tpu.yield
    }) : () -> ()
    %barrier3A_146 = arith.constant 0 : index
    tpu.barrier barrier_id(%barrier3A_146)
    %dma_start3A_147 = arith.constant 0 : i32
    %dma_start3A_148 = arith.constant 0 : i32
    %dma_start3A_149 = arith.constant 0 : i32
    %dma_start3A_150 = arith.constant 0 : i32
    %dma_start3A_151 = tpu.memref_slice %arg8[%dma_start3A_148, %dma_start3A_149, %dma_start3A_150] : memref<8x128x32xf32, #tpu.memory_space<vmem>> -> memref<1x128x32xf32, #tpu.memory_space<vmem>>
    %dma_start3A_152 = tpu.memref_squeeze %dma_start3A_151 : memref<1x128x32xf32, #tpu.memory_space<vmem>> -> memref<128x32xf32, #tpu.memory_space<vmem>>
    %dma_start3A_153 = arith.constant 0 : i32
    %dma_start3A_154 = tpu.memref_slice %arg6[%dma_start3A_147, %dma_start3A_153] : memref<79x128xi32, #tpu.memory_space<vmem>> -> memref<1x128xi32, #tpu.memory_space<vmem>>
    %dma_start3A_155 = tpu.memref_squeeze %dma_start3A_154 : memref<1x128xi32, #tpu.memory_space<vmem>> -> memref<128xi32, #tpu.memory_space<vmem>>
    %dma_start3A_156 = arith.constant 0 : i32
    %dma_start3A_157 = arith.constant 0 : i32
    %dma_start3A_158 = tpu.memref_slice %arg11[%dma_start3A_156, %dma_start3A_157] : memref<10240x32xf32, #tpu.memory_space<vmem_shared>> -> memref<10240x32xf32, #tpu.memory_space<vmem_shared>>
    tpu.enqueue_indirect_dma source(%dma_start3A_158 : memref<10240x32xf32, #tpu.memory_space<vmem_shared>>) target(%dma_start3A_152 : memref<128x32xf32, #tpu.memory_space<vmem>>) offsets(%dma_start3A_155 : memref<128xi32, #tpu.memory_space<vmem>>) semaphore(%arg12 : memref<!tpu.dma_semaphore, #tpu.memory_space<semaphore_mem>>)
    %dma_start3A_159 = arith.constant 1 : i32
    %dma_start3A_160 = arith.constant 1 : i32
    %dma_start3A_161 = arith.constant 0 : i32
    %dma_start3A_162 = arith.constant 0 : i32
    %dma_start3A_163 = tpu.memref_slice %arg8[%dma_start3A_160, %dma_start3A_161, %dma_start3A_162] : memref<8x128x32xf32, #tpu.memory_space<vmem>> -> memref<1x128x32xf32, #tpu.memory_space<vmem>>
    %dma_start3A_164 = tpu.memref_squeeze %dma_start3A_163 : memref<1x128x32xf32, #tpu.memory_space<vmem>> -> memref<128x32xf32, #tpu.memory_space<vmem>>
    %dma_start3A_165 = arith.constant 0 : i32
    %dma_start3A_166 = tpu.memref_slice %arg6[%dma_start3A_159, %dma_start3A_165] : memref<79x128xi32, #tpu.memory_space<vmem>> -> memref<1x128xi32, #tpu.memory_space<vmem>>
    %dma_start3A_167 = tpu.memref_squeeze %dma_start3A_166 : memref<1x128xi32, #tpu.memory_space<vmem>> -> memref<128xi32, #tpu.memory_space<vmem>>
    %dma_start3A_168 = arith.constant 0 : i32
    %dma_start3A_169 = arith.constant 0 : i32
    %dma_start3A_170 = tpu.memref_slice %arg11[%dma_start3A_168, %dma_start3A_169] : memref<10240x32xf32, #tpu.memory_space<vmem_shared>> -> memref<10240x32xf32, #tpu.memory_space<vmem_shared>>
    tpu.enqueue_indirect_dma source(%dma_start3A_170 : memref<10240x32xf32, #tpu.memory_space<vmem_shared>>) target(%dma_start3A_164 : memref<128x32xf32, #tpu.memory_space<vmem>>) offsets(%dma_start3A_167 : memref<128xi32, #tpu.memory_space<vmem>>) semaphore(%arg12 : memref<!tpu.dma_semaphore, #tpu.memory_space<semaphore_mem>>)
    %dma_start3A_171 = arith.constant 2 : i32
    %dma_start3A_172 = arith.constant 2 : i32
    %dma_start3A_173 = arith.constant 0 : i32
    %dma_start3A_174 = arith.constant 0 : i32
    %dma_start3A_175 = tpu.memref_slice %arg8[%dma_start3A_172, %dma_start3A_173, %dma_start3A_174] : memref<8x128x32xf32, #tpu.memory_space<vmem>> -> memref<1x128x32xf32, #tpu.memory_space<vmem>>
    %dma_start3A_176 = tpu.memref_squeeze %dma_start3A_175 : memref<1x128x32xf32, #tpu.memory_space<vmem>> -> memref<128x32xf32, #tpu.memory_space<vmem>>
    %dma_start3A_177 = arith.constant 0 : i32
    %dma_start3A_178 = tpu.memref_slice %arg6[%dma_start3A_171, %dma_start3A_177] : memref<79x128xi32, #tpu.memory_space<vmem>> -> memref<1x128xi32, #tpu.memory_space<vmem>>
    %dma_start3A_179 = tpu.memref_squeeze %dma_start3A_178 : memref<1x128xi32, #tpu.memory_space<vmem>> -> memref<128xi32, #tpu.memory_space<vmem>>
    %dma_start3A_180 = arith.constant 0 : i32
    %dma_start3A_181 = arith.constant 0 : i32
    %dma_start3A_182 = tpu.memref_slice %arg11[%dma_start3A_180, %dma_start3A_181] : memref<10240x32xf32, #tpu.memory_space<vmem_shared>> -> memref<10240x32xf32, #tpu.memory_space<vmem_shared>>
    tpu.enqueue_indirect_dma source(%dma_start3A_182 : memref<10240x32xf32, #tpu.memory_space<vmem_shared>>) target(%dma_start3A_176 : memref<128x32xf32, #tpu.memory_space<vmem>>) offsets(%dma_start3A_179 : memref<128xi32, #tpu.memory_space<vmem>>) semaphore(%arg12 : memref<!tpu.dma_semaphore, #tpu.memory_space<semaphore_mem>>)
    %dma_start3A_183 = arith.constant 3 : i32
    %dma_start3A_184 = arith.constant 3 : i32
    %dma_start3A_185 = arith.constant 0 : i32
    %dma_start3A_186 = arith.constant 0 : i32
    %dma_start3A_187 = tpu.memref_slice %arg8[%dma_start3A_184, %dma_start3A_185, %dma_start3A_186] : memref<8x128x32xf32, #tpu.memory_space<vmem>> -> memref<1x128x32xf32, #tpu.memory_space<vmem>>
    %dma_start3A_188 = tpu.memref_squeeze %dma_start3A_187 : memref<1x128x32xf32, #tpu.memory_space<vmem>> -> memref<128x32xf32, #tpu.memory_space<vmem>>
    %dma_start3A_189 = arith.constant 0 : i32
    %dma_start3A_190 = tpu.memref_slice %arg6[%dma_start3A_183, %dma_start3A_189] : memref<79x128xi32, #tpu.memory_space<vmem>> -> memref<1x128xi32, #tpu.memory_space<vmem>>
    %dma_start3A_191 = tpu.memref_squeeze %dma_start3A_190 : memref<1x128xi32, #tpu.memory_space<vmem>> -> memref<128xi32, #tpu.memory_space<vmem>>
    %dma_start3A_192 = arith.constant 0 : i32
    %dma_start3A_193 = arith.constant 0 : i32
    %dma_start3A_194 = tpu.memref_slice %arg11[%dma_start3A_192, %dma_start3A_193] : memref<10240x32xf32, #tpu.memory_space<vmem_shared>> -> memref<10240x32xf32, #tpu.memory_space<vmem_shared>>
    tpu.enqueue_indirect_dma source(%dma_start3A_194 : memref<10240x32xf32, #tpu.memory_space<vmem_shared>>) target(%dma_start3A_188 : memref<128x32xf32, #tpu.memory_space<vmem>>) offsets(%dma_start3A_191 : memref<128xi32, #tpu.memory_space<vmem>>) semaphore(%arg12 : memref<!tpu.dma_semaphore, #tpu.memory_space<semaphore_mem>>)
    %while3A_195 = arith.constant 0 : i32
    %while3A_196 = arith.constant 0 : i32
    %while3A_197 = arith.subi %select_n3A, %while3A_195 : i32
    %while3A_198 = arith.addi %while3A_195, %while3A_197 : i32
    %while3A_199 = arith.constant 1 : i32
    %while3A_200 = arith.divsi %while3A_197, %while3A_199 : i32
    %while3A_201 = arith.muli %while3A_200, %while3A_199 : i32
    %while3A_202 = arith.addi %while3A_195, %while3A_201 : i32
    %while3A_203 = arith.constant 1 : i32
    %while3A_204 = scf.for %while3A_263 = %while3A_195 to %while3A_202 step %while3A_203 iter_args(%while3A_264 = %while3A_196) -> (i32)  : i32 {
      %ge3A = arith.constant 4 : i32
      %ge3A_265 = arith.cmpi sge, %while3A_263, %ge3A : i32
      %convert_element_type3A_266 = arith.extui %ge3A_265 : i1 to i32
      %cond3A_267 = arith.constant 0 : i32
      %cond3A_268 = arith.cmpi ne, %convert_element_type3A_266, %cond3A_267 : i32
      scf.if %cond3A_268 {
        %dma_wait3A_299 = arith.constant 0 : i32
        %dma_wait3A_300 = arith.constant 0 : i32
        %dma_wait3A_301 = arith.constant 0 : i32
        %dma_wait3A_302 = arith.constant 0 : i32
        %dma_wait3A_303 = tpu.memref_slice %arg8[%dma_wait3A_299, %dma_wait3A_301, %dma_wait3A_302] : memref<8x128x32xf32, #tpu.memory_space<vmem>> -> memref<1x128x32xf32, #tpu.memory_space<vmem>>
        %dma_wait3A_304 = tpu.memref_squeeze %dma_wait3A_303 : memref<1x128x32xf32, #tpu.memory_space<vmem>> -> memref<128x32xf32, #tpu.memory_space<vmem>>
        %dma_wait3A_305 = arith.constant 0 : i32
        %dma_wait3A_306 = tpu.memref_slice %arg7[%dma_wait3A_300, %dma_wait3A_305] : memref<79x128xi32, #tpu.memory_space<vmem>> -> memref<1x128xi32, #tpu.memory_space<vmem>>
        %dma_wait3A_307 = tpu.memref_squeeze %dma_wait3A_306 : memref<1x128xi32, #tpu.memory_space<vmem>> -> memref<128xi32, #tpu.memory_space<vmem>>
        %dma_wait3A_308 = arith.constant 0 : i32
        %dma_wait3A_309 = arith.constant 0 : i32
        %dma_wait3A_310 = tpu.memref_slice %arg10[%dma_wait3A_308, %dma_wait3A_309] : memref<10240x32xf32, #tpu.memory_space<vmem_shared>> -> memref<10240x32xf32, #tpu.memory_space<vmem_shared>>
        tpu.wait_indirect_dma semaphore(%arg13 : memref<!tpu.dma_semaphore, #tpu.memory_space<semaphore_mem>>) src(%dma_wait3A_304 : memref<128x32xf32, #tpu.memory_space<vmem>>) dst(%dma_wait3A_310 : memref<10240x32xf32, #tpu.memory_space<vmem_shared>>)
      } else {
      }
      %add3A_269 = arith.constant 4 : i32
      %add3A_270 = arith.addi %while3A_263, %add3A_269 : i32
      %lt3A_271 = arith.cmpi slt, %add3A_270, %select_n3A : i32
      %convert_element_type3A_272 = arith.extui %lt3A_271 : i1 to i32
      %cond3A_273 = arith.constant 0 : i32
      %cond3A_274 = arith.cmpi ne, %convert_element_type3A_272, %cond3A_273 : i32
      scf.if %cond3A_274 {
        %add3A_299 = arith.constant 4 : i32
        %add3A_300 = arith.addi %while3A_263, %add3A_299 : i32
        %add3A_301 = arith.constant 4 : i32
        %add3A_302 = arith.addi %while3A_263, %add3A_301 : i32
        %rem3A_303 = arith.constant 8 : i32
        %rem3A_304 = arith.remsi %add3A_302, %rem3A_303 : i32
        %dma_start3A_305 = arith.constant 0 : i32
        %dma_start3A_306 = arith.constant 0 : i32
        %dma_start3A_307 = tpu.memref_slice %arg8[%rem3A_304, %dma_start3A_305, %dma_start3A_306] : memref<8x128x32xf32, #tpu.memory_space<vmem>> -> memref<1x128x32xf32, #tpu.memory_space<vmem>>
        %dma_start3A_308 = tpu.memref_squeeze %dma_start3A_307 : memref<1x128x32xf32, #tpu.memory_space<vmem>> -> memref<128x32xf32, #tpu.memory_space<vmem>>
        %dma_start3A_309 = arith.constant 0 : i32
        %dma_start3A_310 = tpu.memref_slice %arg6[%add3A_300, %dma_start3A_309] : memref<79x128xi32, #tpu.memory_space<vmem>> -> memref<1x128xi32, #tpu.memory_space<vmem>>
        %dma_start3A_311 = tpu.memref_squeeze %dma_start3A_310 : memref<1x128xi32, #tpu.memory_space<vmem>> -> memref<128xi32, #tpu.memory_space<vmem>>
        %dma_start3A_312 = arith.constant 0 : i32
        %dma_start3A_313 = arith.constant 0 : i32
        %dma_start3A_314 = tpu.memref_slice %arg11[%dma_start3A_312, %dma_start3A_313] : memref<10240x32xf32, #tpu.memory_space<vmem_shared>> -> memref<10240x32xf32, #tpu.memory_space<vmem_shared>>
        tpu.enqueue_indirect_dma source(%dma_start3A_314 : memref<10240x32xf32, #tpu.memory_space<vmem_shared>>) target(%dma_start3A_308 : memref<128x32xf32, #tpu.memory_space<vmem>>) offsets(%dma_start3A_311 : memref<128xi32, #tpu.memory_space<vmem>>) semaphore(%arg12 : memref<!tpu.dma_semaphore, #tpu.memory_space<semaphore_mem>>)
      } else {
      }
      %dma_wait3A_275 = arith.constant 0 : i32
      %dma_wait3A_276 = arith.constant 0 : i32
      %dma_wait3A_277 = arith.constant 0 : i32
      %dma_wait3A_278 = arith.constant 0 : i32
      %dma_wait3A_279 = tpu.memref_slice %arg8[%dma_wait3A_276, %dma_wait3A_277, %dma_wait3A_278] : memref<8x128x32xf32, #tpu.memory_space<vmem>> -> memref<1x128x32xf32, #tpu.memory_space<vmem>>
      %dma_wait3A_280 = tpu.memref_squeeze %dma_wait3A_279 : memref<1x128x32xf32, #tpu.memory_space<vmem>> -> memref<128x32xf32, #tpu.memory_space<vmem>>
      %dma_wait3A_281 = arith.constant 0 : i32
      %dma_wait3A_282 = tpu.memref_slice %arg6[%dma_wait3A_275, %dma_wait3A_281] : memref<79x128xi32, #tpu.memory_space<vmem>> -> memref<1x128xi32, #tpu.memory_space<vmem>>
      %dma_wait3A_283 = tpu.memref_squeeze %dma_wait3A_282 : memref<1x128xi32, #tpu.memory_space<vmem>> -> memref<128xi32, #tpu.memory_space<vmem>>
      %dma_wait3A_284 = arith.constant 0 : i32
      %dma_wait3A_285 = arith.constant 0 : i32
      %dma_wait3A_286 = tpu.memref_slice %arg11[%dma_wait3A_284, %dma_wait3A_285] : memref<10240x32xf32, #tpu.memory_space<vmem_shared>> -> memref<10240x32xf32, #tpu.memory_space<vmem_shared>>
      tpu.wait_indirect_dma semaphore(%arg12 : memref<!tpu.dma_semaphore, #tpu.memory_space<semaphore_mem>>) src(%dma_wait3A_286 : memref<10240x32xf32, #tpu.memory_space<vmem_shared>>) dst(%dma_wait3A_280 : memref<128x32xf32, #tpu.memory_space<vmem>>)
      %rem3A = arith.constant 8 : i32
      %rem3A_287 = arith.remsi %while3A_263, %rem3A : i32
      %dma_start3A_288 = arith.constant 0 : i32
      %dma_start3A_289 = arith.constant 0 : i32
      %dma_start3A_290 = tpu.memref_slice %arg8[%rem3A_287, %dma_start3A_288, %dma_start3A_289] : memref<8x128x32xf32, #tpu.memory_space<vmem>> -> memref<1x128x32xf32, #tpu.memory_space<vmem>>
      %dma_start3A_291 = tpu.memref_squeeze %dma_start3A_290 : memref<1x128x32xf32, #tpu.memory_space<vmem>> -> memref<128x32xf32, #tpu.memory_space<vmem>>
      %dma_start3A_292 = arith.constant 0 : i32
      %dma_start3A_293 = tpu.memref_slice %arg7[%while3A_263, %dma_start3A_292] : memref<79x128xi32, #tpu.memory_space<vmem>> -> memref<1x128xi32, #tpu.memory_space<vmem>>
      %dma_start3A_294 = tpu.memref_squeeze %dma_start3A_293 : memref<1x128xi32, #tpu.memory_space<vmem>> -> memref<128xi32, #tpu.memory_space<vmem>>
      %dma_start3A_295 = arith.constant 0 : i32
      %dma_start3A_296 = arith.constant 0 : i32
      %dma_start3A_297 = tpu.memref_slice %arg10[%dma_start3A_295, %dma_start3A_296] : memref<10240x32xf32, #tpu.memory_space<vmem_shared>> -> memref<10240x32xf32, #tpu.memory_space<vmem_shared>>
      tpu.enqueue_indirect_dma source(%dma_start3A_291 : memref<128x32xf32, #tpu.memory_space<vmem>>) target(%dma_start3A_297 : memref<10240x32xf32, #tpu.memory_space<vmem_shared>>) offsets(%dma_start3A_294 : memref<128xi32, #tpu.memory_space<vmem>>) semaphore(%arg13 : memref<!tpu.dma_semaphore, #tpu.memory_space<semaphore_mem>>) {add = true}
      %while3A_298 = arith.constant 0 : i32
      scf.yield %while3A_298 : i32
    }
    %while3A_205 = arith.constant 1 : i32
    %while3A_206 = scf.for %while3A_263 = %while3A_202 to %while3A_198 step %while3A_205 iter_args(%while3A_264 = %while3A_204) -> (i32)  : i32 {
      %ge3A = arith.constant 4 : i32
      %ge3A_265 = arith.cmpi sge, %while3A_263, %ge3A : i32
      %convert_element_type3A_266 = arith.extui %ge3A_265 : i1 to i32
      %cond3A_267 = arith.constant 0 : i32
      %cond3A_268 = arith.cmpi ne, %convert_element_type3A_266, %cond3A_267 : i32
      scf.if %cond3A_268 {
        %dma_wait3A_299 = arith.constant 0 : i32
        %dma_wait3A_300 = arith.constant 0 : i32
        %dma_wait3A_301 = arith.constant 0 : i32
        %dma_wait3A_302 = arith.constant 0 : i32
        %dma_wait3A_303 = tpu.memref_slice %arg8[%dma_wait3A_299, %dma_wait3A_301, %dma_wait3A_302] : memref<8x128x32xf32, #tpu.memory_space<vmem>> -> memref<1x128x32xf32, #tpu.memory_space<vmem>>
        %dma_wait3A_304 = tpu.memref_squeeze %dma_wait3A_303 : memref<1x128x32xf32, #tpu.memory_space<vmem>> -> memref<128x32xf32, #tpu.memory_space<vmem>>
        %dma_wait3A_305 = arith.constant 0 : i32
        %dma_wait3A_306 = tpu.memref_slice %arg7[%dma_wait3A_300, %dma_wait3A_305] : memref<79x128xi32, #tpu.memory_space<vmem>> -> memref<1x128xi32, #tpu.memory_space<vmem>>
        %dma_wait3A_307 = tpu.memref_squeeze %dma_wait3A_306 : memref<1x128xi32, #tpu.memory_space<vmem>> -> memref<128xi32, #tpu.memory_space<vmem>>
        %dma_wait3A_308 = arith.constant 0 : i32
        %dma_wait3A_309 = arith.constant 0 : i32
        %dma_wait3A_310 = tpu.memref_slice %arg10[%dma_wait3A_308, %dma_wait3A_309] : memref<10240x32xf32, #tpu.memory_space<vmem_shared>> -> memref<10240x32xf32, #tpu.memory_space<vmem_shared>>
        tpu.wait_indirect_dma semaphore(%arg13 : memref<!tpu.dma_semaphore, #tpu.memory_space<semaphore_mem>>) src(%dma_wait3A_304 : memref<128x32xf32, #tpu.memory_space<vmem>>) dst(%dma_wait3A_310 : memref<10240x32xf32, #tpu.memory_space<vmem_shared>>)
      } else {
      }
      %add3A_269 = arith.constant 4 : i32
      %add3A_270 = arith.addi %while3A_263, %add3A_269 : i32
      %lt3A_271 = arith.cmpi slt, %add3A_270, %select_n3A : i32
      %convert_element_type3A_272 = arith.extui %lt3A_271 : i1 to i32
      %cond3A_273 = arith.constant 0 : i32
      %cond3A_274 = arith.cmpi ne, %convert_element_type3A_272, %cond3A_273 : i32
      scf.if %cond3A_274 {
        %add3A_299 = arith.constant 4 : i32
        %add3A_300 = arith.addi %while3A_263, %add3A_299 : i32
        %add3A_301 = arith.constant 4 : i32
        %add3A_302 = arith.addi %while3A_263, %add3A_301 : i32
        %rem3A_303 = arith.constant 8 : i32
        %rem3A_304 = arith.remsi %add3A_302, %rem3A_303 : i32
        %dma_start3A_305 = arith.constant 0 : i32
        %dma_start3A_306 = arith.constant 0 : i32
        %dma_start3A_307 = tpu.memref_slice %arg8[%rem3A_304, %dma_start3A_305, %dma_start3A_306] : memref<8x128x32xf32, #tpu.memory_space<vmem>> -> memref<1x128x32xf32, #tpu.memory_space<vmem>>
        %dma_start3A_308 = tpu.memref_squeeze %dma_start3A_307 : memref<1x128x32xf32, #tpu.memory_space<vmem>> -> memref<128x32xf32, #tpu.memory_space<vmem>>
        %dma_start3A_309 = arith.constant 0 : i32
        %dma_start3A_310 = tpu.memref_slice %arg6[%add3A_300, %dma_start3A_309] : memref<79x128xi32, #tpu.memory_space<vmem>> -> memref<1x128xi32, #tpu.memory_space<vmem>>
        %dma_start3A_311 = tpu.memref_squeeze %dma_start3A_310 : memref<1x128xi32, #tpu.memory_space<vmem>> -> memref<128xi32, #tpu.memory_space<vmem>>
        %dma_start3A_312 = arith.constant 0 : i32
        %dma_start3A_313 = arith.constant 0 : i32
        %dma_start3A_314 = tpu.memref_slice %arg11[%dma_start3A_312, %dma_start3A_313] : memref<10240x32xf32, #tpu.memory_space<vmem_shared>> -> memref<10240x32xf32, #tpu.memory_space<vmem_shared>>
        tpu.enqueue_indirect_dma source(%dma_start3A_314 : memref<10240x32xf32, #tpu.memory_space<vmem_shared>>) target(%dma_start3A_308 : memref<128x32xf32, #tpu.memory_space<vmem>>) offsets(%dma_start3A_311 : memref<128xi32, #tpu.memory_space<vmem>>) semaphore(%arg12 : memref<!tpu.dma_semaphore, #tpu.memory_space<semaphore_mem>>)
      } else {
      }
      %dma_wait3A_275 = arith.constant 0 : i32
      %dma_wait3A_276 = arith.constant 0 : i32
      %dma_wait3A_277 = arith.constant 0 : i32
      %dma_wait3A_278 = arith.constant 0 : i32
      %dma_wait3A_279 = tpu.memref_slice %arg8[%dma_wait3A_276, %dma_wait3A_277, %dma_wait3A_278] : memref<8x128x32xf32, #tpu.memory_space<vmem>> -> memref<1x128x32xf32, #tpu.memory_space<vmem>>
      %dma_wait3A_280 = tpu.memref_squeeze %dma_wait3A_279 : memref<1x128x32xf32, #tpu.memory_space<vmem>> -> memref<128x32xf32, #tpu.memory_space<vmem>>
      %dma_wait3A_281 = arith.constant 0 : i32
      %dma_wait3A_282 = tpu.memref_slice %arg6[%dma_wait3A_275, %dma_wait3A_281] : memref<79x128xi32, #tpu.memory_space<vmem>> -> memref<1x128xi32, #tpu.memory_space<vmem>>
      %dma_wait3A_283 = tpu.memref_squeeze %dma_wait3A_282 : memref<1x128xi32, #tpu.memory_space<vmem>> -> memref<128xi32, #tpu.memory_space<vmem>>
      %dma_wait3A_284 = arith.constant 0 : i32
      %dma_wait3A_285 = arith.constant 0 : i32
      %dma_wait3A_286 = tpu.memref_slice %arg11[%dma_wait3A_284, %dma_wait3A_285] : memref<10240x32xf32, #tpu.memory_space<vmem_shared>> -> memref<10240x32xf32, #tpu.memory_space<vmem_shared>>
      tpu.wait_indirect_dma semaphore(%arg12 : memref<!tpu.dma_semaphore, #tpu.memory_space<semaphore_mem>>) src(%dma_wait3A_286 : memref<10240x32xf32, #tpu.memory_space<vmem_shared>>) dst(%dma_wait3A_280 : memref<128x32xf32, #tpu.memory_space<vmem>>)
      %rem3A = arith.constant 8 : i32
      %rem3A_287 = arith.remsi %while3A_263, %rem3A : i32
      %dma_start3A_288 = arith.constant 0 : i32
      %dma_start3A_289 = arith.constant 0 : i32
      %dma_start3A_290 = tpu.memref_slice %arg8[%rem3A_287, %dma_start3A_288, %dma_start3A_289] : memref<8x128x32xf32, #tpu.memory_space<vmem>> -> memref<1x128x32xf32, #tpu.memory_space<vmem>>
      %dma_start3A_291 = tpu.memref_squeeze %dma_start3A_290 : memref<1x128x32xf32, #tpu.memory_space<vmem>> -> memref<128x32xf32, #tpu.memory_space<vmem>>
      %dma_start3A_292 = arith.constant 0 : i32
      %dma_start3A_293 = tpu.memref_slice %arg7[%while3A_263, %dma_start3A_292] : memref<79x128xi32, #tpu.memory_space<vmem>> -> memref<1x128xi32, #tpu.memory_space<vmem>>
      %dma_start3A_294 = tpu.memref_squeeze %dma_start3A_293 : memref<1x128xi32, #tpu.memory_space<vmem>> -> memref<128xi32, #tpu.memory_space<vmem>>
      %dma_start3A_295 = arith.constant 0 : i32
      %dma_start3A_296 = arith.constant 0 : i32
      %dma_start3A_297 = tpu.memref_slice %arg10[%dma_start3A_295, %dma_start3A_296] : memref<10240x32xf32, #tpu.memory_space<vmem_shared>> -> memref<10240x32xf32, #tpu.memory_space<vmem_shared>>
      tpu.enqueue_indirect_dma source(%dma_start3A_291 : memref<128x32xf32, #tpu.memory_space<vmem>>) target(%dma_start3A_297 : memref<10240x32xf32, #tpu.memory_space<vmem_shared>>) offsets(%dma_start3A_294 : memref<128xi32, #tpu.memory_space<vmem>>) semaphore(%arg13 : memref<!tpu.dma_semaphore, #tpu.memory_space<semaphore_mem>>) {add = true}
      %while3A_298 = arith.constant 0 : i32
      scf.yield %while3A_298 : i32
    }
    %dma_wait3A_207 = arith.constant 0 : i32
    %dma_wait3A_208 = arith.constant 0 : i32
    %dma_wait3A_209 = arith.constant 0 : i32
    %dma_wait3A_210 = arith.constant 0 : i32
    %dma_wait3A_211 = tpu.memref_slice %arg8[%dma_wait3A_207, %dma_wait3A_209, %dma_wait3A_210] : memref<8x128x32xf32, #tpu.memory_space<vmem>> -> memref<1x128x32xf32, #tpu.memory_space<vmem>>
    %dma_wait3A_212 = tpu.memref_squeeze %dma_wait3A_211 : memref<1x128x32xf32, #tpu.memory_space<vmem>> -> memref<128x32xf32, #tpu.memory_space<vmem>>
    %dma_wait3A_213 = arith.constant 0 : i32
    %dma_wait3A_214 = tpu.memref_slice %arg7[%dma_wait3A_208, %dma_wait3A_213] : memref<79x128xi32, #tpu.memory_space<vmem>> -> memref<1x128xi32, #tpu.memory_space<vmem>>
    %dma_wait3A_215 = tpu.memref_squeeze %dma_wait3A_214 : memref<1x128xi32, #tpu.memory_space<vmem>> -> memref<128xi32, #tpu.memory_space<vmem>>
    %dma_wait3A_216 = arith.constant 0 : i32
    %dma_wait3A_217 = arith.constant 0 : i32
    %dma_wait3A_218 = tpu.memref_slice %arg10[%dma_wait3A_216, %dma_wait3A_217] : memref<10240x32xf32, #tpu.memory_space<vmem_shared>> -> memref<10240x32xf32, #tpu.memory_space<vmem_shared>>
    tpu.wait_indirect_dma semaphore(%arg13 : memref<!tpu.dma_semaphore, #tpu.memory_space<semaphore_mem>>) src(%dma_wait3A_212 : memref<128x32xf32, #tpu.memory_space<vmem>>) dst(%dma_wait3A_218 : memref<10240x32xf32, #tpu.memory_space<vmem_shared>>)
    %dma_wait3A_219 = arith.constant 0 : i32
    %dma_wait3A_220 = arith.constant 0 : i32
    %dma_wait3A_221 = arith.constant 0 : i32
    %dma_wait3A_222 = arith.constant 0 : i32
    %dma_wait3A_223 = tpu.memref_slice %arg8[%dma_wait3A_219, %dma_wait3A_221, %dma_wait3A_222] : memref<8x128x32xf32, #tpu.memory_space<vmem>> -> memref<1x128x32xf32, #tpu.memory_space<vmem>>
    %dma_wait3A_224 = tpu.memref_squeeze %dma_wait3A_223 : memref<1x128x32xf32, #tpu.memory_space<vmem>> -> memref<128x32xf32, #tpu.memory_space<vmem>>
    %dma_wait3A_225 = arith.constant 0 : i32
    %dma_wait3A_226 = tpu.memref_slice %arg7[%dma_wait3A_220, %dma_wait3A_225] : memref<79x128xi32, #tpu.memory_space<vmem>> -> memref<1x128xi32, #tpu.memory_space<vmem>>
    %dma_wait3A_227 = tpu.memref_squeeze %dma_wait3A_226 : memref<1x128xi32, #tpu.memory_space<vmem>> -> memref<128xi32, #tpu.memory_space<vmem>>
    %dma_wait3A_228 = arith.constant 0 : i32
    %dma_wait3A_229 = arith.constant 0 : i32
    %dma_wait3A_230 = tpu.memref_slice %arg10[%dma_wait3A_228, %dma_wait3A_229] : memref<10240x32xf32, #tpu.memory_space<vmem_shared>> -> memref<10240x32xf32, #tpu.memory_space<vmem_shared>>
    tpu.wait_indirect_dma semaphore(%arg13 : memref<!tpu.dma_semaphore, #tpu.memory_space<semaphore_mem>>) src(%dma_wait3A_224 : memref<128x32xf32, #tpu.memory_space<vmem>>) dst(%dma_wait3A_230 : memref<10240x32xf32, #tpu.memory_space<vmem_shared>>)
    %dma_wait3A_231 = arith.constant 0 : i32
    %dma_wait3A_232 = arith.constant 0 : i32
    %dma_wait3A_233 = arith.constant 0 : i32
    %dma_wait3A_234 = arith.constant 0 : i32
    %dma_wait3A_235 = tpu.memref_slice %arg8[%dma_wait3A_231, %dma_wait3A_233, %dma_wait3A_234] : memref<8x128x32xf32, #tpu.memory_space<vmem>> -> memref<1x128x32xf32, #tpu.memory_space<vmem>>
    %dma_wait3A_236 = tpu.memref_squeeze %dma_wait3A_235 : memref<1x128x32xf32, #tpu.memory_space<vmem>> -> memref<128x32xf32, #tpu.memory_space<vmem>>
    %dma_wait3A_237 = arith.constant 0 : i32
    %dma_wait3A_238 = tpu.memref_slice %arg7[%dma_wait3A_232, %dma_wait3A_237] : memref<79x128xi32, #tpu.memory_space<vmem>> -> memref<1x128xi32, #tpu.memory_space<vmem>>
    %dma_wait3A_239 = tpu.memref_squeeze %dma_wait3A_238 : memref<1x128xi32, #tpu.memory_space<vmem>> -> memref<128xi32, #tpu.memory_space<vmem>>
    %dma_wait3A_240 = arith.constant 0 : i32
    %dma_wait3A_241 = arith.constant 0 : i32
    %dma_wait3A_242 = tpu.memref_slice %arg10[%dma_wait3A_240, %dma_wait3A_241] : memref<10240x32xf32, #tpu.memory_space<vmem_shared>> -> memref<10240x32xf32, #tpu.memory_space<vmem_shared>>
    tpu.wait_indirect_dma semaphore(%arg13 : memref<!tpu.dma_semaphore, #tpu.memory_space<semaphore_mem>>) src(%dma_wait3A_236 : memref<128x32xf32, #tpu.memory_space<vmem>>) dst(%dma_wait3A_242 : memref<10240x32xf32, #tpu.memory_space<vmem_shared>>)
    %dma_wait3A_243 = arith.constant 0 : i32
    %dma_wait3A_244 = arith.constant 0 : i32
    %dma_wait3A_245 = arith.constant 0 : i32
    %dma_wait3A_246 = arith.constant 0 : i32
    %dma_wait3A_247 = tpu.memref_slice %arg8[%dma_wait3A_243, %dma_wait3A_245, %dma_wait3A_246] : memref<8x128x32xf32, #tpu.memory_space<vmem>> -> memref<1x128x32xf32, #tpu.memory_space<vmem>>
    %dma_wait3A_248 = tpu.memref_squeeze %dma_wait3A_247 : memref<1x128x32xf32, #tpu.memory_space<vmem>> -> memref<128x32xf32, #tpu.memory_space<vmem>>
    %dma_wait3A_249 = arith.constant 0 : i32
    %dma_wait3A_250 = tpu.memref_slice %arg7[%dma_wait3A_244, %dma_wait3A_249] : memref<79x128xi32, #tpu.memory_space<vmem>> -> memref<1x128xi32, #tpu.memory_space<vmem>>
    %dma_wait3A_251 = tpu.memref_squeeze %dma_wait3A_250 : memref<1x128xi32, #tpu.memory_space<vmem>> -> memref<128xi32, #tpu.memory_space<vmem>>
    %dma_wait3A_252 = arith.constant 0 : i32
    %dma_wait3A_253 = arith.constant 0 : i32
    %dma_wait3A_254 = tpu.memref_slice %arg10[%dma_wait3A_252, %dma_wait3A_253] : memref<10240x32xf32, #tpu.memory_space<vmem_shared>> -> memref<10240x32xf32, #tpu.memory_space<vmem_shared>>
    tpu.wait_indirect_dma semaphore(%arg13 : memref<!tpu.dma_semaphore, #tpu.memory_space<semaphore_mem>>) src(%dma_wait3A_248 : memref<128x32xf32, #tpu.memory_space<vmem>>) dst(%dma_wait3A_254 : memref<10240x32xf32, #tpu.memory_space<vmem_shared>>)
    %barrier3A_255 = arith.constant 0 : index
    tpu.barrier barrier_id(%barrier3A_255)
    %scan3A_256 = arith.constant 0 : i32
    %scan3A_257 = arith.constant 0 : i32
    %scan3A_258 = arith.constant 5 : i32
    %scan3A_259 = arith.addi %scan3A_257, %scan3A_258 : i32
    %scan3A_260 = arith.constant 1 : i32
    %scan3A_261 = scf.for %scan3A_263 = %scan3A_257 to %scan3A_259 step %scan3A_260 iter_args(%scan3A_264 = %scan3A_256) -> (i32)  : i32 {
      %mul3A_265 = arith.constant 640 : i32
      %mul3A_266 = arith.muli %arg1, %mul3A_265 : i32
      %mul3A_267 = arith.constant 128 : i32
      %mul3A_268 = arith.muli %scan3A_263, %mul3A_267 : i32
      %add3A_269 = arith.addi %mul3A_266, %mul3A_268 : i32
      "tpu.region"() ({
        %run_scoped3A = tpu.sem_alloc : memref<!tpu.dma_semaphore, #tpu.memory_space<semaphore_mem>>
        %dma_start3A_271 = arith.constant 32 : i32
        %dma_start3A_272 = tpu.memref_slice %arg5[%arg0, %add3A_269, %dma_start3A_271] : memref<2x10240x128xf32, #tpu.memory_space<hbm>> -> memref<1x128x32xf32, #tpu.memory_space<hbm>>
        %dma_start3A_273 = tpu.memref_squeeze %dma_start3A_272 : memref<1x128x32xf32, #tpu.memory_space<hbm>> -> memref<128x32xf32, #tpu.memory_space<hbm>>
        %dma_start3A_274 = arith.constant 0 : i32
        %dma_start3A_275 = tpu.memref_slice %arg10[%add3A_269, %dma_start3A_274] : memref<10240x32xf32, #tpu.memory_space<vmem_shared>> -> memref<128x32xf32, #tpu.memory_space<vmem_shared>>
        tpu.enqueue_dma source(%dma_start3A_275 : memref<128x32xf32, #tpu.memory_space<vmem_shared>>) target(%dma_start3A_273 : memref<128x32xf32, #tpu.memory_space<hbm>>) target_semaphore(%run_scoped3A : memref<!tpu.dma_semaphore, #tpu.memory_space<semaphore_mem>>)
        %dma_wait3A_276 = arith.constant 32 : i32
        %dma_wait3A_277 = tpu.memref_slice %arg5[%arg0, %add3A_269, %dma_wait3A_276] : memref<2x10240x128xf32, #tpu.memory_space<hbm>> -> memref<1x128x32xf32, #tpu.memory_space<hbm>>
        %dma_wait3A_278 = tpu.memref_squeeze %dma_wait3A_277 : memref<1x128x32xf32, #tpu.memory_space<hbm>> -> memref<128x32xf32, #tpu.memory_space<hbm>>
        %dma_wait3A_279 = arith.constant 0 : i32
        %dma_wait3A_280 = tpu.memref_slice %arg10[%add3A_269, %dma_wait3A_279] : memref<10240x32xf32, #tpu.memory_space<vmem_shared>> -> memref<128x32xf32, #tpu.memory_space<vmem_shared>>
        tpu.wait_dma2 semaphore(%run_scoped3A : memref<!tpu.dma_semaphore, #tpu.memory_space<semaphore_mem>>) src(%dma_wait3A_280 : memref<128x32xf32, #tpu.memory_space<vmem_shared>>) dst(%dma_wait3A_278 : memref<128x32xf32, #tpu.memory_space<hbm>>)
        tpu.yield
      }) : () -> ()
      %scan3A_270 = arith.constant 0 : i32
      scf.yield %scan3A_270 : i32
    }
    %scan3A_262 = arith.constant 5 : i32
    return
  }
}

module attributes {stable_mosaic.version = 14 : i64} {
  func.func @_tc1_body(%arg0: i32, %arg1: memref<1024x128xf32, #tpu.memory_space<vmem>>, %arg2: memref<128x64xf32, #tpu.memory_space<vmem>>, %arg3: memref<2x1024xf32, #tpu.memory_space<vmem>>, %arg4: memref<1024x128xf32, #tpu.memory_space<vmem>>) attributes {dimension_semantics = [#tpu.dimension_semantics<arbitrary>], iteration_bounds = array<i64: 10>, scalar_prefetch = 0 : i64, scratch_operands = 0 : i64, tpu.core_type = #tpu.core_type<tc>, window_params = [{transform_indices = @transform_0, window_bounds = array<i64: 1024, 128>}, {pipeline_mode = #tpu.pipeline_mode<synchronous>, transform_indices = @transform_1, window_bounds = array<i64: 128, 64>}, {transform_indices = @transform_2, window_bounds = array<i64: 2, 1024>}, {transform_indices = @transform_3, window_bounds = array<i64: 1024, 128>}]} {
    %get3A = arith.constant 0 : index
    %get3A_0 = arith.constant 0 : index
    %get3A_1 = vector.load %arg3[%get3A, %get3A_0] : memref<2x1024xf32, #tpu.memory_space<vmem>>, vector<1x1024xf32>
    %get3A_2 = vector.shape_cast %get3A_1 : vector<1x1024xf32> to vector<1024xf32>
    %get3A_3 = arith.constant 1 : index
    %get3A_4 = arith.constant 0 : index
    %get3A_5 = vector.load %arg3[%get3A_3, %get3A_4] : memref<2x1024xf32, #tpu.memory_space<vmem>>, vector<1x1024xf32>
    %get3A_6 = vector.shape_cast %get3A_5 : vector<1x1024xf32> to vector<1024xf32>
    %add3A = arith.addf %get3A_2, %get3A_6 : vector<1024xf32>
    %add3A_7 = arith.constant 1.000000e+00 : f32
    %add3A_8 = vector.broadcast %add3A_7 : f32 to vector<1024xf32>
    %add3A_9 = arith.addf %add3A, %add3A_8 : vector<1024xf32>
    %rsqrt3A = math.rsqrt %add3A_9 : vector<1024xf32>
    %get3A_10 = arith.constant 0 : index
    %get3A_11 = arith.constant 0 : index
    %get3A_12 = vector.load %arg1[%get3A_10, %get3A_11] : memref<1024x128xf32, #tpu.memory_space<vmem>>, vector<1024x128xf32>
    %get3A_13 = arith.constant 0 : index
    %get3A_14 = arith.constant 0 : index
    %get3A_15 = vector.load %arg2[%get3A_13, %get3A_14] : memref<128x64xf32, #tpu.memory_space<vmem>>, vector<128x64xf32>
    %dot_general3A = arith.constant dense<0.000000e+00> : vector<1024x64xf32>
    %dot_general3A_16 = tpu.matmul %get3A_12, %get3A_15, %dot_general3A {dimension_numbers = #tpu.dot_dimension_numbers<[1], [0], [0], [1], [0, 0, 1, 1], [], []>, transpose_lhs_hint = false} : vector<1024x128xf32>, vector<128x64xf32>, vector<1024x64xf32> -> vector<1024x64xf32>
    %broadcast_in_dim3A = vector.shape_cast %rsqrt3A : vector<1024xf32> to vector<1024x1xf32>
    %mul3A = vector.broadcast %broadcast_in_dim3A : vector<1024x1xf32> to vector<1024x64xf32>
    %mul3A_17 = arith.mulf %dot_general3A_16, %mul3A : vector<1024x64xf32>
    %broadcast_in_dim3A_18 = arith.constant 0.000000e+00 : f32
    %broadcast_in_dim3A_19 = vector.broadcast %broadcast_in_dim3A_18 : f32 to vector<1024x64xf32>
    %concatenate3A = tpu.concatenate %mul3A_17, %broadcast_in_dim3A_19 in 1 : vector<1024x64xf32>, vector<1024x64xf32> -> vector<1024x128xf32>
    %swap3A = arith.constant 0 : index
    %swap3A_20 = arith.constant 0 : index
    %swap3A_21 = vector.load %arg4[%swap3A, %swap3A_20] : memref<1024x128xf32, #tpu.memory_space<vmem>>, vector<1024x128xf32>
    tpu.vector_store %arg4[%swap3A, %swap3A_20], %concatenate3A {strides = array<i32>} : memref<1024x128xf32, #tpu.memory_space<vmem>>, vector<1024x128xf32>,
    return
  }
  func.func @transform_0(%arg0: i32) -> (i32, i32) {
    %c0_i32 = arith.constant 0 : i32
    %c0_i32_0 = arith.constant 0 : i32
    return %arg0, %c0_i32 : i32, i32
  }
  func.func @transform_1(%arg0: i32) -> (i32, i32) {
    %c0_i32 = arith.constant 0 : i32
    %c0_i32_0 = arith.constant 0 : i32
    %c0_i32_1 = arith.constant 0 : i32
    return %c0_i32, %c0_i32_0 : i32, i32
  }
  func.func @transform_2(%arg0: i32) -> (i32, i32) {
    %c0_i32 = arith.constant 0 : i32
    %c0_i32_0 = arith.constant 0 : i32
    return %c0_i32, %arg0 : i32, i32
  }
  func.func @transform_3(%arg0: i32) -> (i32, i32) {
    %c0_i32 = arith.constant 0 : i32
    %c0_i32_0 = arith.constant 0 : i32
    return %arg0, %c0_i32 : i32, i32
  }
}

module attributes {stable_mosaic.version = 14 : i64} {
  func.func @_tc2_body(%arg0: i32, %arg1: memref<2x1024x128xf32, #tpu.memory_space<vmem>>, %arg2: memref<1024x128xf32, #tpu.memory_space<vmem>>, %arg3: memref<2x1024xf32, #tpu.memory_space<vmem>>, %arg4: memref<1x64xf32, #tpu.memory_space<vmem>>, %arg5: memref<64x16xf32, #tpu.memory_space<vmem>>, %arg6: memref<1024x128xf32, #tpu.memory_space<vmem>>) attributes {dimension_semantics = [#tpu.dimension_semantics<arbitrary>], iteration_bounds = array<i64: 10>, scalar_prefetch = 0 : i64, scratch_operands = 0 : i64, tpu.core_type = #tpu.core_type<tc>, window_params = [{transform_indices = @transform_0, window_bounds = array<i64: 2, 1024, 128>}, {transform_indices = @transform_1, window_bounds = array<i64: 1024, 128>}, {transform_indices = @transform_2, window_bounds = array<i64: 2, 1024>}, {pipeline_mode = #tpu.pipeline_mode<synchronous>, transform_indices = @transform_3, window_bounds = array<i64: 1, 64>}, {pipeline_mode = #tpu.pipeline_mode<synchronous>, transform_indices = @transform_4, window_bounds = array<i64: 64, 16>}, {transform_indices = @transform_5, window_bounds = array<i64: 1024, 128>}]} {
    %get3A = arith.constant 0 : index
    %get3A_0 = arith.constant 0 : index
    %get3A_1 = vector.load %arg3[%get3A, %get3A_0] : memref<2x1024xf32, #tpu.memory_space<vmem>>, vector<1x1024xf32>
    %get3A_2 = vector.shape_cast %get3A_1 : vector<1x1024xf32> to vector<1024xf32>
    %get3A_3 = arith.constant 1 : index
    %get3A_4 = arith.constant 0 : index
    %get3A_5 = vector.load %arg3[%get3A_3, %get3A_4] : memref<2x1024xf32, #tpu.memory_space<vmem>>, vector<1x1024xf32>
    %get3A_6 = vector.shape_cast %get3A_5 : vector<1x1024xf32> to vector<1024xf32>
    %add3A = arith.addf %get3A_2, %get3A_6 : vector<1024xf32>
    %add3A_7 = arith.constant 1.000000e+00 : f32
    %add3A_8 = vector.broadcast %add3A_7 : f32 to vector<1024xf32>
    %add3A_9 = arith.addf %add3A, %add3A_8 : vector<1024xf32>
    %rsqrt3A = math.rsqrt %add3A_9 : vector<1024xf32>
    %get3A_10 = arith.constant 0 : index
    %get3A_11 = arith.constant 0 : index
    %get3A_12 = arith.constant 0 : index
    %get3A_13 = vector.load %arg1[%get3A_10, %get3A_11, %get3A_12] : memref<2x1024x128xf32, #tpu.memory_space<vmem>>, vector<1x1024x64xf32>
    %get3A_14 = vector.shape_cast %get3A_13 : vector<1x1024x64xf32> to vector<1024x64xf32>
    %get3A_15 = arith.constant 1 : index
    %get3A_16 = arith.constant 0 : index
    %get3A_17 = arith.constant 0 : index
    %get3A_18 = vector.load %arg1[%get3A_15, %get3A_16, %get3A_17] : memref<2x1024x128xf32, #tpu.memory_space<vmem>>, vector<1x1024x64xf32>
    %get3A_19 = vector.shape_cast %get3A_18 : vector<1x1024x64xf32> to vector<1024x64xf32>
    %add3A_20 = arith.addf %get3A_14, %get3A_19 : vector<1024x64xf32>
    %get3A_21 = arith.constant 0 : index
    %get3A_22 = arith.constant 0 : index
    %get3A_23 = vector.load %arg2[%get3A_21, %get3A_22] : memref<1024x128xf32, #tpu.memory_space<vmem>>, vector<1024x64xf32>
    %add3A_24 = arith.addf %add3A_20, %get3A_23 : vector<1024x64xf32>
    %broadcast_in_dim3A = vector.shape_cast %rsqrt3A : vector<1024xf32> to vector<1024x1xf32>
    %mul3A = vector.broadcast %broadcast_in_dim3A : vector<1024x1xf32> to vector<1024x64xf32>
    %mul3A_25 = arith.mulf %add3A_24, %mul3A : vector<1024x64xf32>
    %get3A_26 = arith.constant 0 : index
    %get3A_27 = arith.constant 0 : index
    %get3A_28 = vector.load %arg4[%get3A_26, %get3A_27] : memref<1x64xf32, #tpu.memory_space<vmem>>, vector<1x64xf32>
    %add3A_29 = vector.broadcast %get3A_28 : vector<1x64xf32> to vector<1024x64xf32>
    %add3A_30 = arith.addf %mul3A_25, %add3A_29 : vector<1024x64xf32>
    %max3A = arith.constant 0.000000e+00 : f32
    %max3A_31 = vector.broadcast %max3A : f32 to vector<1024x64xf32>
    %max3A_32 = arith.maximumf %add3A_30, %max3A_31 : vector<1024x64xf32>
    %get3A_33 = arith.constant 0 : index
    %get3A_34 = arith.constant 0 : index
    %get3A_35 = vector.load %arg5[%get3A_33, %get3A_34] : memref<64x16xf32, #tpu.memory_space<vmem>>, vector<64x16xf32>
    %dot_general3A = arith.constant dense<0.000000e+00> : vector<1024x16xf32>
    %dot_general3A_36 = tpu.matmul %max3A_32, %get3A_35, %dot_general3A {dimension_numbers = #tpu.dot_dimension_numbers<[1], [0], [0], [1], [0, 0, 1, 1], [], []>, transpose_lhs_hint = false} : vector<1024x64xf32>, vector<64x16xf32>, vector<1024x16xf32> -> vector<1024x16xf32>
    %broadcast_in_dim3A_37 = vector.shape_cast %rsqrt3A : vector<1024xf32> to vector<1024x1xf32>
    %mul3A_38 = vector.broadcast %broadcast_in_dim3A_37 : vector<1024x1xf32> to vector<1024x16xf32>
    %mul3A_39 = arith.mulf %dot_general3A_36, %mul3A_38 : vector<1024x16xf32>
    %broadcast_in_dim3A_40 = arith.constant 0.000000e+00 : f32
    %broadcast_in_dim3A_41 = vector.broadcast %broadcast_in_dim3A_40 : f32 to vector<1024x112xf32>
    %concatenate3A = tpu.concatenate %mul3A_39, %broadcast_in_dim3A_41 in 1 : vector<1024x16xf32>, vector<1024x112xf32> -> vector<1024x128xf32>
    %swap3A = arith.constant 0 : index
    %swap3A_42 = arith.constant 0 : index
    %swap3A_43 = vector.load %arg6[%swap3A, %swap3A_42] : memref<1024x128xf32, #tpu.memory_space<vmem>>, vector<1024x128xf32>
    tpu.vector_store %arg6[%swap3A, %swap3A_42], %concatenate3A {strides = array<i32>} : memref<1024x128xf32, #tpu.memory_space<vmem>>, vector<1024x128xf32>,
    return
  }
  func.func @transform_0(%arg0: i32) -> (i32, i32, i32) {
    %c0_i32 = arith.constant 0 : i32
    %c0_i32_0 = arith.constant 0 : i32
    %c0_i32_1 = arith.constant 0 : i32
    return %c0_i32, %arg0, %c0_i32_0 : i32, i32, i32
  }
  func.func @transform_1(%arg0: i32) -> (i32, i32) {
    %c0_i32 = arith.constant 0 : i32
    %c0_i32_0 = arith.constant 0 : i32
    return %arg0, %c0_i32 : i32, i32
  }
  func.func @transform_2(%arg0: i32) -> (i32, i32) {
    %c0_i32 = arith.constant 0 : i32
    %c0_i32_0 = arith.constant 0 : i32
    return %c0_i32, %arg0 : i32, i32
  }
  func.func @transform_3(%arg0: i32) -> (i32, i32) {
    %c0_i32 = arith.constant 0 : i32
    %c0_i32_0 = arith.constant 0 : i32
    %c0_i32_1 = arith.constant 0 : i32
    return %c0_i32, %c0_i32_0 : i32, i32
  }
  func.func @transform_4(%arg0: i32) -> (i32, i32) {
    %c0_i32 = arith.constant 0 : i32
    %c0_i32_0 = arith.constant 0 : i32
    %c0_i32_1 = arith.constant 0 : i32
    return %c0_i32, %c0_i32_0 : i32, i32
  }
  func.func @transform_5(%arg0: i32) -> (i32, i32) {
    %c0_i32 = arith.constant 0 : i32
    %c0_i32_0 = arith.constant 0 : i32
    return %arg0, %c0_i32 : i32, i32
  }
}

module attributes {stable_mosaic.version = 14 : i64} {
  func.func @_tc3_body(%arg0: i32, %arg1: memref<2x1024x128xf32, #tpu.memory_space<vmem>>, %arg2: memref<1024x128xf32, #tpu.memory_space<vmem>>, %arg3: memref<2x1024xf32, #tpu.memory_space<vmem>>, %arg4: memref<1x16xf32, #tpu.memory_space<vmem>>, %arg5: memref<1024x2xf32, #tpu.memory_space<vmem>>) attributes {dimension_semantics = [#tpu.dimension_semantics<arbitrary>], iteration_bounds = array<i64: 10>, scalar_prefetch = 0 : i64, scratch_operands = 0 : i64, tpu.core_type = #tpu.core_type<tc>, window_params = [{transform_indices = @transform_0, window_bounds = array<i64: 2, 1024, 128>}, {transform_indices = @transform_1, window_bounds = array<i64: 1024, 128>}, {transform_indices = @transform_2, window_bounds = array<i64: 2, 1024>}, {pipeline_mode = #tpu.pipeline_mode<synchronous>, transform_indices = @transform_3, window_bounds = array<i64: 1, 16>}, {transform_indices = @transform_4, window_bounds = array<i64: 1024, 2>}]} {
    %get3A = arith.constant 0 : index
    %get3A_0 = arith.constant 0 : index
    %get3A_1 = vector.load %arg3[%get3A, %get3A_0] : memref<2x1024xf32, #tpu.memory_space<vmem>>, vector<1x1024xf32>
    %get3A_2 = vector.shape_cast %get3A_1 : vector<1x1024xf32> to vector<1024xf32>
    %get3A_3 = arith.constant 1 : index
    %get3A_4 = arith.constant 0 : index
    %get3A_5 = vector.load %arg3[%get3A_3, %get3A_4] : memref<2x1024xf32, #tpu.memory_space<vmem>>, vector<1x1024xf32>
    %get3A_6 = vector.shape_cast %get3A_5 : vector<1x1024xf32> to vector<1024xf32>
    %add3A = arith.addf %get3A_2, %get3A_6 : vector<1024xf32>
    %add3A_7 = arith.constant 1.000000e+00 : f32
    %add3A_8 = vector.broadcast %add3A_7 : f32 to vector<1024xf32>
    %add3A_9 = arith.addf %add3A, %add3A_8 : vector<1024xf32>
    %rsqrt3A = math.rsqrt %add3A_9 : vector<1024xf32>
    %get3A_10 = arith.constant 0 : index
    %get3A_11 = arith.constant 0 : index
    %get3A_12 = arith.constant 0 : index
    %get3A_13 = vector.load %arg1[%get3A_10, %get3A_11, %get3A_12] : memref<2x1024x128xf32, #tpu.memory_space<vmem>>, vector<1x1024x16xf32>
    %get3A_14 = vector.shape_cast %get3A_13 : vector<1x1024x16xf32> to vector<1024x16xf32>
    %get3A_15 = arith.constant 1 : index
    %get3A_16 = arith.constant 0 : index
    %get3A_17 = arith.constant 0 : index
    %get3A_18 = vector.load %arg1[%get3A_15, %get3A_16, %get3A_17] : memref<2x1024x128xf32, #tpu.memory_space<vmem>>, vector<1x1024x16xf32>
    %get3A_19 = vector.shape_cast %get3A_18 : vector<1x1024x16xf32> to vector<1024x16xf32>
    %add3A_20 = arith.addf %get3A_14, %get3A_19 : vector<1024x16xf32>
    %get3A_21 = arith.constant 0 : index
    %get3A_22 = arith.constant 0 : index
    %get3A_23 = vector.load %arg2[%get3A_21, %get3A_22] : memref<1024x128xf32, #tpu.memory_space<vmem>>, vector<1024x16xf32>
    %add3A_24 = arith.addf %add3A_20, %get3A_23 : vector<1024x16xf32>
    %broadcast_in_dim3A = vector.shape_cast %rsqrt3A : vector<1024xf32> to vector<1024x1xf32>
    %mul3A = vector.broadcast %broadcast_in_dim3A : vector<1024x1xf32> to vector<1024x16xf32>
    %mul3A_25 = arith.mulf %add3A_24, %mul3A : vector<1024x16xf32>
    %get3A_26 = arith.constant 0 : index
    %get3A_27 = arith.constant 0 : index
    %get3A_28 = vector.load %arg4[%get3A_26, %get3A_27] : memref<1x16xf32, #tpu.memory_space<vmem>>, vector<1x16xf32>
    %add3A_29 = vector.broadcast %get3A_28 : vector<1x16xf32> to vector<1024x16xf32>
    %add3A_30 = arith.addf %mul3A_25, %add3A_29 : vector<1024x16xf32>
    %slice3A = vector.extract_strided_slice %add3A_30 {offsets = [0, 0], sizes = [1024, 2], strides = [1, 1]} : vector<1024x16xf32> to vector<1024x2xf32>
    %swap3A = arith.constant 0 : index
    %swap3A_31 = arith.constant 0 : index
    %swap3A_32 = vector.load %arg5[%swap3A, %swap3A_31] : memref<1024x2xf32, #tpu.memory_space<vmem>>, vector<1024x2xf32>
    tpu.vector_store %arg5[%swap3A, %swap3A_31], %slice3A {strides = array<i32>} : memref<1024x2xf32, #tpu.memory_space<vmem>>, vector<1024x2xf32>,
    return
  }
  func.func @transform_0(%arg0: i32) -> (i32, i32, i32) {
    %c0_i32 = arith.constant 0 : i32
    %c0_i32_0 = arith.constant 0 : i32
    %c0_i32_1 = arith.constant 0 : i32
    return %c0_i32, %arg0, %c0_i32_0 : i32, i32, i32
  }
  func.func @transform_1(%arg0: i32) -> (i32, i32) {
    %c0_i32 = arith.constant 0 : i32
    %c0_i32_0 = arith.constant 0 : i32
    return %arg0, %c0_i32 : i32, i32
  }
  func.func @transform_2(%arg0: i32) -> (i32, i32) {
    %c0_i32 = arith.constant 0 : i32
    %c0_i32_0 = arith.constant 0 : i32
    return %c0_i32, %arg0 : i32, i32
  }
  func.func @transform_3(%arg0: i32) -> (i32, i32) {
    %c0_i32 = arith.constant 0 : i32
    %c0_i32_0 = arith.constant 0 : i32
    %c0_i32_1 = arith.constant 0 : i32
    return %c0_i32, %c0_i32_0 : i32, i32
  }
  func.func @transform_4(%arg0: i32) -> (i32, i32) {
    %c0_i32 = arith.constant 0 : i32
    %c0_i32_0 = arith.constant 0 : i32
    return %arg0, %c0_i32 : i32, i32
  }
}

</mosaic_0001>

<sc_bundles>
// kernel: kernel.11.cloned.1.call-start
scs
__scs_entry_jumppad:
0x0: {  	(pc) =	sbr.rel $0x88, $3  }
0x1: {  	(tag) =	ssettag $0x0;
	lr =	simm.s32 $0x1  }
0x2: {  	[smem:$0x3F9B] =	sst lr;
	_ =	strace $0xD0000000  }
0x3: {  	_ = 	snop  }
0x4: {  	_ = 	snop  }
0x5: {  	_ = 	snop  }
0x6: {  	_ = 	snop  }
0x7: {  	_ = 	snop  }
__scs_overlays_trampoline_lowered:
0x8: {  	[smem:$0x3FAA] =	sst s0  }
0x9: {  	[smem:$0x3FAB] =	sst s1  }
0xa: {  	[smem:$0x3FAC] =	sst s2  }
0xb: {  	[smem:$0x3FAD] =	sst s3  }
0xc: {  	[smem:$0x3FAE] =	sst s4  }
0xd: {  	[smem:$0x3FAF] =	sst s5  }
0xe: {  	[smem:$0x3FB0] =	sst s6  }
0xf: {  	[smem:$0x3FB1] =	sst s7  }
0x10: {  	[smem:$0x3FB2] =	sst s8  }
0x11: {  	[smem:$0x3FB3] =	sst s9;
	s0 =	simm.s32 @!p0 $0x0  }
0x12: {  	s1 =	sld [smem:$0x3F99];
	s0 =	simm.s32 @p0 $0x1  }
0x13: {  	[smem:$0x3FB4] =	sst s0;
	s0 =	simm.s32 @!p1 $0x0  }
0x14: {  	s2 =	sld [smem:$0x3F98];
	s0 =	simm.s32 @p1 $0x1  }
0x15: {  	[smem:$0x3FB5] =	sst s0;
	s0 =	simm.s32 @!p2 $0x0  }
0x16: {  	s3 =	sld [smem:$0x3FDB];
	s0 =	simm.s32 @p2 $0x1  }
0x17: {  	s4 =	simm.s32 $0x1BF5;
	[smem:$0x3FB7] =	sst s0  }
0x18: {  	s0 =	sld [smem:$0x3F9A];
	_ =	swait.ge [sflag:s4], $0x0  }
0x19: {  	s7 =	sld [smem:$0x3F9B]  }
0x1a: {  	s8 =	sadd.s32 $0xFFFFE003, lr  }
0x1b: {  	s9 =	sadd.s32 $0xFFFFFEF7, lr;
	s5 =	simm.s32 $0xFFFFFFFF;
	p2 =	slt.u32 s8, $0xFFFFF086  }
0x1c: {  	p1 =	slt.u32 s9, $0xF7A;
	s5 =	simm.s32 @!p2 $0x0  }
0x1d: {  	s5 =	simm.s32 @p1 $0x1;
	p0 =	seq.s32 s7, s2  }
0x1e: {  	s7 =	smul.u32 @!p0 $0xF7A, s2;
	p2 =	seq.s32 @!p0 s5, $0x0  }
0x1f: {  	s9 =	smul.u32 $0xF7A, s1;
	s8 =	simm.s32 @!p0 $0x1BF5;
	p2 =	por !p2, p0  }
0x20: {  	[sflag:s8] =	ssyncset.s32 @!p0 $0xFFFFF086;
	s6 =	sadd.s32 @!p0 s3, s7;
	s7 =	simm.s32 @!p0 $0x108  }
0x21: {  	s3 =	sadd.s32 s3, s9;
	s6 =	sadd.s32 @!p0 $0x88, s6;
	s7 =	simm.s32 @p2 $0x1082  }
0x22: {  	[simem:s7], [sflag:s8] =	dma.local @!p0 [hbm:s6], $0xF7A  }
0x23: {  	s9 =	sor.u32 $0xD0000000, s2;
	s6 =	simm.s32 $0x108;
	_ =	swait.ge @!p0 [sflag:s8], $0x0  }
0x24: {  	s3 =	sadd.s32 $0x88, s3;
	s6 =	simm.s32 @!p1 $0x1082;
	[sflag:s4] =	ssyncset.s32 $0xFFFFF086  }
0x25: {  	[simem:s6], [sflag:s4] =	dma.local [hbm:s3], $0xF7A  }
0x26: {  	[smem:$0x3F9B] =	sst s1;
	(tag) =	ssettag s2;
	_ =	strace s9  }
0x27: {  	s1 =	sld [smem:$0x3FAB]  }
0x28: {  	s2 =	sld [smem:$0x3FAC]  }
0x29: {  	s4 =	sld [smem:$0x3FAE]  }
0x2a: {  	p0 =	seq.s32 s5, $0x0;
	s5 =	sld [smem:$0x3FAF]  }
0x2b: {  	s6 =	sld [smem:$0x3FB0]  }
0x2c: {  	s7 =	sld [smem:$0x3FB1]  }
0x2d: {  	s3 =	simm.s32 $0x108;
	s8 =	sld [smem:$0x3FB2]  }
0x2e: {  	s3 =	simm.s32 @!p0 $0x1082;
	s9 =	sld [smem:$0x3FB3]  }
0x2f: {  	lr =	sadd.s32 s0, s3;
	s0 =	sld [smem:$0x3FAA]  }
0x30: {  	s3 =	sld [smem:$0x3FAD]  }
0x31: {  	[smem:$0x3FB6] =	sst s10  }
0x32: {  	s10 =	sld [smem:$0x3FB4];
	_ =	sdelay $0x3  }
0x33: {  	p0 =	seq.s32 s10, $0x1;
	s10 =	sld [smem:$0x3FB6];
	_ =	sdelay $0x3  }
0x34: {  	[smem:$0x3FB6] =	sst s10  }
0x35: {  	s10 =	sld [smem:$0x3FB5];
	_ =	sdelay $0x3  }
0x36: {  	p1 =	seq.s32 s10, $0x1;
	s10 =	sld [smem:$0x3FB6];
	_ =	sdelay $0x3  }
0x37: {  	[smem:$0x3FB6] =	sst s10  }
0x38: {  	s10 =	sld [smem:$0x3FB7]  }
0x39: {  	_ = 	snop;
	(pc) =	sbr.ind lr, $3  }
0x3a: {  	_ = 	snop  }
0x3b: {  	_ = 	snop  }
0x3c: {  	p2 =	seq.s32 s10, $0x1;
	s10 =	sld [smem:$0x3FB6]  }
0x3d: {  	_ =	shalt  }
0x3e: {  	_ =	shalt  }
0x3f: {  	_ =	shalt  }
0x40: {  	_ =	shalt  }
0x41: {  	_ =	shalt  }
0x42: {  	_ =	shalt  }
0x43: {  	_ =	shalt  }
0x44: {  	_ =	shalt  }
0x45: {  	_ =	shalt  }
0x46: {  	_ =	shalt  }
0x47: {  	_ =	shalt  }
0x48: {  	_ =	shalt  }
0x49: {  	_ =	shalt  }
0x4a: {  	_ =	shalt  }
0x4b: {  	_ =	shalt  }
0x4c: {  	_ =	shalt  }
0x4d: {  	_ =	shalt  }
0x4e: {  	_ =	shalt  }
0x4f: {  	_ =	shalt  }
0x50: {  	_ =	shalt  }
0x51: {  	_ =	shalt  }
0x52: {  	_ =	shalt  }
0x53: {  	_ =	shalt  }
0x54: {  	_ =	shalt  }
0x55: {  	_ =	shalt  }
0x56: {  	_ =	shalt  }
0x57: {  	_ =	shalt  }
0x58: {  	_ =	shalt  }
0x59: {  	_ =	shalt  }
0x5a: {  	_ =	shalt  }
0x5b: {  	_ =	shalt  }
0x5c: {  	_ =	shalt  }
0x5d: {  	_ =	shalt  }
0x5e: {  	_ =	shalt  }
0x5f: {  	_ =	shalt  }
0x60: {  	_ =	shalt  }
0x61: {  	_ =	shalt  }
0x62: {  	_ =	shalt  }
0x63: {  	_ =	shalt  }
0x64: {  	_ =	shalt  }
0x65: {  	_ =	shalt  }
0x66: {  	_ =	shalt  }
0x67: {  	_ =	shalt  }
0x68: {  	_ =	shalt  }
0x69: {  	_ =	shalt  }
0x6a: {  	_ =	shalt  }
0x6b: {  	_ =	shalt  }
0x6c: {  	_ =	shalt  }
0x6d: {  	_ =	shalt  }
0x6e: {  	_ =	shalt  }
0x6f: {  	_ =	shalt  }
0x70: {  	_ =	shalt  }
0x71: {  	_ =	shalt  }
0x72: {  	_ =	shalt  }
0x73: {  	_ =	shalt  }
0x74: {  	_ =	shalt  }
0x75: {  	_ =	shalt  }
0x76: {  	_ =	shalt  }
0x77: {  	_ =	shalt  }
0x78: {  	_ =	shalt  }
0x79: {  	_ =	shalt  }
0x7a: {  	_ =	shalt  }
0x7b: {  	_ =	shalt  }
0x7c: {  	_ =	shalt  }
0x7d: {  	_ =	shalt  }
0x7e: {  	_ =	shalt  }
0x7f: {  	_ =	shalt  }
0x80: {  	_ =	shalt  }
0x81: {  	_ =	shalt  }
0x82: {  	_ =	shalt  }
0x83: {  	_ =	shalt  }
0x84: {  	_ =	shalt  }
0x85: {  	_ =	shalt  }
0x86: {  	_ =	shalt  }
0x87: {  	_ =	shalt  }
.Lfunc_end0:
.L_simem_size_0:
called_computation.1_lowered:
.L_overlay_start_0:
0x88: {  	s2 =	sld [smem:$0x3FD9]  }
0x89: {  	s3 =	sld [smem:$0x3FFE];
	_ =	sdelay $0x1  }
0x8a: {  	s1 =	srdreg.scid  }
0x8b: {  	s0 =	sand.u32 $0x1, s1  }
0x8c: {  	s16 =	sshll.u32 s0, $0xA;
	s2 =	sadd.s32 s3, s2  }
0x8d: {  	s2 =	sadd.s32 s2, s16  }
0x8e: {  	[smem:$0x3FC2] =	sst s2  }
0x8f: {  	_ = 	snop  }
0x90: {  	(tm) =	ssettm $0x1  }
0x91: {  	s17 =	sld [smem:$0x3FFB];
	_ =	sdelay $0x3  }
0x92: {  	_ =	strace s17  }
0x93: {  	s2 =	sld [smem:$0x3FFC];
	_ =	sdelay $0x3  }
0x94: {  	_ =	strace s2  }
0x95: {  	s2 =	sld [smem:$0x3FFD];
	_ =	sdelay $0x3  }
0x96: {  	_ =	strace s2  }
0x97: {  	_ =	strace $0x8FFFFFFF  }
0x98: {  	s18 =	sld [smem:$0x3FDB];
	_ =	sdelay $0x1  }
0x99: {  	s19 =	simm.s32 $_scs_section_size  }
0x9a: {  	s4 =	simm.s32 $_size__tile_overlayer_lowered;
	s5 =	simm.s32 $_tile_overlayer_lowered  }
0x9b: {  	s22 =	simm.s32 $0x1BFF;
	s21 =	sshll.u32 s5, $0x1;
	s2 =	sadd.s32 s19, s18  }
0x9c: {  	s6 =	simm.s32 $0x0;
	s20 =	sshll.u32 s4, $0x1;
	s4 =	sadd.s32 s21, s2  }
0x9d: {  	[timem:s6], [sflag:s22] =	dma.local [hbm:s4], s20  }
0x9e: {  	_ =	swait.ge [sflag:s22], s20  }
0x9f: {  	s3 =	ssub.s32 $0x0, s20;
	[sflag:s22] =	ssyncset.done $0x0  }
0xa0: {  	[sflag:s22] =	ssyncadd.s32 s3;
	_ =	sdelay $0x1  }
0xa1: {  	s23 =	simm.s32 $0x1B8B  }
0xa2: {  	_ =	swait.ge [sflag:s23], $0x1  }
0xa3: {  	[sflag:s23] =	ssyncset.done $0x0  }
0xa4: {  	s25 =	simm.s32 $0x1B8E;
	s24 =	sld [smem:$0x3FFE];
	[sflag:s23] =	ssyncadd.s32 $0xFFFFFFFF  }
0xa5: {  	s26 =	simm.s32 $execute0_lowered;
	[smem:$0x3FD2] =	sst s25  }
0xa6: {  	s4 =	sshll.u32 s26, $0x1;
	_ =	strace $0x80000049;
	[dreg:$0x1] =	wrdreg $0xFFFFFFFF  }
0xa7: {  	s28 =	simm.s32 $_size_execute0_lowered;
	s2 =	sadd.s32 s2, s4;
	[dreg:$0x0] =	wrdreg $0x0  }
0xa8: {  	s4 =	sshll.u32 s28, $0x1;
	[dreg:$0x2] =	wrdreg s2  }
0xa9: {  	[dreg:$0x3] =	wrdreg s4  }
0xaa: {  	[dreg:$0x4] =	wrdreg $0xC0  }
0xab: {  	_ =	task [dreg:s6], $0x5FFFF  }
0xac: {  	[dreg:$0x1] =	wrdreg $0xFFFFFFFF  }
0xad: {  	[dreg:$0x0] =	wrdreg $0x60  }
0xae: {  	[dreg:$0x2] =	wrdreg s24  }
0xaf: {  	[dreg:$0x3] =	wrdreg $0xDF000  }
0xb0: {  	[dreg:$0x4] =	wrdreg $0x12F000  }
0xb1: {  	[dreg:$0x5] =	wrdreg $0x9  }
0xb2: {  	_ =	task.clear_ibuf [dreg:s6], $0x6FFFF;
	_ =	strace $0x90000049  }
0xb3: {  	s29 =	simm.s32 $0x9;
	_ =	strace $0x8000004B  }
0xb4: {  	_ =	swait.ge [sflag:s29], $0x1  }
0xb5: {  	[sflag:s29] =	ssyncadd.s32 $0xFFFFFFFF  }
0xb6: {  	_ =	strace $0x9000004B  }
0xb7: {  	_ =	sfence  }
0xb8: {  	s30 =	sld [smem:$0x0];
	_ =	sdelay $0x2  }
0xb9: {  	s31 =	sshll.u32 s1, $0xD;
	s1 =	sshrl.u32 s1, $0x2  }
0xba: {  	s3 =	sand.u32 $0x4000, s31;
	s1 =	sadd.s32 s1, s30  }
0xbb: {  	s0 =	sor.u32 s3, s0;
	s1 =	sshll.u32 s1, $0x11  }
0xbc: {  	s0 =	sor.u32 s1, s0  }
0xbd: {  	s0 =	sadd.s32 $0x8F2B, s0  }
0xbe: {  	[sflag:s0] =	ssyncadd.remote.s32 $0x1  }
0xbf: {  	_ =	sfence.sel $0xFFFF  }
0xc0: {  	[dreg:$0x0] =	wrdreg $0xFFFFFFFF;
	(pc) =	sbr.abs _section_cstart, $3  }
0xc1: {  	[dreg:$0x1] =	wrdreg $0xFFFFFFFF  }
0xc2: {  	_ =	task.clear_ibuf [dreg:s6], $0x2FFFF;
	_ =	strace $0x9FFFFFFF  }
0xc3: {  	(tm) =	ssettm $0x7FFFFFFF  }
tec
execute0_lowered:
.L_overlay_start_1:
0x0: {  	(tag) =	ssettag $0x1  }
0x1: {  	s0 =	rddreg [dreg:$0x0]  }
0x2: {  	s2 =	rddreg [dreg:$0x1]  }
0x3: {  	s3 =	rddreg [dreg:$0x2];
	s1 =	srdreg.scid  }
0x4: {  	s5 =	stileid.u32;
	s7 =	simm.s32 $0x0;
	s1 =	sand.u32 $0x1, s1  }
0x5: {  	s4 =	sshll.u32 s5, $0x1;
	s6 =	smul.u32 $0x14000, s5;
	[smem:$0x7FF] =	sst s7  }
0x6: {  	s9 =	sadd.s32 $0x3E800, s0;
	s12 =	sadd.s32 $0x3E804, s0;
	s4 =	sor.u32 s1, s4  }
0x7: {  	_ =	strace $0x8000004A;
	s23 =	ssub.s32 $0x2, s1;
	s1 =	smul.u32 $0x140000, s1  }
0x8: {  	s21 =	smul.u32 $0x4F0, s4;
	s22 =	sshrl.u32 s6, $0x3;
	s10 =	sshrl.u32 s23, $0x1  }
0x9: {  	p0 =	seq.s32 s4, $0x1F;
	s11 =	sadd.s32 $0x4000, s6;
	s26 =	sadd.s32 $0x8000, s6  }
0xa: {  	s28 =	sadd.s32 $0xC000, s6;
	s17 =	sadd.s32 $0x10000, s6;
	s7 =	sadd.s32 s22, s0  }
0xb: {  	s10 =	ssub.s32 s23, s10;
	s24 =	sadd.s32 s1, s6;
	s13 =	sadd.s32 s1, s11  }
0xc: {  	s15 =	sadd.s32 s1, s26;
	s16 =	sadd.s32 s1, s28;
	s19 =	sadd.s32 $0x16800, s7  }
0xd: {  	s8 =	sadd.s32 s21, s0;
	s21 =	sadd.s32 $0x16804, s7;
	[dreg:$0x13] =	wrdreg s19  }
0xe: {  	s4 =	sshrl.u32 s24, $0x3;
	s23 =	smax.u32 s10, $0x1;
	[dreg:$0x14] =	wrdreg s21  }
0xf: {  	s1 =	sadd.s32 s1, s17;
	s14 =	sadd.s32 s4, s12;
	[dreg:$0x15] =	wrdreg s23  }
0x10: {  	s25 =	sshrl.u32 s13, $0x3;
	s4 =	sadd.s32 s9, s4;
	[dreg:$0x4] =	wrdreg s14  }
0x11: {  	s15 =	sshrl.u32 s15, $0x3;
	s13 =	sadd.s32 s9, s25;
	[dreg:$0x5] =	wrdreg s4  }
0x12: {  	s16 =	sshrl.u32 s16, $0x3;
	s18 =	sadd.s32 s9, s15;
	[dreg:$0x6] =	wrdreg s13  }
0x13: {  	s1 =	sshrl.u32 s1, $0x3;
	s29 =	sadd.s32 s9, s16;
	[dreg:$0x7] =	wrdreg s18  }
0x14: {  	s5 =	simm.s32 $0x33;
	s9 =	sadd.s32 s9, s1;
	[dreg:$0x8] =	wrdreg s29  }
0x15: {  	s5 =	simm.s32 @!p0 $0x4F;
	s30 =	sadd.s32 s15, s12;
	[dreg:$0x9] =	wrdreg s9  }
0x16: {  	s22 =	sshrl.u32 s11, $0x2;
	s31 =	sadd.s32 s16, s12;
	[dreg:$0xb] =	wrdreg s30  }
0x17: {  	s11 =	simm.s32 $0x80;
	s1 =	sadd.s32 s1, s12;
	[dreg:$0xc] =	wrdreg s31  }
0x18: {  	s24 =	sshrl.u32 s26, $0x2;
	s16 =	sadd.s32 $0xC510, s0;
	[dreg:$0xd] =	wrdreg s1  }
0x19: {  	s26 =	sshrl.u32 s17, $0x2;
	s0 =	sadd.s32 $0x16310, s0;
	[dreg:$0x10] =	wrdreg s16  }
0x1a: {  	s7 =	simm.s32 $0x3;
	s4 =	sadd.s32 s25, s12;
	[dreg:$0x11] =	wrdreg s0  }
0x1b: {  	s10 =	simm.s32 $0x10;
	s9 =	sadd.s32 $0x2C00, s8;
	[dreg:$0xa] =	wrdreg s4  }
0x1c: {  	s15 =	sshrl.u32 s6, $0x2;
	s12 =	sadd.s32 $0xCA00, s8;
	[dreg:$0xe] =	wrdreg s9  }
0x1d: {  	s17 =	simm.s32 $0x7F00;
	s18 =	sadd.s32 s15, s3;
	[dreg:$0xf] =	wrdreg s12  }
0x1e: {  	s6 =	simm.s32 $0xCF00;
	s0 =	sadd.s32 s22, s2;
	[dreg:$0x12] =	wrdreg s18  }
0x1f: {  	s25 =	sshrl.u32 s28, $0x2;
	s28 =	sadd.s32 s26, s2;
	[dreg:$0x16] =	wrdreg s0  }
0x20: {  	s20 =	sadd.s32 s15, s2;
	s0 =	sadd.s32 s24, s2;
	[dreg:$0x19] =	wrdreg s28  }
0x21: {  	s19 =	simm.s32 $0x0;
	s29 =	sadd.s32 $0x2000, s20;
	[dreg:$0x17] =	wrdreg s0  }
0x22: {  	s8 =	simm.s32 $0x1;
	s30 =	sadd.s32 $0x3000, s20;
	[dreg:$0x1a] =	wrdreg s29  }
0x23: {  	s26 =	sadd.s32 $0x1000, s20;
	s31 =	sadd.s32 $0x4000, s20;
	[dreg:$0x1b] =	wrdreg s30  }
0x24: {  	s4 =	sadd.s32 $0xFFFFFFFC, s5;
	s0 =	sadd.s32 s25, s2;
	[dreg:$0x1c] =	wrdreg s31  }
0x25: {  	v0 =	vimm.f32 $0.0e+00;
	s9 =	simm.s32 $0x4;
	s18 =	simm.s32 $0x2;
	[dreg:$0x18] =	wrdreg s0  }
.LBB2_1:
0x26: {  	s1 =	simm.s32 $0x0  }
0x27: {  	s0 =	sand.u32 $0x3F80, s1  }
0x28: {  	s1 =	sand.u32 $0x10, s1;
	s14 =	sshrl.u32 s0, $0x2  }
0x29: {  	s0 =	simm.s32 $0x40;
	s1 =	sor.u32 s1, s14;
	s14 =	simm.s32 $0x0  }
.LBB2_2:
0x2a: {  	p1 =	sne.s32 s0, $0x3FC0  }
0x2b: {  	[tilespmem:s1+$0xCF00] =	vst v0;
	s14 =	sadd.s32 $0x10, s14;
	s1 =	smov.u32 s0;
	s0 =	sadd.s32 $0x40, s0  }
.Ltmp0:
0x2c: {  	(pc) =	sbr.rel @p1 .LBB2_2-.Ltmp0, $4  }
0x2d: {  	_ = 	snop  }
0x2e: {  	s1 =	sand.u32 $0x3F80, s1  }
0x2f: {  	s16 =	sand.u32 $0x10, s14;
	s1 =	sshrl.u32 s1, $0x2  }
0x30: {  	s1 =	sor.u32 s16, s1  }
0x31: {  	[tilespmem:s1+$0xCF00] =	vst v0;
	s0 =	simm.s32 @p0 $0x0;
	s1 =	rddreg [dreg:$0x10]  }
0x32: {  	[tilespmem:s0], [sflag:$0x3] =	stream.linear.gather @p0 [hbm4b:s1+s0], $0x1980, $0x38;
	[tilespmem:$0x17F00] =	vst v63  }
0x33: {  	s1 =	simm.s32 @p0 $0x3  }
0x34: {  	_ =	swait.ge @p0 [sflag:s1], $0x1980  }
0x35: {  	[sflag:s1] =	ssyncset.done @p0 $0x0  }
0x36: {  	s14 =	simm.s32 @p0 $0x2780;
	s12 =	rddreg [dreg:$0x11];
	[sflag:s1] =	ssyncadd.s32 @p0 $0xFFFFE680  }
0x37: {  	[tilespmem:s14], [sflag:$0x3] =	stream.linear.gather @p0 [hbm4b:s12+s0], $0x1980, $0x38;
	[tilespmem:$0x17F00] =	vst v63  }
0x38: {  	_ =	swait.ge @p0 [sflag:s1], $0x1980  }
0x39: {  	[sflag:s1] =	ssyncset.done @p0 $0x0  }
0x3a: {  	s0 =	simm.s32 @!p0 $0x0;
	[sflag:s1] =	ssyncadd.s32 @p0 $0xFFFFE680;
	s1 =	rddreg [dreg:$0xe]  }
0x3b: {  	[tilespmem:s0], [sflag:$0x3] =	stream.linear.gather @!p0 [hbm4b:s1+s0], $0x2780, $0x38;
	[tilespmem:$0x17F00] =	vst v63  }
0x3c: {  	s1 =	simm.s32 @!p0 $0x3  }
0x3d: {  	_ =	swait.ge @!p0 [sflag:s1], $0x2780  }
0x3e: {  	[sflag:s1] =	ssyncset.done @!p0 $0x0  }
0x3f: {  	s14 =	simm.s32 @!p0 $0x2780;
	s12 =	rddreg [dreg:$0xf];
	[sflag:s1] =	ssyncadd.s32 @!p0 $0xFFFFD880  }
0x40: {  	[tilespmem:s14], [sflag:$0x3] =	stream.linear.gather @!p0 [hbm4b:s12+s0], $0x2780, $0x38;
	[tilespmem:$0x17F00] =	vst v63  }
0x41: {  	_ =	swait.ge @!p0 [sflag:s1], $0x2780  }
0x42: {  	[sflag:s1] =	ssyncset.done @!p0 $0x0  }
0x43: {  	[sflag:s1] =	ssyncadd.s32 @!p0 $0xFFFFD880  }
0x44: {  	[spmem:s20] =	stream.linear.scatter [tilespmem:s6], [sflag:$0x3], $0x1000, $0x38;
	[tilespmem:$0x17F00] =	vst v63  }
0x45: {  	_ =	swait.ge [sflag:s7], $0x1000  }
0x46: {  	[sflag:s7] =	ssyncset.done $0x0  }
0x47: {  	[sflag:s7] =	ssyncadd.s32 $0xFFFFF000  }
0x48: {  	[spmem:s26] =	stream.linear.scatter [tilespmem:s6], [sflag:$0x3], $0x1000, $0x38;
	[tilespmem:$0x17F00] =	vst v63  }
0x49: {  	_ =	swait.ge [sflag:s7], $0x1000  }
0x4a: {  	[sflag:s7] =	ssyncset.done $0x0  }
0x4b: {  	s25 =	rddreg [dreg:$0x1a];
	[sflag:s7] =	ssyncadd.s32 $0xFFFFF000  }
0x4c: {  	[spmem:s25] =	stream.linear.scatter [tilespmem:s6], [sflag:$0x3], $0x1000, $0x38;
	[tilespmem:$0x17F00] =	vst v63  }
0x4d: {  	_ =	swait.ge [sflag:s7], $0x1000  }
0x4e: {  	[sflag:s7] =	ssyncset.done $0x0  }
0x4f: {  	s15 =	smov.u32 s26;
	s26 =	rddreg [dreg:$0x1b];
	[sflag:s7] =	ssyncadd.s32 $0xFFFFF000  }
0x50: {  	[spmem:s26] =	stream.linear.scatter [tilespmem:s6], [sflag:$0x3], $0x1000, $0x38;
	[tilespmem:$0x17F00] =	vst v63  }
0x51: {  	_ =	swait.ge [sflag:s7], $0x1000  }
0x52: {  	[sflag:s7] =	ssyncset.done $0x0  }
0x53: {  	s12 =	stileid.u32;
	s1 =	rddreg [dreg:$0x1c];
	[sflag:s7] =	ssyncadd.s32 $0xFFFFF000  }
0x54: {  	[spmem:s1] =	stream.linear.scatter [tilespmem:s6], [sflag:$0x3], $0x1000, $0x38;
	[tilespmem:$0x17F00] =	vst v63  }
0x55: {  	s0 =	sshll.u32 s12, $0x6;
	_ =	swait.ge [sflag:s7], $0x1000  }
0x56: {  	s21 =	sor.u32 $0x1C03, s0;
	[sflag:s7] =	ssyncset.done $0x0;
	s13 =	rddreg [dreg:$0x12]  }
0x57: {  	s14 =	rddreg [dreg:$0x13];
	[sflag:s7] =	ssyncadd.s32 $0xFFFFF000;
	s23 =	sshrl.u32 s13, $0x3  }
0x58: {  	[spmem:s23@s9], [sflag:s21] =	dma.strided [hbm:s14@s10], $0xA00, s8, $0x4   }
0x59: {  	_ =	swait.ge [sflag:s7], $0xA00  }
0x5a: {  	[sflag:s7] =	ssyncset.done $0x0  }
0x5b: {  	[sflag:s7] =	ssyncadd.s32 $0xFFFFF600  }
0x5c: {  	s24 =	simm.s32 $0x0;
	s0 =	simm.s32 $0x4F00;
	[bflag:$0x0] =	sbarrier.arrive $0xFFFF  }
0x5d: {  	[tilespmem:s0], [sflag:$0x1] =	stream.indirect.gather [spmem:s3], $0x20, s24, s11, $0xb8;
	[tilespmem:$0x17F00] =	vst v63  }
0x5e: {  	s1 =	simm.s32 $0x5F00  }
0x5f: {  	[tilespmem:s1], [sflag:$0x1] =	stream.indirect.gather [spmem:s3], $0x20, s11, s11, $0xb8;
	[tilespmem:$0x17F00] =	vst v63  }
0x60: {  	s16 =	simm.s32 $0x100;
	s13 =	simm.s32 $0x6F00  }
0x61: {  	[tilespmem:s13], [sflag:$0x1] =	stream.indirect.gather [spmem:s3], $0x20, s16, s11, $0xb8;
	[tilespmem:$0x17F00] =	vst v63  }
0x62: {  	s22 =	simm.s32 $0x180  }
0x63: {  	[tilespmem:s17], [sflag:$0x1] =	stream.indirect.gather [spmem:s3], $0x20, s22, s11, $0xb8;
	[tilespmem:$0x17F00] =	vst v63  }
0x64: {  	s25 =	simm.s32 $0x200;
	s26 =	simm.s32 $0x8F00  }
0x65: {  	[tilespmem:s26], [sflag:$0x1] =	stream.indirect.gather [spmem:s3], $0x20, s25, s11, $0xb8;
	[tilespmem:$0x17F00] =	vst v63  }
0x66: {  	_ =	swait.ge [sflag:s8], $0x1000  }
0x67: {  	[sflag:s8] =	ssyncset.done $0x0  }
0x68: {  	s16 =	simm.s32 $0x2780;
	[sflag:s8] =	ssyncadd.s32 $0xFFFFF000  }
0x69: {  	[spmem:s2] =	stream.indirect.scatter.add.f32 [tilespmem:s0], [sflag:$0x2], $0x20, s16, s11, $0xb8;
	[tilespmem:$0x17F00] =	vst v63  }
0x6a: {  	s22 =	simm.s32 $0x280;
	s25 =	simm.s32 $0x9F00  }
0x6b: {  	[tilespmem:s25], [sflag:$0x1] =	stream.indirect.gather [spmem:s3], $0x20, s22, s11, $0xb8;
	[tilespmem:$0x17F00] =	vst v63  }
0x6c: {  	_ =	swait.ge [sflag:s8], $0x1000  }
0x6d: {  	[sflag:s8] =	ssyncset.done $0x0  }
0x6e: {  	s26 =	simm.s32 $0x2800;
	[sflag:s8] =	ssyncadd.s32 $0xFFFFF000  }
0x6f: {  	[spmem:s2] =	stream.indirect.scatter.add.f32 [tilespmem:s1], [sflag:$0x2], $0x20, s26, s11, $0xb8;
	[tilespmem:$0x17F00] =	vst v63  }
0x70: {  	s12 =	simm.s32 $0xAF00;
	s1 =	simm.s32 $0x300  }
0x71: {  	[tilespmem:s12], [sflag:$0x1] =	stream.indirect.gather [spmem:s3], $0x20, s1, s11, $0xb8;
	[tilespmem:$0x17F00] =	vst v63  }
0x72: {  	_ =	swait.ge [sflag:s8], $0x1000  }
0x73: {  	p1 =	sle.u32 s5, $0x8;
	[sflag:s8] =	ssyncset.done $0x0  }
0x74: {  	p2 =	sne.s32 s4, $0x1;
	s14 =	simm.s32 $0x2880;
	[sflag:s8] =	ssyncadd.s32 $0xFFFFF000  }
0x75: {  	[spmem:s2] =	stream.indirect.scatter.add.f32 [tilespmem:s13], [sflag:$0x2], $0x20, s14, s11, $0xb8;
	[tilespmem:$0x17F00] =	vst v63  }
0x76: {  	s30 =	simm.s32 $0x2A00;
	s16 =	simm.s32 $0x380;
	s22 =	simm.s32 $0xBF00  }
0x77: {  	[tilespmem:s22], [sflag:$0x1] =	stream.indirect.gather [spmem:s3], $0x20, s16, s11, $0xb8;
	[tilespmem:$0x17F00] =	vst v63  }
0x78: {  	s31 =	simm.s32 $0x2980;
	s0 =	simm.s32 $0x20000;
	_ =	swait.ge [sflag:s8], $0x1000  }
0x79: {  	s28 =	simm.s32 @!p1 $0x80;
	s0 =	sand.u32 @!p1 $0x1C000, s0;
	[sflag:s8] =	ssyncset.done $0x0  }
0x7a: {  	s25 =	simm.s32 $0x2900;
	s26 =	simm.s32 $0x10000;
	[sflag:s8] =	ssyncadd.s32 $0xFFFFF000  }
0x7b: {  	[spmem:s2] =	stream.indirect.scatter.add.f32 [tilespmem:s17], [sflag:$0x2], $0x20, s25, s11, $0xb8;
	[tilespmem:$0x17F00] =	vst v63  }
0x7c: {  	s0 =	sshrl.u32 @!p1 s0, $0x2;
	s1 =	sand.u32 $0x1C000, s26;
	_ =	swait.ge [sflag:s18], $0x1000  }
0x7d: {  	s29 =	sadd.s32 @!p1 $0x4F00, s0;
	s1 =	sshrl.u32 s1, $0x2;
	[sflag:s18] =	ssyncset.done $0x0  }
.Ltmp1:
0x7e: {  	s25 =	simm.s32 $0x400;
	[sflag:s18] =	ssyncadd.s32 $0xFFFFF000;
	(pc) =	sbr.rel @!p2 .LBB2_5-.Ltmp1, $4  }
0x7f: {  	[tilespmem:s29], [sflag:$0x1] =	stream.indirect.gather @!p1 [spmem:s3], $0x20, s25, s28, $0xb8;
	[tilespmem:$0x17F00] =	vst v63  }
0x80: {  	s0 =	simm.s32 $0x1;
	s1 =	sadd.s32 $0x4F00, s1;
	_ =	swait.ge [sflag:s8], $0x1000  }
0x81: {  	s26 =	smov.u32 s1;
	s14 =	simm.s32 $0x480;
	[sflag:s8] =	ssyncset.done $0x0  }
0x82: {  	s22 =	simm.s32 $0x2980;
	s16 =	simm.s32 $0x24000;
	[sflag:s8] =	ssyncadd.s32 $0xFFFFF000  }
.LBB2_4:
0x83: {  	[spmem:s2] =	stream.indirect.scatter.add.f32 [tilespmem:s26], [sflag:$0x2], $0x20, s31, s11, $0xb8;
	[tilespmem:$0x17F00] =	vst v63  }
0x84: {  	s26 =	sadd.s32 $0x8, s0;
	s0 =	sadd.s32 $0x1, s0;
	s31 =	smov.u32 s30  }
0x85: {  	p3 =	sge.u32 s26, s5;
	p2 =	sne.s32 s4, s0  }
0x86: {  	s12 =	sadd.s32 $0xFFFF0000, s16;
	s26 =	sand.u32 @!p3 $0x1C000, s16;
	_ =	swait.ge [sflag:s18], $0x1000  }
0x87: {  	s13 =	simm.s32 @!p3 $0x80;
	s26 =	sshrl.u32 @!p3 s26, $0x2;
	[sflag:s18] =	ssyncset.done $0x0  }
.Ltmp2:
0x88: {  	s26 =	sadd.s32 @!p3 $0x4F00, s26;
	[sflag:s18] =	ssyncadd.s32 $0xFFFFF000;
	(pc) =	sbr.rel @p2 .LBB2_4-.Ltmp2, $4  }
0x89: {  	[tilespmem:s26], [sflag:$0x1] =	stream.indirect.gather @!p3 [spmem:s3], $0x20, s14, s13, $0xb8;
	[tilespmem:$0x17F00] =	vst v63  }
0x8a: {  	s12 =	sand.u32 $0x1C000, s12;
	s14 =	sadd.s32 $0x80, s14;
	_ =	swait.ge [sflag:s8], $0x1000  }
0x8b: {  	s12 =	sshrl.u32 s12, $0x2;
	s16 =	sadd.s32 $0x4000, s16;
	[sflag:s8] =	ssyncset.done $0x0  }
0x8c: {  	s30 =	sadd.s32 $0x80, s30;
	s26 =	sadd.s32 $0x4F00, s12;
	[sflag:s8] =	ssyncadd.s32 $0xFFFFF000  }
.LBB2_5:
0x8d: {  	[spmem:s2] =	stream.indirect.scatter.add.f32 [tilespmem:s26], [sflag:$0x2], $0x20, s31, s11, $0xb8;
	[tilespmem:$0x17F00] =	vst v63  }
0x8e: {  	_ =	swait.ge [sflag:s18], $0x1000  }
0x8f: {  	[sflag:s18] =	ssyncset.done $0x0  }
0x90: {  	[sflag:s18] =	ssyncadd.s32 $0xFFFFF000  }
0x91: {  	_ =	swait.ge [sflag:s18], $0x1000  }
0x92: {  	[sflag:s18] =	ssyncset.done $0x0  }
0x93: {  	[sflag:s18] =	ssyncadd.s32 $0xFFFFF000  }
0x94: {  	_ =	swait.ge [sflag:s18], $0x1000  }
0x95: {  	[sflag:s18] =	ssyncset.done $0x0  }
0x96: {  	[sflag:s18] =	ssyncadd.s32 $0xFFFFF000  }
0x97: {  	_ =	swait.ge [sflag:s18], $0x1000  }
0x98: {  	[sflag:s18] =	ssyncset.done $0x0  }
0x99: {  	[sflag:s18] =	ssyncadd.s32 $0xFFFFF000  }
0x9a: {  	[bflag:$0x0] =	sbarrier.arrive $0xFFFF  }
0x9b: {  	s14 =	sshrl.u32 s20, $0x3;
	s0 =	rddreg [dreg:$0x5]  }
0x9c: {  	[hbm:s0@s10], [sflag:s21] =	dma.strided [spmem:s14@s9], $0x200, s8, $0x4   }
0x9d: {  	_ =	swait.ge [sflag:s7], $0x200  }
0x9e: {  	[sflag:s7] =	ssyncset.done $0x0;
	s12 =	rddreg [dreg:$0x16]  }
0x9f: {  	s13 =	rddreg [dreg:$0x6];
	[sflag:s7] =	ssyncadd.s32 $0xFFFFFE00;
	s16 =	sshrl.u32 s12, $0x3  }
0xa0: {  	[hbm:s13@s10], [sflag:s21] =	dma.strided [spmem:s16@s9], $0x200, s8, $0x4   }
0xa1: {  	_ =	swait.ge [sflag:s7], $0x200  }
0xa2: {  	[sflag:s7] =	ssyncset.done $0x0;
	s26 =	rddreg [dreg:$0x17]  }
0xa3: {  	s12 =	rddreg [dreg:$0x7];
	[sflag:s7] =	ssyncadd.s32 $0xFFFFFE00;
	s30 =	sshrl.u32 s26, $0x3  }
0xa4: {  	[hbm:s12@s10], [sflag:s21] =	dma.strided [spmem:s30@s9], $0x200, s8, $0x4   }
0xa5: {  	_ =	swait.ge [sflag:s7], $0x200  }
0xa6: {  	[sflag:s7] =	ssyncset.done $0x0;
	s13 =	rddreg [dreg:$0x18]  }
0xa7: {  	s26 =	rddreg [dreg:$0x8];
	[sflag:s7] =	ssyncadd.s32 $0xFFFFFE00;
	s31 =	sshrl.u32 s13, $0x3  }
0xa8: {  	[hbm:s26@s10], [sflag:s21] =	dma.strided [spmem:s31@s9], $0x200, s8, $0x4   }
0xa9: {  	_ =	swait.ge [sflag:s7], $0x200  }
0xaa: {  	[sflag:s7] =	ssyncset.done $0x0;
	s12 =	rddreg [dreg:$0x19]  }
0xab: {  	[sflag:s7] =	ssyncadd.s32 $0xFFFFFE00;
	s0 =	sshrl.u32 s12, $0x3;
	s12 =	rddreg [dreg:$0x9]  }
0xac: {  	[hbm:s12@s10], [sflag:s21] =	dma.strided [spmem:s0@s9], $0x200, s8, $0x4   }
0xad: {  	_ =	swait.ge [sflag:s7], $0x200  }
0xae: {  	[sflag:s7] =	ssyncset.done $0x0  }
0xaf: {  	[sflag:s7] =	ssyncadd.s32 $0xFFFFFE00  }
0xb0: {  	[bflag:$0x0] =	sbarrier.arrive $0xFFFF  }
0xb1: {  	[spmem:s20] =	stream.linear.scatter [tilespmem:s6], [sflag:$0x3], $0x1000, $0x38;
	[tilespmem:$0x17F00] =	vst v63  }
0xb2: {  	_ =	swait.ge [sflag:s7], $0x1000  }
0xb3: {  	[sflag:s7] =	ssyncset.done $0x0  }
0xb4: {  	[sflag:s7] =	ssyncadd.s32 $0xFFFFF000  }
0xb5: {  	[spmem:s15] =	stream.linear.scatter [tilespmem:s6], [sflag:$0x3], $0x1000, $0x38;
	[tilespmem:$0x17F00] =	vst v63  }
0xb6: {  	_ =	swait.ge [sflag:s7], $0x1000  }
0xb7: {  	[sflag:s7] =	ssyncset.done $0x0  }
0xb8: {  	s13 =	rddreg [dreg:$0x1a];
	[sflag:s7] =	ssyncadd.s32 $0xFFFFF000  }
0xb9: {  	[spmem:s13] =	stream.linear.scatter [tilespmem:s6], [sflag:$0x3], $0x1000, $0x38;
	[tilespmem:$0x17F00] =	vst v63  }
0xba: {  	_ =	swait.ge [sflag:s7], $0x1000  }
0xbb: {  	[sflag:s7] =	ssyncset.done $0x0  }
0xbc: {  	s26 =	smov.u32 s15;
	s15 =	rddreg [dreg:$0x1b];
	[sflag:s7] =	ssyncadd.s32 $0xFFFFF000  }
0xbd: {  	[spmem:s15] =	stream.linear.scatter [tilespmem:s6], [sflag:$0x3], $0x1000, $0x38;
	[tilespmem:$0x17F00] =	vst v63  }
0xbe: {  	_ =	swait.ge [sflag:s7], $0x1000  }
0xbf: {  	[sflag:s7] =	ssyncset.done $0x0  }
0xc0: {  	s13 =	rddreg [dreg:$0x1c];
	[sflag:s7] =	ssyncadd.s32 $0xFFFFF000  }
0xc1: {  	[spmem:s13] =	stream.linear.scatter [tilespmem:s6], [sflag:$0x3], $0x1000, $0x38;
	[tilespmem:$0x17F00] =	vst v63  }
0xc2: {  	_ =	swait.ge [sflag:s7], $0x1000  }
0xc3: {  	[sflag:s7] =	ssyncset.done $0x0  }
0xc4: {  	s15 =	rddreg [dreg:$0x14];
	[sflag:s7] =	ssyncadd.s32 $0xFFFFF000  }
0xc5: {  	[spmem:s23@s9], [sflag:s21] =	dma.strided [hbm:s15@s10], $0xA00, s8, $0x4   }
0xc6: {  	_ =	swait.ge [sflag:s7], $0xA00  }
0xc7: {  	[sflag:s7] =	ssyncset.done $0x0  }
0xc8: {  	[sflag:s7] =	ssyncadd.s32 $0xFFFFF600  }
0xc9: {  	s12 =	simm.s32 $0x4F00;
	[bflag:$0x0] =	sbarrier.arrive $0xFFFF  }
0xca: {  	[tilespmem:s12], [sflag:$0x1] =	stream.indirect.gather [spmem:s3], $0x20, s24, s11, $0xb8;
	[tilespmem:$0x17F00] =	vst v63  }
0xcb: {  	s13 =	simm.s32 $0x5F00  }
0xcc: {  	[tilespmem:s13], [sflag:$0x1] =	stream.indirect.gather [spmem:s3], $0x20, s11, s11, $0xb8;
	[tilespmem:$0x17F00] =	vst v63  }
0xcd: {  	s23 =	simm.s32 $0x6F00;
	s24 =	simm.s32 $0x100  }
0xce: {  	[tilespmem:s23], [sflag:$0x1] =	stream.indirect.gather [spmem:s3], $0x20, s24, s11, $0xb8;
	[tilespmem:$0x17F00] =	vst v63  }
0xcf: {  	s24 =	simm.s32 $0x180  }
0xd0: {  	[tilespmem:s17], [sflag:$0x1] =	stream.indirect.gather [spmem:s3], $0x20, s24, s11, $0xb8;
	[tilespmem:$0x17F00] =	vst v63  }
0xd1: {  	s15 =	simm.s32 $0x200;
	s24 =	simm.s32 $0x8F00  }
0xd2: {  	[tilespmem:s24], [sflag:$0x1] =	stream.indirect.gather [spmem:s3], $0x20, s15, s11, $0xb8;
	[tilespmem:$0x17F00] =	vst v63  }
0xd3: {  	_ =	swait.ge [sflag:s8], $0x1000  }
0xd4: {  	[sflag:s8] =	ssyncset.done $0x0  }
0xd5: {  	s24 =	simm.s32 $0x2780;
	[sflag:s8] =	ssyncadd.s32 $0xFFFFF000  }
0xd6: {  	[spmem:s2] =	stream.indirect.scatter.add.f32 [tilespmem:s12], [sflag:$0x2], $0x20, s24, s11, $0xb8;
	[tilespmem:$0x17F00] =	vst v63  }
0xd7: {  	s15 =	simm.s32 $0x280;
	s24 =	simm.s32 $0x9F00  }
0xd8: {  	[tilespmem:s24], [sflag:$0x1] =	stream.indirect.gather [spmem:s3], $0x20, s15, s11, $0xb8;
	[tilespmem:$0x17F00] =	vst v63  }
0xd9: {  	_ =	swait.ge [sflag:s8], $0x1000  }
0xda: {  	[sflag:s8] =	ssyncset.done $0x0  }
0xdb: {  	s24 =	simm.s32 $0x2800;
	[sflag:s8] =	ssyncadd.s32 $0xFFFFF000  }
0xdc: {  	[spmem:s2] =	stream.indirect.scatter.add.f32 [tilespmem:s13], [sflag:$0x2], $0x20, s24, s11, $0xb8;
	[tilespmem:$0x17F00] =	vst v63  }
0xdd: {  	s15 =	simm.s32 $0x300;
	s24 =	simm.s32 $0xAF00  }
0xde: {  	[tilespmem:s24], [sflag:$0x1] =	stream.indirect.gather [spmem:s3], $0x20, s15, s11, $0xb8;
	[tilespmem:$0x17F00] =	vst v63  }
0xdf: {  	_ =	swait.ge [sflag:s8], $0x1000  }
0xe0: {  	[sflag:s8] =	ssyncset.done $0x0  }
0xe1: {  	s13 =	simm.s32 $0x2880;
	[sflag:s8] =	ssyncadd.s32 $0xFFFFF000  }
0xe2: {  	[spmem:s2] =	stream.indirect.scatter.add.f32 [tilespmem:s23], [sflag:$0x2], $0x20, s13, s11, $0xb8;
	[tilespmem:$0x17F00] =	vst v63  }
0xe3: {  	s15 =	simm.s32 $0x380;
	s23 =	simm.s32 $0xBF00  }
0xe4: {  	[tilespmem:s23], [sflag:$0x1] =	stream.indirect.gather [spmem:s3], $0x20, s15, s11, $0xb8;
	[tilespmem:$0x17F00] =	vst v63  }
0xe5: {  	_ =	swait.ge [sflag:s8], $0x1000  }
0xe6: {  	[sflag:s8] =	ssyncset.done $0x0  }
0xe7: {  	s24 =	simm.s32 $0x2900;
	[sflag:s8] =	ssyncadd.s32 $0xFFFFF000  }
0xe8: {  	[spmem:s2] =	stream.indirect.scatter.add.f32 [tilespmem:s17], [sflag:$0x2], $0x20, s24, s11, $0xb8;
	[tilespmem:$0x17F00] =	vst v63  }
0xe9: {  	_ =	swait.ge [sflag:s18], $0x1000  }
0xea: {  	[sflag:s18] =	ssyncset.done $0x0  }
0xeb: {  	[sflag:s18] =	ssyncadd.s32 $0xFFFFF000  }
0xec: {  	[tilespmem:s29], [sflag:$0x1] =	stream.indirect.gather @!p1 [spmem:s3], $0x20, s25, s28, $0xb8;
	[tilespmem:$0x17F00] =	vst v63  }
0xed: {  	p1 =	sne.s32 s4, $0x1  }
.Ltmp3:
0xee: {  	_ = 	snop;
	(pc) =	sbr.rel @!p1 .LBB2_7-.Ltmp3, $4  }
0xef: {  	_ = 	snop  }
0xf0: {  	_ =	swait.ge [sflag:s8], $0x1000  }
0xf1: {  	s23 =	simm.s32 $0x1;
	s24 =	simm.s32 $0x480;
	[sflag:s8] =	ssyncset.done $0x0  }
0xf2: {  	s25 =	simm.s32 $0x24000;
	s28 =	simm.s32 $0x2A00;
	[sflag:s8] =	ssyncadd.s32 $0xFFFFF000  }
.LBB2_6:
0xf3: {  	[spmem:s2] =	stream.indirect.scatter.add.f32 [tilespmem:s1], [sflag:$0x2], $0x20, s22, s11, $0xb8;
	[tilespmem:$0x17F00] =	vst v63  }
0xf4: {  	s1 =	sadd.s32 $0x8, s23;
	s23 =	sadd.s32 $0x1, s23;
	s22 =	smov.u32 s28  }
0xf5: {  	p2 =	sge.u32 s1, s5;
	p1 =	sne.s32 s4, s23  }
0xf6: {  	s12 =	sadd.s32 $0xFFFF0000, s25;
	s1 =	sand.u32 @!p2 $0x1C000, s25;
	_ =	swait.ge [sflag:s18], $0x1000  }
0xf7: {  	s13 =	simm.s32 @!p2 $0x80;
	s1 =	sshrl.u32 @!p2 s1, $0x2;
	[sflag:s18] =	ssyncset.done $0x0  }
.Ltmp4:
0xf8: {  	s1 =	sadd.s32 @!p2 $0x4F00, s1;
	[sflag:s18] =	ssyncadd.s32 $0xFFFFF000;
	(pc) =	sbr.rel @p1 .LBB2_6-.Ltmp4, $4  }
0xf9: {  	[tilespmem:s1], [sflag:$0x1] =	stream.indirect.gather @!p2 [spmem:s3], $0x20, s24, s13, $0xb8;
	[tilespmem:$0x17F00] =	vst v63  }
0xfa: {  	s1 =	sand.u32 $0x1C000, s12;
	s24 =	sadd.s32 $0x80, s24;
	_ =	swait.ge [sflag:s8], $0x1000  }
0xfb: {  	s25 =	sadd.s32 $0x4000, s25;
	s1 =	sshrl.u32 s1, $0x2;
	[sflag:s8] =	ssyncset.done $0x0  }
0xfc: {  	s28 =	sadd.s32 $0x80, s28;
	s1 =	sadd.s32 $0x4F00, s1;
	[sflag:s8] =	ssyncadd.s32 $0xFFFFF000  }
.LBB2_7:
0xfd: {  	[spmem:s2] =	stream.indirect.scatter.add.f32 [tilespmem:s1], [sflag:$0x2], $0x20, s22, s11, $0xb8;
	[tilespmem:$0x17F00] =	vst v63  }
0xfe: {  	_ =	swait.ge [sflag:s18], $0x1000  }
0xff: {  	[sflag:s18] =	ssyncset.done $0x0  }
0x100: {  	[sflag:s18] =	ssyncadd.s32 $0xFFFFF000  }
0x101: {  	_ =	swait.ge [sflag:s18], $0x1000  }
0x102: {  	[sflag:s18] =	ssyncset.done $0x0  }
0x103: {  	[sflag:s18] =	ssyncadd.s32 $0xFFFFF000  }
0x104: {  	_ =	swait.ge [sflag:s18], $0x1000  }
0x105: {  	[sflag:s18] =	ssyncset.done $0x0  }
0x106: {  	[sflag:s18] =	ssyncadd.s32 $0xFFFFF000  }
0x107: {  	_ =	swait.ge [sflag:s18], $0x1000  }
0x108: {  	[sflag:s18] =	ssyncset.done $0x0  }
0x109: {  	[sflag:s18] =	ssyncadd.s32 $0xFFFFF000  }
0x10a: {  	[bflag:$0x0] =	sbarrier.arrive $0xFFFF  }
0x10b: {  	s24 =	rddreg [dreg:$0x4]  }
0x10c: {  	[hbm:s24@s10], [sflag:s21] =	dma.strided [spmem:s14@s9], $0x200, s8, $0x4   }
0x10d: {  	_ =	swait.ge [sflag:s7], $0x200  }
0x10e: {  	[sflag:s7] =	ssyncset.done $0x0  }
0x10f: {  	s25 =	rddreg [dreg:$0xa];
	[sflag:s7] =	ssyncadd.s32 $0xFFFFFE00  }
0x110: {  	[hbm:s25@s10], [sflag:s21] =	dma.strided [spmem:s16@s9], $0x200, s8, $0x4   }
0x111: {  	_ =	swait.ge [sflag:s7], $0x200  }
0x112: {  	[sflag:s7] =	ssyncset.done $0x0  }
0x113: {  	s28 =	rddreg [dreg:$0xb];
	[sflag:s7] =	ssyncadd.s32 $0xFFFFFE00  }
0x114: {  	[hbm:s28@s10], [sflag:s21] =	dma.strided [spmem:s30@s9], $0x200, s8, $0x4   }
0x115: {  	_ =	swait.ge [sflag:s7], $0x200  }
0x116: {  	[sflag:s7] =	ssyncset.done $0x0  }
0x117: {  	s29 =	rddreg [dreg:$0xc];
	[sflag:s7] =	ssyncadd.s32 $0xFFFFFE00  }
0x118: {  	[hbm:s29@s10], [sflag:s21] =	dma.strided [spmem:s31@s9], $0x200, s8, $0x4   }
0x119: {  	_ =	swait.ge [sflag:s7], $0x200  }
0x11a: {  	[sflag:s7] =	ssyncset.done $0x0  }
0x11b: {  	s30 =	rddreg [dreg:$0xd];
	[sflag:s7] =	ssyncadd.s32 $0xFFFFFE00  }
0x11c: {  	[hbm:s30@s10], [sflag:s21] =	dma.strided [spmem:s0@s9], $0x200, s8, $0x4   }
0x11d: {  	_ =	swait.ge [sflag:s7], $0x200  }
0x11e: {  	s19 =	sadd.s32 $0x1, s19;
	s31 =	rddreg [dreg:$0x15]  }
0x11f: {  	p1 =	sne.s32 s19, s31  }
.Ltmp5:
0x120: {  	_ = 	snop;
	(pc) =	sbr.rel @p1 .LBB2_1-.Ltmp5, $3  }
0x121: {  	_ =	sdelay $0x1  }
0x122: {  	[sflag:s7] =	ssyncset.done $0x0  }
0x123: {  	[sflag:s7] =	ssyncadd.s32 $0xFFFFFE00  }
0x124: {  	_ =	sfence.sel $0x180000  }
0x125: {  	[bflag:$0x0] =	sbarrier.arrive $0xFFFF  }
0x126: {  	_ =	strace $0x9000004A  }
0x127: {  	s0 =	stileid.u32;
	[bflag:$0x2] =	sbarrier.arrive $0xFFFF  }
0x128: {  	p0 =	sne.s32 s0, $0x0;
	s0 =	rddreg [dreg:$0x3]  }
0x129: {  	s0 =	sadd.s32 @!p0 $0x100000, s0  }
0x12a: {  	[sflag:s0] =	ssyncadd.tile.s32 @!p0 $0x1;
	_ =	shalt  }
.Lfunc_end2:
_tile_overlayer_lowered:
.L_overlay_start_2:
0x12b: {  	(tag) =	ssettag $0x2  }
0x12c: {  	s0 =	rddreg [dreg:$0x0];
	s2 =	stileid.u32  }
0x12d: {  	s1 =	rddreg [dreg:$0x1];
	p0 =	sne.s32 s2, $0x0  }
0x12e: {  	s3 =	rddreg [dreg:$0x2];
	[bflag:$0x3] =	sbarrier.arrive $0xFFFF;
	s2 =	simm.s32 @!p0 $0x1C03  }
0x12f: {  	[timem:s3], [sflag:s2] =	dma.local @!p0 [hbm:s0], s1  }
0x130: {  	s0 =	simm.s32 @!p0 $0x3  }
0x131: {  	_ =	swait.ge @!p0 [sflag:s0], s1  }
0x132: {  	s1 =	ssub.s32 @!p0 $0x0, s1;
	[sflag:s0] =	ssyncset.done @!p0 $0x0  }
0x133: {  	[sflag:s0] =	ssyncadd.s32 @!p0 s1  }
0x134: {  	[bflag:$0x3] =	sbarrier.arrive $0xFFFF  }
0x135: {  	_ =	shalt  }

// kernel: kernel.14.cloned.1.call-start
scs
__scs_entry_jumppad:
0x0: {  	(pc) =	sbr.rel $0x88, $3  }
0x1: {  	(tag) =	ssettag $0x0;
	lr =	simm.s32 $0x1  }
0x2: {  	[smem:$0x3F9B] =	sst lr;
	_ =	strace $0xD0000000  }
0x3: {  	_ = 	snop  }
0x4: {  	_ = 	snop  }
0x5: {  	_ = 	snop  }
0x6: {  	_ = 	snop  }
0x7: {  	_ = 	snop  }
__scs_overlays_trampoline_lowered:
0x8: {  	[smem:$0x3FAA] =	sst s0  }
0x9: {  	[smem:$0x3FAB] =	sst s1  }
0xa: {  	[smem:$0x3FAC] =	sst s2  }
0xb: {  	[smem:$0x3FAD] =	sst s3  }
0xc: {  	[smem:$0x3FAE] =	sst s4  }
0xd: {  	[smem:$0x3FAF] =	sst s5  }
0xe: {  	[smem:$0x3FB0] =	sst s6  }
0xf: {  	[smem:$0x3FB1] =	sst s7  }
0x10: {  	[smem:$0x3FB2] =	sst s8  }
0x11: {  	[smem:$0x3FB3] =	sst s9;
	s0 =	simm.s32 @!p0 $0x0  }
0x12: {  	s1 =	sld [smem:$0x3F99];
	s0 =	simm.s32 @p0 $0x1  }
0x13: {  	[smem:$0x3FB4] =	sst s0;
	s0 =	simm.s32 @!p1 $0x0  }
0x14: {  	s2 =	sld [smem:$0x3F98];
	s0 =	simm.s32 @p1 $0x1  }
0x15: {  	[smem:$0x3FB5] =	sst s0;
	s0 =	simm.s32 @!p2 $0x0  }
0x16: {  	s3 =	sld [smem:$0x3FDB];
	s0 =	simm.s32 @p2 $0x1  }
0x17: {  	s4 =	simm.s32 $0x1BF5;
	[smem:$0x3FB7] =	sst s0  }
0x18: {  	s0 =	sld [smem:$0x3F9A];
	_ =	swait.ge [sflag:s4], $0x0  }
0x19: {  	s7 =	sld [smem:$0x3F9B]  }
0x1a: {  	s8 =	sadd.s32 $0xFFFFE003, lr  }
0x1b: {  	s9 =	sadd.s32 $0xFFFFFEF7, lr;
	s5 =	simm.s32 $0xFFFFFFFF;
	p2 =	slt.u32 s8, $0xFFFFF086  }
0x1c: {  	p1 =	slt.u32 s9, $0xF7A;
	s5 =	simm.s32 @!p2 $0x0  }
0x1d: {  	s5 =	simm.s32 @p1 $0x1;
	p0 =	seq.s32 s7, s2  }
0x1e: {  	s7 =	smul.u32 @!p0 $0xF7A, s2;
	p2 =	seq.s32 @!p0 s5, $0x0  }
0x1f: {  	s9 =	smul.u32 $0xF7A, s1;
	s8 =	simm.s32 @!p0 $0x1BF5;
	p2 =	por !p2, p0  }
0x20: {  	[sflag:s8] =	ssyncset.s32 @!p0 $0xFFFFF086;
	s6 =	sadd.s32 @!p0 s3, s7;
	s7 =	simm.s32 @!p0 $0x108  }
0x21: {  	s3 =	sadd.s32 s3, s9;
	s6 =	sadd.s32 @!p0 $0x88, s6;
	s7 =	simm.s32 @p2 $0x1082  }
0x22: {  	[simem:s7], [sflag:s8] =	dma.local @!p0 [hbm:s6], $0xF7A  }
0x23: {  	s9 =	sor.u32 $0xD0000000, s2;
	s6 =	simm.s32 $0x108;
	_ =	swait.ge @!p0 [sflag:s8], $0x0  }
0x24: {  	s3 =	sadd.s32 $0x88, s3;
	s6 =	simm.s32 @!p1 $0x1082;
	[sflag:s4] =	ssyncset.s32 $0xFFFFF086  }
0x25: {  	[simem:s6], [sflag:s4] =	dma.local [hbm:s3], $0xF7A  }
0x26: {  	[smem:$0x3F9B] =	sst s1;
	(tag) =	ssettag s2;
	_ =	strace s9  }
0x27: {  	s1 =	sld [smem:$0x3FAB]  }
0x28: {  	s2 =	sld [smem:$0x3FAC]  }
0x29: {  	s4 =	sld [smem:$0x3FAE]  }
0x2a: {  	p0 =	seq.s32 s5, $0x0;
	s5 =	sld [smem:$0x3FAF]  }
0x2b: {  	s6 =	sld [smem:$0x3FB0]  }
0x2c: {  	s7 =	sld [smem:$0x3FB1]  }
0x2d: {  	s3 =	simm.s32 $0x108;
	s8 =	sld [smem:$0x3FB2]  }
0x2e: {  	s3 =	simm.s32 @!p0 $0x1082;
	s9 =	sld [smem:$0x3FB3]  }
0x2f: {  	lr =	sadd.s32 s0, s3;
	s0 =	sld [smem:$0x3FAA]  }
0x30: {  	s3 =	sld [smem:$0x3FAD]  }
0x31: {  	[smem:$0x3FB6] =	sst s10  }
0x32: {  	s10 =	sld [smem:$0x3FB4];
	_ =	sdelay $0x3  }
0x33: {  	p0 =	seq.s32 s10, $0x1;
	s10 =	sld [smem:$0x3FB6];
	_ =	sdelay $0x3  }
0x34: {  	[smem:$0x3FB6] =	sst s10  }
0x35: {  	s10 =	sld [smem:$0x3FB5];
	_ =	sdelay $0x3  }
0x36: {  	p1 =	seq.s32 s10, $0x1;
	s10 =	sld [smem:$0x3FB6];
	_ =	sdelay $0x3  }
0x37: {  	[smem:$0x3FB6] =	sst s10  }
0x38: {  	s10 =	sld [smem:$0x3FB7]  }
0x39: {  	_ = 	snop;
	(pc) =	sbr.ind lr, $3  }
0x3a: {  	_ = 	snop  }
0x3b: {  	_ = 	snop  }
0x3c: {  	p2 =	seq.s32 s10, $0x1;
	s10 =	sld [smem:$0x3FB6]  }
0x3d: {  	_ =	shalt  }
0x3e: {  	_ =	shalt  }
0x3f: {  	_ =	shalt  }
0x40: {  	_ =	shalt  }
0x41: {  	_ =	shalt  }
0x42: {  	_ =	shalt  }
0x43: {  	_ =	shalt  }
0x44: {  	_ =	shalt  }
0x45: {  	_ =	shalt  }
0x46: {  	_ =	shalt  }
0x47: {  	_ =	shalt  }
0x48: {  	_ =	shalt  }
0x49: {  	_ =	shalt  }
0x4a: {  	_ =	shalt  }
0x4b: {  	_ =	shalt  }
0x4c: {  	_ =	shalt  }
0x4d: {  	_ =	shalt  }
0x4e: {  	_ =	shalt  }
0x4f: {  	_ =	shalt  }
0x50: {  	_ =	shalt  }
0x51: {  	_ =	shalt  }
0x52: {  	_ =	shalt  }
0x53: {  	_ =	shalt  }
0x54: {  	_ =	shalt  }
0x55: {  	_ =	shalt  }
0x56: {  	_ =	shalt  }
0x57: {  	_ =	shalt  }
0x58: {  	_ =	shalt  }
0x59: {  	_ =	shalt  }
0x5a: {  	_ =	shalt  }
0x5b: {  	_ =	shalt  }
0x5c: {  	_ =	shalt  }
0x5d: {  	_ =	shalt  }
0x5e: {  	_ =	shalt  }
0x5f: {  	_ =	shalt  }
0x60: {  	_ =	shalt  }
0x61: {  	_ =	shalt  }
0x62: {  	_ =	shalt  }
0x63: {  	_ =	shalt  }
0x64: {  	_ =	shalt  }
0x65: {  	_ =	shalt  }
0x66: {  	_ =	shalt  }
0x67: {  	_ =	shalt  }
0x68: {  	_ =	shalt  }
0x69: {  	_ =	shalt  }
0x6a: {  	_ =	shalt  }
0x6b: {  	_ =	shalt  }
0x6c: {  	_ =	shalt  }
0x6d: {  	_ =	shalt  }
0x6e: {  	_ =	shalt  }
0x6f: {  	_ =	shalt  }
0x70: {  	_ =	shalt  }
0x71: {  	_ =	shalt  }
0x72: {  	_ =	shalt  }
0x73: {  	_ =	shalt  }
0x74: {  	_ =	shalt  }
0x75: {  	_ =	shalt  }
0x76: {  	_ =	shalt  }
0x77: {  	_ =	shalt  }
0x78: {  	_ =	shalt  }
0x79: {  	_ =	shalt  }
0x7a: {  	_ =	shalt  }
0x7b: {  	_ =	shalt  }
0x7c: {  	_ =	shalt  }
0x7d: {  	_ =	shalt  }
0x7e: {  	_ =	shalt  }
0x7f: {  	_ =	shalt  }
0x80: {  	_ =	shalt  }
0x81: {  	_ =	shalt  }
0x82: {  	_ =	shalt  }
0x83: {  	_ =	shalt  }
0x84: {  	_ =	shalt  }
0x85: {  	_ =	shalt  }
0x86: {  	_ =	shalt  }
0x87: {  	_ =	shalt  }
.Lfunc_end0:
.L_simem_size_0:
called_computation.2_lowered:
.L_overlay_start_0:
0x88: {  	s2 =	sld [smem:$0x3FD9]  }
0x89: {  	s3 =	sld [smem:$0x3FFE];
	_ =	sdelay $0x1  }
0x8a: {  	s1 =	srdreg.scid  }
0x8b: {  	s0 =	sand.u32 $0x1, s1  }
0x8c: {  	s16 =	sshll.u32 s0, $0xA;
	s2 =	sadd.s32 s3, s2  }
0x8d: {  	s2 =	sadd.s32 s2, s16  }
0x8e: {  	[smem:$0x3FC2] =	sst s2  }
0x8f: {  	_ = 	snop  }
0x90: {  	(tm) =	ssettm $0x1  }
0x91: {  	s17 =	sld [smem:$0x3FFB];
	_ =	sdelay $0x3  }
0x92: {  	_ =	strace s17  }
0x93: {  	s2 =	sld [smem:$0x3FFC];
	_ =	sdelay $0x3  }
0x94: {  	_ =	strace s2  }
0x95: {  	s2 =	sld [smem:$0x3FFD];
	_ =	sdelay $0x3  }
0x96: {  	_ =	strace s2  }
0x97: {  	_ =	strace $0x8FFFFFFF  }
0x98: {  	s18 =	sld [smem:$0x3FDB];
	_ =	sdelay $0x1  }
0x99: {  	s19 =	simm.s32 $_scs_section_size  }
0x9a: {  	s4 =	simm.s32 $_size__tile_overlayer_lowered;
	s5 =	simm.s32 $_tile_overlayer_lowered  }
0x9b: {  	s22 =	simm.s32 $0x1BFF;
	s21 =	sshll.u32 s5, $0x1;
	s2 =	sadd.s32 s19, s18  }
0x9c: {  	s6 =	simm.s32 $0x0;
	s20 =	sshll.u32 s4, $0x1;
	s4 =	sadd.s32 s21, s2  }
0x9d: {  	[timem:s6], [sflag:s22] =	dma.local [hbm:s4], s20  }
0x9e: {  	_ =	swait.ge [sflag:s22], s20  }
0x9f: {  	s3 =	ssub.s32 $0x0, s20;
	[sflag:s22] =	ssyncset.done $0x0  }
0xa0: {  	[sflag:s22] =	ssyncadd.s32 s3;
	_ =	sdelay $0x1  }
0xa1: {  	s23 =	simm.s32 $0x1B8B  }
0xa2: {  	_ =	swait.ge [sflag:s23], $0x1  }
0xa3: {  	[sflag:s23] =	ssyncset.done $0x0  }
0xa4: {  	s25 =	simm.s32 $0x1B8E;
	s24 =	sld [smem:$0x3FFE];
	[sflag:s23] =	ssyncadd.s32 $0xFFFFFFFF  }
0xa5: {  	s26 =	simm.s32 $execute0_lowered;
	[smem:$0x3FD2] =	sst s25  }
0xa6: {  	s4 =	sshll.u32 s26, $0x1;
	_ =	strace $0x8000004C;
	[dreg:$0x1] =	wrdreg $0xFFFFFFFF  }
0xa7: {  	s28 =	simm.s32 $_size_execute0_lowered;
	s2 =	sadd.s32 s2, s4;
	[dreg:$0x0] =	wrdreg $0x0  }
0xa8: {  	s4 =	sshll.u32 s28, $0x1;
	[dreg:$0x2] =	wrdreg s2  }
0xa9: {  	[dreg:$0x3] =	wrdreg s4  }
0xaa: {  	[dreg:$0x4] =	wrdreg $0xC0  }
0xab: {  	_ =	task [dreg:s6], $0x5FFFF  }
0xac: {  	[dreg:$0x1] =	wrdreg $0xFFFFFFFF  }
0xad: {  	[dreg:$0x0] =	wrdreg $0x60  }
0xae: {  	[dreg:$0x2] =	wrdreg s24  }
0xaf: {  	[dreg:$0x3] =	wrdreg $0x97000  }
0xb0: {  	[dreg:$0x4] =	wrdreg $0xBF000  }
0xb1: {  	[dreg:$0x5] =	wrdreg $0x9  }
0xb2: {  	_ =	task.clear_ibuf [dreg:s6], $0x6FFFF;
	_ =	strace $0x9000004C  }
0xb3: {  	s29 =	simm.s32 $0x9;
	_ =	strace $0x8000004E  }
0xb4: {  	_ =	swait.ge [sflag:s29], $0x1  }
0xb5: {  	[sflag:s29] =	ssyncadd.s32 $0xFFFFFFFF  }
0xb6: {  	_ =	strace $0x9000004E  }
0xb7: {  	_ =	sfence  }
0xb8: {  	s30 =	sld [smem:$0x0];
	_ =	sdelay $0x2  }
0xb9: {  	s31 =	sshll.u32 s1, $0xD;
	s1 =	sshrl.u32 s1, $0x2  }
0xba: {  	s3 =	sand.u32 $0x4000, s31;
	s1 =	sadd.s32 s1, s30  }
0xbb: {  	s0 =	sor.u32 s3, s0;
	s1 =	sshll.u32 s1, $0x11  }
0xbc: {  	s0 =	sor.u32 s1, s0  }
0xbd: {  	s0 =	sadd.s32 $0x8F2B, s0  }
0xbe: {  	[sflag:s0] =	ssyncadd.remote.s32 $0x1  }
0xbf: {  	_ =	sfence.sel $0xFFFF  }
0xc0: {  	[dreg:$0x0] =	wrdreg $0xFFFFFFFF;
	(pc) =	sbr.abs _section_cstart, $3  }
0xc1: {  	[dreg:$0x1] =	wrdreg $0xFFFFFFFF  }
0xc2: {  	_ =	task.clear_ibuf [dreg:s6], $0x2FFFF;
	_ =	strace $0x9FFFFFFF  }
0xc3: {  	(tm) =	ssettm $0x7FFFFFFF  }
tec
execute0_lowered:
.L_overlay_start_1:
0x0: {  	(tag) =	ssettag $0x1  }
0x1: {  	s0 =	rddreg [dreg:$0x0]  }
0x2: {  	s2 =	rddreg [dreg:$0x1]  }
0x3: {  	s3 =	rddreg [dreg:$0x2];
	s13 =	stileid.u32  }
0x4: {  	s1 =	srdreg.scid;
	s4 =	simm.s32 $0x0;
	s29 =	simm.s32 $0x8F00  }
0x5: {  	s30 =	simm.s32 $0x3;
	s31 =	simm.s32 $0x1;
	s6 =	smul.u32 $0x2800, s13  }
0x6: {  	s1 =	sand.u32 $0x1, s1;
	s5 =	sshll.u32 s13, $0x1;
	s11 =	smul.u32 $0x280, s13  }
0x7: {  	[smem:$0x7FF] =	sst s4;
	s9 =	sadd.s32 $0x3E800, s0;
	s12 =	smul.u32 $0xA000, s13  }
0x8: {  	s16 =	smul.u32 $0x14000, s13;
	s17 =	sadd.s32 $0xC510, s0;
	s5 =	sor.u32 s1, s5  }
0x9: {  	_ =	strace $0x8000004D;
	s8 =	ssub.s32 $0x2, s1;
	s1 =	smul.u32 $0x140000, s1  }
0xa: {  	[dreg:$0x6] =	wrdreg s17;
	s7 =	smul.u32 $0x4F0, s5;
	s6 =	sadd.s32 s6, s0  }
0xb: {  	s10 =	sshrl.u32 s8, $0x1;
	p0 =	seq.s32 s5, $0x1F;
	s5 =	simm.s32 $0x33  }
0xc: {  	s18 =	sshrl.u32 s12, $0x2;
	s19 =	sadd.s32 $0x80, s11;
	s25 =	sadd.s32 $0x100, s11  }
0xd: {  	s26 =	sadd.s32 $0x180, s11;
	s11 =	sadd.s32 $0x200, s11;
	s8 =	ssub.s32 s8, s10  }
0xe: {  	s5 =	simm.s32 @!p0 $0x4F;
	s10 =	sadd.s32 s18, s2;
	s20 =	sshll.u32 s19, $0x7  }
0xf: {  	s6 =	sadd.s32 $0x16800, s6;
	s14 =	sshll.u32 s26, $0x7;
	s7 =	sadd.s32 s7, s0  }
0x10: {  	s0 =	sadd.s32 $0x16310, s0;
	[dreg:$0x8] =	wrdreg s6;
	s22 =	sadd.s32 s1, s20  }
0x11: {  	s23 =	smax.u32 s8, $0x1;
	s24 =	sadd.s32 $0x800, s10;
	s14 =	sadd.s32 s1, s14  }
0x12: {  	s17 =	sadd.s32 $0x1000, s10;
	s28 =	sadd.s32 $0xFFFFFFFC, s5;
	[dreg:$0x7] =	wrdreg s0  }
0x13: {  	s15 =	sadd.s32 $0x2C00, s7;
	s7 =	sadd.s32 $0xCA00, s7;
	[dreg:$0xa] =	wrdreg s23  }
0x14: {  	s0 =	sadd.s32 s18, s3;
	[dreg:$0xb] =	wrdreg s24;
	s6 =	sshrl.u32 s22, $0x3  }
0x15: {  	[dreg:$0xc] =	wrdreg s17;
	s18 =	sshll.u32 s19, $0x4;
	s20 =	sshrl.u32 s14, $0x3  }
0x16: {  	s22 =	sadd.s32 $0x1800, s10;
	s24 =	sshll.u32 s25, $0x4;
	[dreg:$0x4] =	wrdreg s15  }
0x17: {  	[dreg:$0x5] =	wrdreg s7;
	s7 =	sadd.s32 s1, s16;
	s16 =	sshll.u32 s25, $0x7  }
0x18: {  	s15 =	sshll.u32 s11, $0x7;
	s6 =	sadd.s32 s9, s6;
	[dreg:$0x11] =	wrdreg s22  }
0x19: {  	s23 =	sadd.s32 s18, s2;
	s25 =	sshll.u32 s26, $0x4;
	s26 =	sshll.u32 s11, $0x4  }
0x1a: {  	s11 =	simm.s32 $0x6700;
	s7 =	sshrl.u32 s7, $0x3;
	s13 =	sadd.s32 s1, s16  }
0x1b: {  	s1 =	sadd.s32 s1, s15;
	[dreg:$0xd] =	wrdreg s6;
	s6 =	sadd.s32 s24, s2  }
0x1c: {  	s8 =	sadd.s32 s26, s2;
	s22 =	sshrl.u32 s23, $0x3;
	s26 =	sadd.s32 $0x2000, s10  }
0x1d: {  	s21 =	sadd.s32 s9, s7;
	s19 =	sshrl.u32 s13, $0x3;
	s1 =	sshrl.u32 s1, $0x3  }
0x1e: {  	s7 =	sadd.s32 s25, s2;
	s23 =	sshrl.u32 s6, $0x3;
	s25 =	sshrl.u32 s8, $0x3  }
0x1f: {  	s6 =	simm.s32 $0x80;
	[dreg:$0x9] =	wrdreg s21;
	s12 =	sadd.s32 s9, s19  }
0x20: {  	s8 =	simm.s32 $0x5700;
	s21 =	sadd.s32 s9, s20;
	[dreg:$0xe] =	wrdreg s12  }
0x21: {  	s1 =	sadd.s32 s9, s1;
	s24 =	sshrl.u32 s7, $0x3;
	[dreg:$0xf] =	wrdreg s21  }
0x22: {  	s7 =	simm.s32 $0x4F00;
	s9 =	simm.s32 $0x5F00;
	[dreg:$0x10] =	wrdreg s1  }
0x23: {  	v0 =	vimm.f32 $0.0e+00;
	s21 =	sshrl.u32 s0, $0x3;
	s0 =	simm.s32 $0x2;
	s1 =	simm.s32 $0x10  }
.LBB2_1:
0x24: {  	s12 =	simm.s32 $0x40;
	s13 =	simm.s32 $0x0  }
.LBB2_2:
0x25: {  	p1 =	sne.s32 s12, $0x1FC0;
	[tilespmem:s13+$0x8F00] =	vst v0;
	s13 =	smov.u32 s12;
	s12 =	sadd.s32 $0x40, s12  }
.Ltmp0:
0x26: {  	(pc) =	sbr.rel @p1 .LBB2_2-.Ltmp0, $2  }
0x27: {  	_ =	sdelay $0x2  }
0x28: {  	s13 =	sshra.s32 s13, $0x2  }
0x29: {  	[tilespmem:s13+$0x8F00] =	vst v0;
	s12 =	simm.s32 @p0 $0x0;
	s13 =	rddreg [dreg:$0x6]  }
0x2a: {  	[tilespmem:s12], [sflag:$0x3] =	stream.linear.gather @p0 [hbm4b:s13+s12], $0x1980, $0x38;
	[tilespmem:$0xE700] =	vst v63  }
0x2b: {  	s13 =	simm.s32 @p0 $0x3  }
0x2c: {  	_ =	swait.ge @p0 [sflag:s13], $0x1980  }
0x2d: {  	[sflag:s13] =	ssyncset.done @p0 $0x0  }
0x2e: {  	s14 =	simm.s32 @p0 $0x2780;
	s15 =	rddreg [dreg:$0x7];
	[sflag:s13] =	ssyncadd.s32 @p0 $0xFFFFE680  }
0x2f: {  	[tilespmem:s14], [sflag:$0x3] =	stream.linear.gather @p0 [hbm4b:s15+s12], $0x1980, $0x38;
	[tilespmem:$0xE700] =	vst v63  }
0x30: {  	_ =	swait.ge @p0 [sflag:s13], $0x1980  }
0x31: {  	[sflag:s13] =	ssyncset.done @p0 $0x0  }
0x32: {  	s12 =	simm.s32 @!p0 $0x0;
	[sflag:s13] =	ssyncadd.s32 @p0 $0xFFFFE680;
	s13 =	rddreg [dreg:$0x4]  }
0x33: {  	[tilespmem:s12], [sflag:$0x3] =	stream.linear.gather @!p0 [hbm4b:s13+s12], $0x2780, $0x38;
	[tilespmem:$0xE700] =	vst v63  }
0x34: {  	s13 =	simm.s32 @!p0 $0x3  }
0x35: {  	_ =	swait.ge @!p0 [sflag:s13], $0x2780  }
0x36: {  	[sflag:s13] =	ssyncset.done @!p0 $0x0  }
0x37: {  	s14 =	simm.s32 @!p0 $0x2780;
	s15 =	rddreg [dreg:$0x5];
	[sflag:s13] =	ssyncadd.s32 @!p0 $0xFFFFD880  }
0x38: {  	[tilespmem:s14], [sflag:$0x3] =	stream.linear.gather @!p0 [hbm4b:s15+s12], $0x2780, $0x38;
	[tilespmem:$0xE700] =	vst v63  }
0x39: {  	_ =	swait.ge @!p0 [sflag:s13], $0x2780  }
0x3a: {  	[sflag:s13] =	ssyncset.done @!p0 $0x0  }
0x3b: {  	[sflag:s13] =	ssyncadd.s32 @!p0 $0xFFFFD880  }
0x3c: {  	[spmem:s10] =	stream.linear.scatter [tilespmem:s29], [sflag:$0x3], $0x800, $0x38;
	[tilespmem:$0xE700] =	vst v63  }
0x3d: {  	_ =	swait.ge [sflag:s30], $0x800  }
0x3e: {  	[sflag:s30] =	ssyncset.done $0x0  }
0x3f: {  	s14 =	rddreg [dreg:$0xb];
	[sflag:s30] =	ssyncadd.s32 $0xFFFFF800  }
0x40: {  	[spmem:s14] =	stream.linear.scatter [tilespmem:s29], [sflag:$0x3], $0x800, $0x38;
	[tilespmem:$0xE700] =	vst v63  }
0x41: {  	_ =	swait.ge [sflag:s30], $0x800  }
0x42: {  	[sflag:s30] =	ssyncset.done $0x0  }
0x43: {  	s15 =	rddreg [dreg:$0xc];
	[sflag:s30] =	ssyncadd.s32 $0xFFFFF800  }
0x44: {  	[spmem:s15] =	stream.linear.scatter [tilespmem:s29], [sflag:$0x3], $0x800, $0x38;
	[tilespmem:$0xE700] =	vst v63  }
0x45: {  	_ =	swait.ge [sflag:s30], $0x800  }
0x46: {  	[sflag:s30] =	ssyncset.done $0x0  }
0x47: {  	s16 =	rddreg [dreg:$0x11];
	[sflag:s30] =	ssyncadd.s32 $0xFFFFF800  }
0x48: {  	[spmem:s16] =	stream.linear.scatter [tilespmem:s29], [sflag:$0x3], $0x800, $0x38;
	[tilespmem:$0xE700] =	vst v63  }
0x49: {  	_ =	swait.ge [sflag:s30], $0x800  }
0x4a: {  	[sflag:s30] =	ssyncset.done $0x0  }
0x4b: {  	[sflag:s30] =	ssyncadd.s32 $0xFFFFF800  }
0x4c: {  	[spmem:s26] =	stream.linear.scatter [tilespmem:s29], [sflag:$0x3], $0x800, $0x38;
	[tilespmem:$0xE700] =	vst v63  }
0x4d: {  	s17 =	stileid.u32;
	_ =	swait.ge [sflag:s30], $0x800  }
0x4e: {  	s12 =	sshll.u32 s17, $0x6;
	[sflag:s30] =	ssyncset.done $0x0  }
0x4f: {  	s12 =	sor.u32 $0x1C03, s12;
	s18 =	rddreg [dreg:$0x8];
	[sflag:s30] =	ssyncadd.s32 $0xFFFFF800  }
0x50: {  	[spmem:s21@s0], [sflag:s12] =	dma.strided [hbm:s18@s1], $0x500, s31, $0x2   }
0x51: {  	_ =	swait.ge [sflag:s30], $0x500  }
0x52: {  	[sflag:s30] =	ssyncset.done $0x0  }
0x53: {  	[sflag:s30] =	ssyncadd.s32 $0xFFFFFB00  }
0x54: {  	s19 =	simm.s32 $0x0;
	[bflag:$0x0] =	sbarrier.arrive $0xFFFF  }
0x55: {  	[tilespmem:s7], [sflag:$0x1] =	stream.indirect.gather [spmem:s3], $0x10, s19, s6, $0xb8;
	[tilespmem:$0xE700] =	vst v63  }
0x56: {  	_ = 	snop  }
0x57: {  	[tilespmem:s8], [sflag:$0x1] =	stream.indirect.gather [spmem:s3], $0x10, s6, s6, $0xb8;
	[tilespmem:$0xE700] =	vst v63  }
0x58: {  	s20 =	simm.s32 $0x100  }
0x59: {  	[tilespmem:s9], [sflag:$0x1] =	stream.indirect.gather [spmem:s3], $0x10, s20, s6, $0xb8;
	[tilespmem:$0xE700] =	vst v63  }
0x5a: {  	s14 =	simm.s32 $0x180  }
0x5b: {  	[tilespmem:s11], [sflag:$0x1] =	stream.indirect.gather [spmem:s3], $0x10, s14, s6, $0xb8;
	[tilespmem:$0xE700] =	vst v63  }
0x5c: {  	s15 =	simm.s32 $0x200;
	s16 =	simm.s32 $0x6F00  }
0x5d: {  	[tilespmem:s16], [sflag:$0x1] =	stream.indirect.gather [spmem:s3], $0x10, s15, s6, $0xb8;
	[tilespmem:$0xE700] =	vst v63  }
0x5e: {  	_ =	swait.ge [sflag:s31], $0x800  }
0x5f: {  	[sflag:s31] =	ssyncset.done $0x0  }
0x60: {  	s17 =	simm.s32 $0x2780;
	[sflag:s31] =	ssyncadd.s32 $0xFFFFF800  }
0x61: {  	[spmem:s2] =	stream.indirect.scatter.add.f32 [tilespmem:s7], [sflag:$0x2], $0x10, s17, s6, $0xb8;
	[tilespmem:$0xE700] =	vst v63  }
0x62: {  	s18 =	simm.s32 $0x280;
	s19 =	simm.s32 $0x7700  }
0x63: {  	[tilespmem:s19], [sflag:$0x1] =	stream.indirect.gather [spmem:s3], $0x10, s18, s6, $0xb8;
	[tilespmem:$0xE700] =	vst v63  }
0x64: {  	_ =	swait.ge [sflag:s31], $0x800  }
0x65: {  	[sflag:s31] =	ssyncset.done $0x0  }
0x66: {  	s20 =	simm.s32 $0x2800;
	[sflag:s31] =	ssyncadd.s32 $0xFFFFF800  }
0x67: {  	[spmem:s2] =	stream.indirect.scatter.add.f32 [tilespmem:s8], [sflag:$0x2], $0x10, s20, s6, $0xb8;
	[tilespmem:$0xE700] =	vst v63  }
0x68: {  	s14 =	simm.s32 $0x300;
	s15 =	simm.s32 $0x7F00  }
0x69: {  	[tilespmem:s15], [sflag:$0x1] =	stream.indirect.gather [spmem:s3], $0x10, s14, s6, $0xb8;
	[tilespmem:$0xE700] =	vst v63  }
0x6a: {  	_ =	swait.ge [sflag:s31], $0x800  }
0x6b: {  	[sflag:s31] =	ssyncset.done $0x0  }
0x6c: {  	s16 =	simm.s32 $0x2880;
	[sflag:s31] =	ssyncadd.s32 $0xFFFFF800  }
0x6d: {  	[spmem:s2] =	stream.indirect.scatter.add.f32 [tilespmem:s9], [sflag:$0x2], $0x10, s16, s6, $0xb8;
	[tilespmem:$0xE700] =	vst v63  }
0x6e: {  	p2 =	sle.u32 s5, $0x8;
	s17 =	simm.s32 $0x380;
	s18 =	simm.s32 $0x8700  }
0x6f: {  	[tilespmem:s18], [sflag:$0x1] =	stream.indirect.gather [spmem:s3], $0x10, s17, s6, $0xb8;
	[tilespmem:$0xE700] =	vst v63  }
0x70: {  	p1 =	sne.s32 s28, $0x1;
	s15 =	simm.s32 $0x10000;
	_ =	swait.ge [sflag:s31], $0x800  }
0x71: {  	s13 =	simm.s32 $0x2980;
	s15 =	sand.u32 @!p2 $0xE000, s15;
	[sflag:s31] =	ssyncset.done $0x0  }
0x72: {  	s19 =	simm.s32 $0x2900;
	s15 =	sshrl.u32 @!p2 s15, $0x2;
	[sflag:s31] =	ssyncadd.s32 $0xFFFFF800  }
0x73: {  	[spmem:s2] =	stream.indirect.scatter.add.f32 [tilespmem:s11], [sflag:$0x2], $0x10, s19, s6, $0xb8;
	[tilespmem:$0xE700] =	vst v63  }
0x74: {  	s15 =	sadd.s32 @!p2 $0x4F00, s15;
	s16 =	simm.s32 $0x400;
	_ =	swait.ge [sflag:s0], $0x800  }
0x75: {  	s17 =	simm.s32 $0x8000;
	s18 =	simm.s32 @!p2 $0x80;
	[sflag:s0] =	ssyncset.done $0x0  }
.Ltmp1:
0x76: {  	s20 =	sand.u32 $0xE000, s17;
	[sflag:s0] =	ssyncadd.s32 $0xFFFFF800;
	(pc) =	sbr.rel @!p1 .LBB2_5-.Ltmp1, $4  }
0x77: {  	[tilespmem:s15], [sflag:$0x1] =	stream.indirect.gather @!p2 [spmem:s3], $0x10, s16, s18, $0xb8;
	[tilespmem:$0xE700] =	vst v63  }
0x78: {  	s14 =	simm.s32 $0x1;
	s17 =	sshrl.u32 s20, $0x2;
	_ =	swait.ge [sflag:s31], $0x800  }
0x79: {  	s15 =	simm.s32 $0x480;
	s16 =	simm.s32 $0x12000;
	[sflag:s31] =	ssyncset.done $0x0  }
0x7a: {  	s18 =	sadd.s32 $0x4F00, s17;
	s17 =	simm.s32 $0x2A00;
	[sflag:s31] =	ssyncadd.s32 $0xFFFFF800  }
.LBB2_4:
0x7b: {  	[spmem:s2] =	stream.indirect.scatter.add.f32 [tilespmem:s18], [sflag:$0x2], $0x10, s13, s6, $0xb8;
	[tilespmem:$0xE700] =	vst v63  }
0x7c: {  	s18 =	sadd.s32 $0x8, s14;
	s14 =	sadd.s32 $0x1, s14;
	s13 =	smov.u32 s17  }
0x7d: {  	p2 =	sge.u32 s18, s5;
	p1 =	sne.s32 s28, s14  }
0x7e: {  	s19 =	sadd.s32 $0xFFFF8000, s16;
	s18 =	sand.u32 @!p2 $0xE000, s16;
	_ =	swait.ge [sflag:s0], $0x800  }
0x7f: {  	s20 =	simm.s32 @!p2 $0x80;
	s18 =	sshrl.u32 @!p2 s18, $0x2;
	[sflag:s0] =	ssyncset.done $0x0  }
.Ltmp2:
0x80: {  	s18 =	sadd.s32 @!p2 $0x4F00, s18;
	[sflag:s0] =	ssyncadd.s32 $0xFFFFF800;
	(pc) =	sbr.rel @p1 .LBB2_4-.Ltmp2, $4  }
0x81: {  	[tilespmem:s18], [sflag:$0x1] =	stream.indirect.gather @!p2 [spmem:s3], $0x10, s15, s20, $0xb8;
	[tilespmem:$0xE700] =	vst v63  }
0x82: {  	s18 =	sand.u32 $0xE000, s19;
	s15 =	sadd.s32 $0x80, s15;
	_ =	swait.ge [sflag:s31], $0x800  }
0x83: {  	s16 =	sadd.s32 $0x2000, s16;
	s18 =	sshrl.u32 s18, $0x2;
	[sflag:s31] =	ssyncset.done $0x0  }
0x84: {  	s17 =	sadd.s32 $0x80, s17;
	s18 =	sadd.s32 $0x4F00, s18;
	[sflag:s31] =	ssyncadd.s32 $0xFFFFF800  }
.LBB2_5:
0x85: {  	[spmem:s2] =	stream.indirect.scatter.add.f32 [tilespmem:s18], [sflag:$0x2], $0x10, s13, s6, $0xb8;
	[tilespmem:$0xE700] =	vst v63  }
0x86: {  	_ =	swait.ge [sflag:s0], $0x800  }
0x87: {  	[sflag:s0] =	ssyncset.done $0x0  }
0x88: {  	[sflag:s0] =	ssyncadd.s32 $0xFFFFF800  }
0x89: {  	_ =	swait.ge [sflag:s0], $0x800  }
0x8a: {  	[sflag:s0] =	ssyncset.done $0x0  }
0x8b: {  	[sflag:s0] =	ssyncadd.s32 $0xFFFFF800  }
0x8c: {  	_ =	swait.ge [sflag:s0], $0x800  }
0x8d: {  	[sflag:s0] =	ssyncset.done $0x0  }
0x8e: {  	[sflag:s0] =	ssyncadd.s32 $0xFFFFF800  }
0x8f: {  	_ =	swait.ge [sflag:s0], $0x800  }
0x90: {  	[sflag:s0] =	ssyncset.done $0x0  }
0x91: {  	[sflag:s0] =	ssyncadd.s32 $0xFFFFF800  }
0x92: {  	[bflag:$0x0] =	sbarrier.arrive $0xFFFF  }
0x93: {  	s15 =	sshrl.u32 s10, $0x3;
	s14 =	rddreg [dreg:$0x9]  }
0x94: {  	[hbm:s14@s1], [sflag:s12] =	dma.strided [spmem:s15@s0], $0x100, s31, $0x2   }
0x95: {  	_ =	swait.ge [sflag:s30], $0x100  }
0x96: {  	[sflag:s30] =	ssyncset.done $0x0  }
0x97: {  	s16 =	rddreg [dreg:$0xd];
	[sflag:s30] =	ssyncadd.s32 $0xFFFFFF00  }
0x98: {  	[hbm:s16@s1], [sflag:s12] =	dma.strided [spmem:s22@s0], $0x100, s31, $0x2   }
0x99: {  	_ =	swait.ge [sflag:s30], $0x100  }
0x9a: {  	[sflag:s30] =	ssyncset.done $0x0  }
0x9b: {  	s17 =	rddreg [dreg:$0xe];
	[sflag:s30] =	ssyncadd.s32 $0xFFFFFF00  }
0x9c: {  	[hbm:s17@s1], [sflag:s12] =	dma.strided [spmem:s23@s0], $0x100, s31, $0x2   }
0x9d: {  	_ =	swait.ge [sflag:s30], $0x100  }
0x9e: {  	[sflag:s30] =	ssyncset.done $0x0  }
0x9f: {  	s18 =	rddreg [dreg:$0xf];
	[sflag:s30] =	ssyncadd.s32 $0xFFFFFF00  }
0xa0: {  	[hbm:s18@s1], [sflag:s12] =	dma.strided [spmem:s24@s0], $0x100, s31, $0x2   }
0xa1: {  	_ =	swait.ge [sflag:s30], $0x100  }
0xa2: {  	[sflag:s30] =	ssyncset.done $0x0  }
0xa3: {  	s19 =	rddreg [dreg:$0x10];
	[sflag:s30] =	ssyncadd.s32 $0xFFFFFF00  }
0xa4: {  	[hbm:s19@s1], [sflag:s12] =	dma.strided [spmem:s25@s0], $0x100, s31, $0x2   }
0xa5: {  	_ =	swait.ge [sflag:s30], $0x100  }
0xa6: {  	s4 =	sadd.s32 $0x1, s4;
	s20 =	rddreg [dreg:$0xa]  }
0xa7: {  	p1 =	sne.s32 s4, s20  }
.Ltmp3:
0xa8: {  	_ = 	snop;
	(pc) =	sbr.rel @p1 .LBB2_1-.Ltmp3, $3  }
0xa9: {  	_ =	sdelay $0x1  }
0xaa: {  	[sflag:s30] =	ssyncset.done $0x0  }
0xab: {  	[sflag:s30] =	ssyncadd.s32 $0xFFFFFF00  }
0xac: {  	_ =	sfence.sel $0x180000  }
0xad: {  	[bflag:$0x0] =	sbarrier.arrive $0xFFFF  }
0xae: {  	_ =	strace $0x9000004D  }
0xaf: {  	s0 =	stileid.u32;
	[bflag:$0x2] =	sbarrier.arrive $0xFFFF  }
0xb0: {  	p0 =	sne.s32 s0, $0x0;
	s0 =	rddreg [dreg:$0x3]  }
0xb1: {  	s0 =	sadd.s32 @!p0 $0x100000, s0  }
0xb2: {  	[sflag:s0] =	ssyncadd.tile.s32 @!p0 $0x1;
	_ =	shalt  }
.Lfunc_end2:
_tile_overlayer_lowered:
.L_overlay_start_2:
0xb3: {  	(tag) =	ssettag $0x2  }
0xb4: {  	s0 =	rddreg [dreg:$0x0];
	s2 =	stileid.u32  }
0xb5: {  	s1 =	rddreg [dreg:$0x1];
	p0 =	sne.s32 s2, $0x0  }
0xb6: {  	s3 =	rddreg [dreg:$0x2];
	[bflag:$0x3] =	sbarrier.arrive $0xFFFF;
	s2 =	simm.s32 @!p0 $0x1C03  }
0xb7: {  	[timem:s3], [sflag:s2] =	dma.local @!p0 [hbm:s0], s1  }
0xb8: {  	s0 =	simm.s32 @!p0 $0x3  }
0xb9: {  	_ =	swait.ge @!p0 [sflag:s0], s1  }
0xba: {  	s1 =	ssub.s32 @!p0 $0x0, s1;
	[sflag:s0] =	ssyncset.done @!p0 $0x0  }
0xbb: {  	[sflag:s0] =	ssyncadd.s32 @!p0 s1  }
0xbc: {  	[bflag:$0x3] =	sbarrier.arrive $0xFFFF  }
0xbd: {  	_ =	shalt  }

// kernel: kernel.8.cloned.1.call-start
scs
__scs_entry_jumppad:
0x0: {  	(pc) =	sbr.rel $0x88, $3  }
0x1: {  	(tag) =	ssettag $0x0;
	lr =	simm.s32 $0x1  }
0x2: {  	[smem:$0x3F9B] =	sst lr;
	_ =	strace $0xD0000000  }
0x3: {  	_ = 	snop  }
0x4: {  	_ = 	snop  }
0x5: {  	_ = 	snop  }
0x6: {  	_ = 	snop  }
0x7: {  	_ = 	snop  }
__scs_overlays_trampoline_lowered:
0x8: {  	[smem:$0x3FAA] =	sst s0  }
0x9: {  	[smem:$0x3FAB] =	sst s1  }
0xa: {  	[smem:$0x3FAC] =	sst s2  }
0xb: {  	[smem:$0x3FAD] =	sst s3  }
0xc: {  	[smem:$0x3FAE] =	sst s4  }
0xd: {  	[smem:$0x3FAF] =	sst s5  }
0xe: {  	[smem:$0x3FB0] =	sst s6  }
0xf: {  	[smem:$0x3FB1] =	sst s7  }
0x10: {  	[smem:$0x3FB2] =	sst s8  }
0x11: {  	[smem:$0x3FB3] =	sst s9;
	s0 =	simm.s32 @!p0 $0x0  }
0x12: {  	s1 =	sld [smem:$0x3F99];
	s0 =	simm.s32 @p0 $0x1  }
0x13: {  	[smem:$0x3FB4] =	sst s0;
	s0 =	simm.s32 @!p1 $0x0  }
0x14: {  	s2 =	sld [smem:$0x3F98];
	s0 =	simm.s32 @p1 $0x1  }
0x15: {  	[smem:$0x3FB5] =	sst s0;
	s0 =	simm.s32 @!p2 $0x0  }
0x16: {  	s3 =	sld [smem:$0x3FDB];
	s0 =	simm.s32 @p2 $0x1  }
0x17: {  	s4 =	simm.s32 $0x1BF5;
	[smem:$0x3FB7] =	sst s0  }
0x18: {  	s0 =	sld [smem:$0x3F9A];
	_ =	swait.ge [sflag:s4], $0x0  }
0x19: {  	s7 =	sld [smem:$0x3F9B]  }
0x1a: {  	s8 =	sadd.s32 $0xFFFFE003, lr  }
0x1b: {  	s9 =	sadd.s32 $0xFFFFFEF7, lr;
	s5 =	simm.s32 $0xFFFFFFFF;
	p2 =	slt.u32 s8, $0xFFFFF086  }
0x1c: {  	p1 =	slt.u32 s9, $0xF7A;
	s5 =	simm.s32 @!p2 $0x0  }
0x1d: {  	s5 =	simm.s32 @p1 $0x1;
	p0 =	seq.s32 s7, s2  }
0x1e: {  	s7 =	smul.u32 @!p0 $0xF7A, s2;
	p2 =	seq.s32 @!p0 s5, $0x0  }
0x1f: {  	s9 =	smul.u32 $0xF7A, s1;
	s8 =	simm.s32 @!p0 $0x1BF5;
	p2 =	por !p2, p0  }
0x20: {  	[sflag:s8] =	ssyncset.s32 @!p0 $0xFFFFF086;
	s6 =	sadd.s32 @!p0 s3, s7;
	s7 =	simm.s32 @!p0 $0x108  }
0x21: {  	s3 =	sadd.s32 s3, s9;
	s6 =	sadd.s32 @!p0 $0x88, s6;
	s7 =	simm.s32 @p2 $0x1082  }
0x22: {  	[simem:s7], [sflag:s8] =	dma.local @!p0 [hbm:s6], $0xF7A  }
0x23: {  	s9 =	sor.u32 $0xD0000000, s2;
	s6 =	simm.s32 $0x108;
	_ =	swait.ge @!p0 [sflag:s8], $0x0  }
0x24: {  	s3 =	sadd.s32 $0x88, s3;
	s6 =	simm.s32 @!p1 $0x1082;
	[sflag:s4] =	ssyncset.s32 $0xFFFFF086  }
0x25: {  	[simem:s6], [sflag:s4] =	dma.local [hbm:s3], $0xF7A  }
0x26: {  	[smem:$0x3F9B] =	sst s1;
	(tag) =	ssettag s2;
	_ =	strace s9  }
0x27: {  	s1 =	sld [smem:$0x3FAB]  }
0x28: {  	s2 =	sld [smem:$0x3FAC]  }
0x29: {  	s4 =	sld [smem:$0x3FAE]  }
0x2a: {  	p0 =	seq.s32 s5, $0x0;
	s5 =	sld [smem:$0x3FAF]  }
0x2b: {  	s6 =	sld [smem:$0x3FB0]  }
0x2c: {  	s7 =	sld [smem:$0x3FB1]  }
0x2d: {  	s3 =	simm.s32 $0x108;
	s8 =	sld [smem:$0x3FB2]  }
0x2e: {  	s3 =	simm.s32 @!p0 $0x1082;
	s9 =	sld [smem:$0x3FB3]  }
0x2f: {  	lr =	sadd.s32 s0, s3;
	s0 =	sld [smem:$0x3FAA]  }
0x30: {  	s3 =	sld [smem:$0x3FAD]  }
0x31: {  	[smem:$0x3FB6] =	sst s10  }
0x32: {  	s10 =	sld [smem:$0x3FB4];
	_ =	sdelay $0x3  }
0x33: {  	p0 =	seq.s32 s10, $0x1;
	s10 =	sld [smem:$0x3FB6];
	_ =	sdelay $0x3  }
0x34: {  	[smem:$0x3FB6] =	sst s10  }
0x35: {  	s10 =	sld [smem:$0x3FB5];
	_ =	sdelay $0x3  }
0x36: {  	p1 =	seq.s32 s10, $0x1;
	s10 =	sld [smem:$0x3FB6];
	_ =	sdelay $0x3  }
0x37: {  	[smem:$0x3FB6] =	sst s10  }
0x38: {  	s10 =	sld [smem:$0x3FB7]  }
0x39: {  	_ = 	snop;
	(pc) =	sbr.ind lr, $3  }
0x3a: {  	_ = 	snop  }
0x3b: {  	_ = 	snop  }
0x3c: {  	p2 =	seq.s32 s10, $0x1;
	s10 =	sld [smem:$0x3FB6]  }
0x3d: {  	_ =	shalt  }
0x3e: {  	_ =	shalt  }
0x3f: {  	_ =	shalt  }
0x40: {  	_ =	shalt  }
0x41: {  	_ =	shalt  }
0x42: {  	_ =	shalt  }
0x43: {  	_ =	shalt  }
0x44: {  	_ =	shalt  }
0x45: {  	_ =	shalt  }
0x46: {  	_ =	shalt  }
0x47: {  	_ =	shalt  }
0x48: {  	_ =	shalt  }
0x49: {  	_ =	shalt  }
0x4a: {  	_ =	shalt  }
0x4b: {  	_ =	shalt  }
0x4c: {  	_ =	shalt  }
0x4d: {  	_ =	shalt  }
0x4e: {  	_ =	shalt  }
0x4f: {  	_ =	shalt  }
0x50: {  	_ =	shalt  }
0x51: {  	_ =	shalt  }
0x52: {  	_ =	shalt  }
0x53: {  	_ =	shalt  }
0x54: {  	_ =	shalt  }
0x55: {  	_ =	shalt  }
0x56: {  	_ =	shalt  }
0x57: {  	_ =	shalt  }
0x58: {  	_ =	shalt  }
0x59: {  	_ =	shalt  }
0x5a: {  	_ =	shalt  }
0x5b: {  	_ =	shalt  }
0x5c: {  	_ =	shalt  }
0x5d: {  	_ =	shalt  }
0x5e: {  	_ =	shalt  }
0x5f: {  	_ =	shalt  }
0x60: {  	_ =	shalt  }
0x61: {  	_ =	shalt  }
0x62: {  	_ =	shalt  }
0x63: {  	_ =	shalt  }
0x64: {  	_ =	shalt  }
0x65: {  	_ =	shalt  }
0x66: {  	_ =	shalt  }
0x67: {  	_ =	shalt  }
0x68: {  	_ =	shalt  }
0x69: {  	_ =	shalt  }
0x6a: {  	_ =	shalt  }
0x6b: {  	_ =	shalt  }
0x6c: {  	_ =	shalt  }
0x6d: {  	_ =	shalt  }
0x6e: {  	_ =	shalt  }
0x6f: {  	_ =	shalt  }
0x70: {  	_ =	shalt  }
0x71: {  	_ =	shalt  }
0x72: {  	_ =	shalt  }
0x73: {  	_ =	shalt  }
0x74: {  	_ =	shalt  }
0x75: {  	_ =	shalt  }
0x76: {  	_ =	shalt  }
0x77: {  	_ =	shalt  }
0x78: {  	_ =	shalt  }
0x79: {  	_ =	shalt  }
0x7a: {  	_ =	shalt  }
0x7b: {  	_ =	shalt  }
0x7c: {  	_ =	shalt  }
0x7d: {  	_ =	shalt  }
0x7e: {  	_ =	shalt  }
0x7f: {  	_ =	shalt  }
0x80: {  	_ =	shalt  }
0x81: {  	_ =	shalt  }
0x82: {  	_ =	shalt  }
0x83: {  	_ =	shalt  }
0x84: {  	_ =	shalt  }
0x85: {  	_ =	shalt  }
0x86: {  	_ =	shalt  }
0x87: {  	_ =	shalt  }
.Lfunc_end0:
.L_simem_size_0:
called_computation_lowered:
.L_overlay_start_0:
0x88: {  	s2 =	sld [smem:$0x3FD9]  }
0x89: {  	s3 =	sld [smem:$0x3FFE];
	_ =	sdelay $0x1  }
0x8a: {  	s1 =	srdreg.scid  }
0x8b: {  	s0 =	sand.u32 $0x1, s1  }
0x8c: {  	s16 =	sshll.u32 s0, $0xA;
	s2 =	sadd.s32 s3, s2  }
0x8d: {  	s2 =	sadd.s32 s2, s16  }
0x8e: {  	[smem:$0x3FC2] =	sst s2  }
0x8f: {  	_ = 	snop  }
0x90: {  	(tm) =	ssettm $0x1  }
0x91: {  	s17 =	sld [smem:$0x3FFB];
	_ =	sdelay $0x3  }
0x92: {  	_ =	strace s17  }
0x93: {  	s2 =	sld [smem:$0x3FFC];
	_ =	sdelay $0x3  }
0x94: {  	_ =	strace s2  }
0x95: {  	s2 =	sld [smem:$0x3FFD];
	_ =	sdelay $0x3  }
0x96: {  	_ =	strace s2  }
0x97: {  	_ =	strace $0x8FFFFFFF  }
0x98: {  	s18 =	sld [smem:$0x3FDB];
	_ =	sdelay $0x1  }
0x99: {  	s19 =	simm.s32 $_scs_section_size  }
0x9a: {  	s4 =	simm.s32 $_size__tile_overlayer_lowered;
	s5 =	simm.s32 $_tile_overlayer_lowered  }
0x9b: {  	s22 =	simm.s32 $0x1BFF;
	s21 =	sshll.u32 s5, $0x1;
	s2 =	sadd.s32 s19, s18  }
0x9c: {  	s6 =	simm.s32 $0x0;
	s20 =	sshll.u32 s4, $0x1;
	s4 =	sadd.s32 s21, s2  }
0x9d: {  	[timem:s6], [sflag:s22] =	dma.local [hbm:s4], s20  }
0x9e: {  	_ =	swait.ge [sflag:s22], s20  }
0x9f: {  	s3 =	ssub.s32 $0x0, s20;
	[sflag:s22] =	ssyncset.done $0x0  }
0xa0: {  	[sflag:s22] =	ssyncadd.s32 s3;
	_ =	sdelay $0x1  }
0xa1: {  	s23 =	simm.s32 $0x1B8B  }
0xa2: {  	_ =	swait.ge [sflag:s23], $0x1  }
0xa3: {  	[sflag:s23] =	ssyncset.done $0x0  }
0xa4: {  	s25 =	simm.s32 $0x1B8E;
	s24 =	sld [smem:$0x3FFE];
	[sflag:s23] =	ssyncadd.s32 $0xFFFFFFFF  }
0xa5: {  	s26 =	simm.s32 $execute0_lowered;
	[smem:$0x3FD2] =	sst s25  }
0xa6: {  	s4 =	sshll.u32 s26, $0x1;
	_ =	strace $0x80000046;
	[dreg:$0x1] =	wrdreg $0xFFFFFFFF  }
0xa7: {  	s28 =	simm.s32 $_size_execute0_lowered;
	s2 =	sadd.s32 s2, s4;
	[dreg:$0x0] =	wrdreg $0x0  }
0xa8: {  	s4 =	sshll.u32 s28, $0x1;
	[dreg:$0x2] =	wrdreg s2  }
0xa9: {  	[dreg:$0x3] =	wrdreg s4  }
0xaa: {  	[dreg:$0x4] =	wrdreg $0xC0  }
0xab: {  	_ =	task [dreg:s6], $0x5FFFF  }
0xac: {  	[dreg:$0x1] =	wrdreg $0xFFFFFFFF  }
0xad: {  	[dreg:$0x0] =	wrdreg $0x60  }
0xae: {  	[dreg:$0x2] =	wrdreg s24  }
0xaf: {  	[dreg:$0x3] =	wrdreg $0x2A800  }
0xb0: {  	[dreg:$0x4] =	wrdreg $0x9  }
0xb1: {  	_ =	task.clear_ibuf [dreg:s6], $0x5FFFF;
	_ =	strace $0x90000046  }
0xb2: {  	s29 =	simm.s32 $0x9;
	_ =	strace $0x80000048  }
0xb3: {  	_ =	swait.ge [sflag:s29], $0x1  }
0xb4: {  	[sflag:s29] =	ssyncadd.s32 $0xFFFFFFFF  }
0xb5: {  	_ =	strace $0x90000048  }
0xb6: {  	_ =	sfence  }
0xb7: {  	s30 =	sld [smem:$0x0];
	_ =	sdelay $0x2  }
0xb8: {  	s31 =	sshll.u32 s1, $0xD;
	s1 =	sshrl.u32 s1, $0x2  }
0xb9: {  	s3 =	sand.u32 $0x4000, s31;
	s1 =	sadd.s32 s1, s30  }
0xba: {  	s0 =	sor.u32 s3, s0;
	s1 =	sshll.u32 s1, $0x11  }
0xbb: {  	s0 =	sor.u32 s1, s0  }
0xbc: {  	s0 =	sadd.s32 $0x8F2B, s0  }
0xbd: {  	[sflag:s0] =	ssyncadd.remote.s32 $0x1  }
0xbe: {  	_ =	sfence.sel $0xFFFF  }
0xbf: {  	[dreg:$0x0] =	wrdreg $0xFFFFFFFF;
	(pc) =	sbr.abs _section_cstart, $3  }
0xc0: {  	[dreg:$0x1] =	wrdreg $0xFFFFFFFF  }
0xc1: {  	_ =	task.clear_ibuf [dreg:s6], $0x2FFFF;
	_ =	strace $0x9FFFFFFF  }
0xc2: {  	(tm) =	ssettm $0x7FFFFFFF  }
0xc3: {  	_ =	shalt  }
tec
execute0_lowered:
.L_overlay_start_1:
0x0: {  	(tag) =	ssettag $0x1  }
0x1: {  	s1 =	srdreg.scid;
	s7 =	rddreg [dreg:$0x0]  }
0x2: {  	s0 =	stileid.u32;
	s2 =	rddreg [dreg:$0x1]  }
0x3: {  	s3 =	simm.s32 $0x0;
	s12 =	simm.s32 $0x80;
	s13 =	simm.s32 $0x2780  }
0x4: {  	s14 =	simm.s32 $0x1;
	s4 =	sand.u32 $0x1, s1;
	s1 =	rddreg [dreg:$0x2]  }
0x5: {  	s5 =	smul.u32 $0x280, s0;
	s6 =	sshll.u32 s0, $0x1;
	[smem:$0x7FF] =	sst s3  }
0x6: {  	s15 =	sshll.u32 s0, $0x6;
	s8 =	smul.u32 $0x2800, s4;
	s6 =	sor.u32 s4, s6  }
0x7: {  	_ =	strace $0x80000047;
	s10 =	ssub.s32 $0x2, s4;
	s4 =	simm.s32 $0x33  }
0x8: {  	s15 =	sor.u32 $0x1C02, s15;
	s9 =	smul.u32 $0x4F0, s6;
	s11 =	sshrl.u32 s10, $0x1  }
0x9: {  	p0 =	seq.s32 s6, $0x1F;
	s8 =	sadd.s32 s5, s8;
	s10 =	ssub.s32 s10, s11  }
0xa: {  	s5 =	sadd.s32 s5, s2;
	s4 =	simm.s32 @!p0 $0x4F;
	s11 =	simm.s32 $0x2  }
0xb: {  	s8 =	sshrl.u32 s8, $0x3;
	s9 =	sadd.s32 s9, s7;
	s16 =	sshrl.u32 s5, $0x3  }
0xc: {  	s8 =	sadd.s32 s8, s7;
	s6 =	sadd.s32 $0xCA00, s9;
	s7 =	sadd.s32 $0x16310, s7  }
0xd: {  	v0 =	vimm.f32 $1.000000000e+00;
	v1 =	vimm.f32 $0.0e+00;
	s9 =	smax.u32 s10, $0x1;
	s10 =	simm.s32 $0x2800;
	s8 =	sadd.s32 $0x16800, s8  }
.LBB2_1:
0xe: {  	[tilespmem:$0x2780] =	vst v0  }
0xf: {  	[tilespmem:$0x2790] =	vst v0  }
0x10: {  	[tilespmem:$0x27A0] =	vst v0  }
0x11: {  	[tilespmem:$0x27B0] =	vst v0  }
0x12: {  	[tilespmem:$0x27C0] =	vst v0  }
0x13: {  	[tilespmem:$0x27D0] =	vst v0  }
0x14: {  	[tilespmem:$0x27E0] =	vst v0  }
0x15: {  	[tilespmem:$0x27F0] =	vst v0  }
0x16: {  	[tilespmem:$0x2800] =	vst v1  }
0x17: {  	[tilespmem:$0x2810] =	vst v1  }
0x18: {  	[tilespmem:$0x2820] =	vst v1  }
0x19: {  	[tilespmem:$0x2830] =	vst v1  }
0x1a: {  	[tilespmem:$0x2840] =	vst v1  }
0x1b: {  	[tilespmem:$0x2850] =	vst v1  }
0x1c: {  	[tilespmem:$0x2860] =	vst v1  }
0x1d: {  	[tilespmem:$0x2870] =	vst v1  }
0x1e: {  	[tilespmem:$0x2880] =	vst v1  }
0x1f: {  	[tilespmem:$0x2890] =	vst v1  }
0x20: {  	[tilespmem:$0x28A0] =	vst v1  }
0x21: {  	[tilespmem:$0x28B0] =	vst v1  }
0x22: {  	[tilespmem:$0x28C0] =	vst v1  }
0x23: {  	[tilespmem:$0x28D0] =	vst v1  }
0x24: {  	[tilespmem:$0x28E0] =	vst v1  }
0x25: {  	[tilespmem:$0x28F0] =	vst v1  }
0x26: {  	[tilespmem:$0x2900] =	vst v1  }
0x27: {  	[tilespmem:$0x2910] =	vst v1  }
0x28: {  	[tilespmem:$0x2920] =	vst v1  }
0x29: {  	[tilespmem:$0x2930] =	vst v1  }
0x2a: {  	[tilespmem:$0x2940] =	vst v1  }
0x2b: {  	[tilespmem:$0x2950] =	vst v1  }
0x2c: {  	[tilespmem:$0x2960] =	vst v1  }
0x2d: {  	[tilespmem:$0x2970] =	vst v1  }
0x2e: {  	[tilespmem:$0x2980] =	vst v1  }
0x2f: {  	[tilespmem:$0x2990] =	vst v1  }
0x30: {  	[tilespmem:$0x29A0] =	vst v1  }
0x31: {  	[tilespmem:$0x29B0] =	vst v1  }
0x32: {  	[tilespmem:$0x29C0] =	vst v1  }
0x33: {  	[tilespmem:$0x29D0] =	vst v1  }
0x34: {  	[tilespmem:$0x29E0] =	vst v1  }
0x35: {  	[tilespmem:$0x29F0] =	vst v1  }
0x36: {  	[tilespmem:$0x2A00] =	vst v1  }
0x37: {  	[tilespmem:$0x2A10] =	vst v1  }
0x38: {  	[tilespmem:$0x2A20] =	vst v1  }
0x39: {  	[tilespmem:$0x2A30] =	vst v1  }
0x3a: {  	[tilespmem:$0x2A40] =	vst v1  }
0x3b: {  	[tilespmem:$0x2A50] =	vst v1  }
0x3c: {  	[tilespmem:$0x2A60] =	vst v1  }
0x3d: {  	[tilespmem:$0x2A70] =	vst v1  }
0x3e: {  	[spmem:s5] =	stream.linear.scatter [tilespmem:s10], [sflag:$0x2], $0x280, $0x38;
	[tilespmem:$0x2D00] =	vst v63  }
0x3f: {  	_ =	swait.ge [sflag:s11], $0x280  }
0x40: {  	[sflag:s11] =	ssyncset.done $0x0  }
0x41: {  	[sflag:s11] =	ssyncadd.s32 $0xFFFFFD80  }
0x42: {  	s17 =	simm.s32 @p0 $0x0;
	[bflag:$0x0] =	sbarrier.arrive $0xFFFF  }
0x43: {  	[tilespmem:s17], [sflag:$0x2] =	stream.linear.gather @p0 [hbm4b:s7+s17], $0x1980, $0x38;
	[tilespmem:$0x2D00] =	vst v63  }
0x44: {  	s17 =	simm.s32 @p0 $0x2  }
0x45: {  	_ =	swait.ge @p0 [sflag:s17], $0x1980  }
0x46: {  	[sflag:s17] =	ssyncset.done @p0 $0x0  }
0x47: {  	[sflag:s17] =	ssyncadd.s32 @p0 $0xFFFFE680;
	s17 =	simm.s32 @!p0 $0x0  }
0x48: {  	[tilespmem:s17], [sflag:$0x2] =	stream.linear.gather @!p0 [hbm4b:s6+s17], $0x2780, $0x38;
	[tilespmem:$0x2D00] =	vst v63  }
0x49: {  	s17 =	simm.s32 @!p0 $0x2  }
0x4a: {  	p2 =	sne.s32 s4, $0x1;
	_ =	swait.ge @!p0 [sflag:s17], $0x2780  }
.Ltmp0:
0x4b: {  	p1 =	por $0x1, $0x1;
	[sflag:s17] =	ssyncset.done @!p0 $0x0;
	(pc) =	sbr.rel @!p2 .LBB2_3-.Ltmp0, $4  }
0x4c: {  	s18 =	simm.s32 @!p1 $0x1;
	[sflag:s17] =	ssyncadd.s32 @!p0 $0xFFFFD880  }
0x4d: {  	_ =	swait.ge @!p1 [sflag:s18], $0x80  }
0x4e: {  	s19 =	simm.s32 $0x0;
	[sflag:s18] =	ssyncset.done @!p1 $0x0  }
0x4f: {  	s17 =	simm.s32 $0x1;
	[sflag:s18] =	ssyncadd.s32 @!p1 $0xFFFFFF80;
	s18 =	simm.s32 $0x80  }
.LBB2_2:
0x50: {  	[spmem:s2] =	stream.indirect.scatter.add.f32 [tilespmem:s13], [sflag:$0x1], $0x1, s19, s12, $0xb8;
	[tilespmem:$0x2D00] =	vst v63  }
0x51: {  	p1 =	slt.u32 s17, $0x8;
	s17 =	sadd.s32 $0x1, s17  }
0x52: {  	p2 =	sne.s32 s4, s17  }
.Ltmp1:
0x53: {  	(pc) =	sbr.rel @p2 .LBB2_2-.Ltmp1, $4  }
0x54: {  	s19 =	smov.u32 s18;
	s20 =	simm.s32 @!p1 $0x1  }
0x55: {  	_ =	swait.ge @!p1 [sflag:s20], $0x80  }
0x56: {  	[sflag:s20] =	ssyncset.done @!p1 $0x0  }
0x57: {  	s18 =	sadd.s32 $0x80, s18;
	[sflag:s20] =	ssyncadd.s32 @!p1 $0xFFFFFF80  }
.LBB2_3:
0x58: {  	[spmem:s2] =	stream.indirect.scatter.add.f32 [tilespmem:s13], [sflag:$0x1], $0x1, s19, s12, $0xb8;
	[tilespmem:$0x2D00] =	vst v63  }
0x59: {  	_ =	swait.ge [sflag:s14], $0x80  }
0x5a: {  	[sflag:s14] =	ssyncset.done $0x0  }
0x5b: {  	[sflag:s14] =	ssyncadd.s32 $0xFFFFFF80  }
0x5c: {  	_ =	swait.ge [sflag:s14], $0x80  }
0x5d: {  	[sflag:s14] =	ssyncset.done $0x0  }
0x5e: {  	[sflag:s14] =	ssyncadd.s32 $0xFFFFFF80  }
0x5f: {  	_ =	swait.ge [sflag:s14], $0x80  }
0x60: {  	[sflag:s14] =	ssyncset.done $0x0  }
0x61: {  	[sflag:s14] =	ssyncadd.s32 $0xFFFFFF80  }
0x62: {  	_ =	swait.ge [sflag:s14], $0x80  }
0x63: {  	[sflag:s14] =	ssyncset.done $0x0  }
0x64: {  	[sflag:s14] =	ssyncadd.s32 $0xFFFFFF80  }
0x65: {  	_ =	swait.ge [sflag:s14], $0x80  }
0x66: {  	[sflag:s14] =	ssyncset.done $0x0  }
0x67: {  	[sflag:s14] =	ssyncadd.s32 $0xFFFFFF80  }
0x68: {  	_ =	swait.ge [sflag:s14], $0x80  }
0x69: {  	[sflag:s14] =	ssyncset.done $0x0  }
0x6a: {  	[sflag:s14] =	ssyncadd.s32 $0xFFFFFF80  }
0x6b: {  	_ =	swait.ge [sflag:s14], $0x80  }
0x6c: {  	[sflag:s14] =	ssyncset.done $0x0  }
0x6d: {  	[sflag:s14] =	ssyncadd.s32 $0xFFFFFF80  }
0x6e: {  	_ =	swait.ge [sflag:s14], $0x80  }
0x6f: {  	s3 =	sadd.s32 $0x1, s3;
	[sflag:s14] =	ssyncset.done $0x0  }
0x70: {  	p1 =	sne.s32 s3, s9;
	[sflag:s14] =	ssyncadd.s32 $0xFFFFFF80  }
.Ltmp2:
0x71: {  	[bflag:$0x0] =	sbarrier.arrive $0xFFFF;
	(pc) =	sbr.rel @p1 .LBB2_1-.Ltmp2, $4  }
0x72: {  	[hbm:s8], [sflag:s15] =	dma.local [spmem:s16], $0x50  }
0x73: {  	_ =	swait.ge [sflag:s11], $0x50  }
0x74: {  	[sflag:s11] =	ssyncset.done $0x0  }
0x75: {  	[sflag:s11] =	ssyncadd.s32 $0xFFFFFFB0  }
0x76: {  	_ =	sfence.sel $0x180000  }
0x77: {  	[bflag:$0x0] =	sbarrier.arrive $0xFFFF  }
0x78: {  	p0 =	sne.s32 s0, $0x0;
	_ =	strace $0x90000047  }
0x79: {  	s0 =	sadd.s32 @!p0 $0x100000, s1;
	[bflag:$0x2] =	sbarrier.arrive $0xFFFF  }
0x7a: {  	[sflag:s0] =	ssyncadd.tile.s32 @!p0 $0x1;
	_ =	shalt  }
.Lfunc_end2:
_tile_overlayer_lowered:
.L_overlay_start_2:
0x7b: {  	(tag) =	ssettag $0x2  }
0x7c: {  	s0 =	rddreg [dreg:$0x0];
	s2 =	stileid.u32  }
0x7d: {  	s1 =	rddreg [dreg:$0x1];
	p0 =	sne.s32 s2, $0x0  }
0x7e: {  	s3 =	rddreg [dreg:$0x2];
	[bflag:$0x3] =	sbarrier.arrive $0xFFFF;
	s2 =	simm.s32 @!p0 $0x1C02  }
0x7f: {  	[timem:s3], [sflag:s2] =	dma.local @!p0 [hbm:s0], s1  }
0x80: {  	s0 =	simm.s32 @!p0 $0x2  }
0x81: {  	_ =	swait.ge @!p0 [sflag:s0], s1  }
0x82: {  	s1 =	ssub.s32 @!p0 $0x0, s1;
	[sflag:s0] =	ssyncset.done @!p0 $0x0  }
0x83: {  	[sflag:s0] =	ssyncadd.s32 @!p0 s1  }
0x84: {  	[bflag:$0x3] =	sbarrier.arrive $0xFFFF  }
0x85: {  	_ =	shalt  }

</sc_bundles>
